<compile_context>
chip_gen: v7x
topology: tpu7x:2x2x1
jax: 0.10.2.dev20260603
libtpu: 0.0.44.dev20260713+nightly
codegen_flags: <defaults>
</compile_context>

<pallas_src>
import functools

import jax
import jax.numpy as jnp
from jax import lax
from jax.experimental import pallas as pl
from jax.experimental.pallas import tpu as pltpu
from jax.experimental.pallas import tpu_sc as plsc

N = 10000
E = 320000
D = 128
G = 16
NP = 10240
NW = 32
W = 128
NWIN = 80
EPW = NWIN * W
EP = NW * EPW
RPT = NP // 16
R = 1024
GRID = NP // R



def _seg_body(with_cnt, *refs):
    if with_cnt:
        (z_hbm, eidx, zrows_hbm, zcnt_hbm,
         s_out, cnt_out,
         acc_sh, cnt_sh, ones_v, cbuf,
         rows0, rows1, idxb0, idxb1, sem0, sem1) = refs
    else:
        (z_hbm, eidx, zrows_hbm,
         s_out,
         acc_sh, rows0, rows1, idxb0, idxb1, sem0, sem1) = refs
    rows = (rows0, rows1)
    idxb = (idxb0, idxb1)
    sem = (sem0, sem1)

    cid = lax.axis_index("c")
    sid = lax.axis_index("s")
    wid = sid * 2 + cid
    row0 = sid * RPT

    pltpu.sync_copy(zrows_hbm, rows[0])
    def zero_body(c, carry):
        pltpu.sync_copy(rows[0], acc_sh.at[pl.ds(row0 + c * W, W)])
        return carry
    lax.fori_loop(0, RPT // W, zero_body, 0)
    if with_cnt:
        pltpu.sync_copy(zcnt_hbm, cbuf)
        pltpu.sync_copy(cbuf, cnt_sh.at[pl.ds(row0, RPT)])
        for c in range(W // 16):
            ones_v[pl.ds(c * 16, 16)] = jnp.ones((16,), jnp.float32)
    pltpu.sync_copy(eidx.at[wid, 0], idxb[0])
    pltpu.async_copy(z_hbm.at[idxb[0].at[0]], rows[0], sem[0])
    plsc.subcore_barrier()

    def group_body(g, carry):
        for b in range(2):
            w = g * 2 + b
            o = 1 - b
            pltpu.sync_copy(eidx.at[wid, w + 1], idxb[o])
            pltpu.make_async_copy(
                z_hbm.at[pl.ds(0, W)], rows[b], sem[b]).wait()
            pltpu.async_copy(z_hbm.at[idxb[o].at[0]], rows[o], sem[o])
            pltpu.sync_copy(rows[b], acc_sh.at[idxb[b].at[1]], add=True)
            if with_cnt:
                pltpu.sync_copy(ones_v, cnt_sh.at[idxb[b].at[1]], add=True)
        return carry
    lax.fori_loop(0, NWIN // 2, group_body, 0)
    pltpu.make_async_copy(
        z_hbm.at[pl.ds(0, W)], rows[NWIN % 2], sem[NWIN % 2]).wait()
    plsc.subcore_barrier()

    def out_body(c, carry):
        r0 = row0 + c * W
        pltpu.sync_copy(acc_sh.at[pl.ds(r0, W)], rows[0])
        pltpu.sync_copy(rows[0], s_out.at[cid, pl.ds(r0, W)])
        return carry
    lax.fori_loop(0, RPT // W, out_body, 0)
    if with_cnt:
        pltpu.sync_copy(cnt_sh.at[pl.ds(row0, RPT)], cbuf)
        pltpu.sync_copy(cbuf, cnt_out.at[cid, pl.ds(row0, RPT)])


@functools.lru_cache(maxsize=None)
def _make_seg_kernel(with_cnt):
    mesh = plsc.VectorSubcoreMesh(core_axis_name="c", subcore_axis_name="s")
    out_type = [jax.ShapeDtypeStruct((2, NP, D), jnp.float32)]
    scratch = [
        pltpu.VMEM_SHARED((NP, D), jnp.float32),
    ]
    if with_cnt:
        out_type.append(jax.ShapeDtypeStruct((2, NP), jnp.float32))
        scratch.append(pltpu.VMEM_SHARED((NP,), jnp.float32))
        scratch += [
            pltpu.VMEM((W,), jnp.float32),
            pltpu.VMEM((RPT,), jnp.float32),
        ]
    scratch += [
        pltpu.VMEM((W, D), jnp.float32),
        pltpu.VMEM((W, D), jnp.float32),
        pltpu.VMEM((2, W), jnp.int32),
        pltpu.VMEM((2, W), jnp.int32),
        pltpu.SemaphoreType.DMA,
        pltpu.SemaphoreType.DMA,
    ]
    return pl.kernel(
        functools.partial(_seg_body, with_cnt),
        out_type=out_type,
        mesh=mesh,
        scratch_types=scratch,
    )



def _dotT(a, w):
    return lax.dot_general(a, w, (((1,), (1,)), ((), ())),
                           preferred_element_type=jnp.float32)


def _lin_first_body(x_ref, wl_ref, wr_ref, b_ref, z_ref, r_ref):
    x = x_ref[...]
    z_ref[...] = _dotT(x, wl_ref[...])
    r_ref[...] = _dotT(x, wr_ref[...]) + b_ref[...]


def _lin_mid_body(s_ref, cnt_ref, rp_ref, wl_ref, wr_ref, b_ref, z_ref, r_ref):
    inv = 1.0 / jnp.maximum(cnt_ref[0] + cnt_ref[1], 1.0)
    h = jnp.maximum((s_ref[0] + s_ref[1]) * inv + rp_ref[...], 0.0)
    z_ref[...] = _dotT(h, wl_ref[...])
    r_ref[...] = _dotT(h, wr_ref[...]) + b_ref[...]


def _final_body(s_ref, cnt_ref, rp_ref, batch_ref, wc_ref, bc_ref,
                out_ref, gs_acc, gc_acc):
    i = pl.program_id(0)
    inv = 1.0 / jnp.maximum(cnt_ref[0] + cnt_ref[1], 1.0)
    h = jnp.maximum((s_ref[0] + s_ref[1]) * inv + rp_ref[...], 0.0)
    brow = batch_ref[...].reshape(1, R)
    cls = lax.broadcasted_iota(jnp.int32, (G, 1), 0)
    oht = (brow == cls).astype(jnp.float32)

    @pl.when(i == 0)
    def _():
        gs_acc[...] = jnp.zeros_like(gs_acc)
        gc_acc[...] = jnp.zeros_like(gc_acc)

    gs_acc[...] += lax.dot_general(oht, h, (((1,), (0,)), ((), ())),
                                   preferred_element_type=jnp.float32)
    gc_acc[...] += jnp.sum(oht, axis=1, keepdims=True)

    @pl.when(i == GRID - 1)
    def _():
        pooled = gs_acc[...] / jnp.maximum(gc_acc[...], 1.0)
        prod = pooled * wc_ref[...]
        logit = jnp.sum(prod, axis=1, keepdims=True) + bc_ref[0, 0]
        out_ref[...] = jax.nn.sigmoid(logit)


def _full(shape):
    return pl.BlockSpec(shape, lambda i: (0,) * len(shape))


_row_spec = pl.BlockSpec((R, D), lambda i: (i, 0))
_s_spec = pl.BlockSpec((2, R, D), lambda i: (0, i, 0))
_cnt_spec = pl.BlockSpec((2, R, 1), lambda i: (0, i, 0))
_zr_out = [jax.ShapeDtypeStruct((NP, D), jnp.float32),
           jax.ShapeDtypeStruct((NP, D), jnp.float32)]

_lin_first = pl.pallas_call(
    _lin_first_body,
    grid=(GRID,),
    in_specs=[_row_spec, _full((D, D)), _full((D, D)), _full((1, D))],
    out_specs=[_row_spec, _row_spec],
    out_shape=_zr_out,
)

_lin_mid = pl.pallas_call(
    _lin_mid_body,
    grid=(GRID,),
    in_specs=[_s_spec, _cnt_spec, _row_spec,
              _full((D, D)), _full((D, D)), _full((1, D))],
    out_specs=[_row_spec, _row_spec],
    out_shape=_zr_out,
)

_final = pl.pallas_call(
    _final_body,
    grid=(GRID,),
    in_specs=[_s_spec, _cnt_spec, _row_spec,
              pl.BlockSpec((1, 1, R), lambda i: (i, 0, 0)),
              _full((1, D)), _full((1, 1))],
    out_specs=_full((G, 1)),
    out_shape=jax.ShapeDtypeStruct((G, 1), jnp.float32),
    scratch_shapes=[pltpu.VMEM((G, D), jnp.float32),
                    pltpu.VMEM((G, 1), jnp.float32)],
)

def kernel(x, edge_index, edge_weight, batch,
           W1l, b1l, W1r, W2l, b2l, W2r, W3l, b3l, W3r, W4l, b4l, W4r,
           Wc, bc):
    del edge_weight
    src = edge_index[0]
    dst = edge_index[1]
    npad = EP - E
    src_p = jnp.concatenate(
        [src, jnp.arange(npad, dtype=jnp.int32) % N]).reshape(NW, NWIN, W)
    dst_p = jnp.concatenate(
        [dst, N + (jnp.arange(npad, dtype=jnp.int32) % (NP - N))]
    ).reshape(NW, NWIN, W)
    eidx = jnp.stack([src_p, dst_p], axis=2)
    overrun = jnp.broadcast_to(
        (jnp.arange(2 * W, dtype=jnp.int32) % N).reshape(1, 1, 2, W),
        (NW, 1, 2, W))
    eidx = jnp.concatenate([eidx, overrun], axis=1)
    batch_p = jnp.concatenate(
        [batch, jnp.full((NP - N,), G, jnp.int32)]).reshape(GRID, 1, R)
    x_p = jnp.pad(x, ((0, NP - N), (0, 0)))
    b1 = b1l.reshape(1, D)
    b2 = b2l.reshape(1, D)
    b3 = b3l.reshape(1, D)
    b4 = b4l.reshape(1, D)
    bc2 = bc.reshape(1, 1)
    zrows = jnp.zeros((W, D), jnp.float32)
    zcnt = jnp.zeros((RPT,), jnp.float32)

    _seg_first = _make_seg_kernel(True)
    _seg_rest = _make_seg_kernel(False)

    z1, r1 = _lin_first(x_p, W1l, W1r, b1)
    s1, cnt = _seg_first(z1, eidx, zrows, zcnt)
    cnt = cnt.reshape(2, NP, 1)
    z2, r2 = _lin_mid(s1, cnt, r1, W2l, W2r, b2)
    s2 = _seg_rest(z2, eidx, zrows)[0]
    z3, r3 = _lin_mid(s2, cnt, r2, W3l, W3r, b3)
    s3 = _seg_rest(z3, eidx, zrows)[0]
    z4, r4 = _lin_mid(s3, cnt, r3, W4l, W4r, b4)
    s4 = _seg_rest(z4, eidx, zrows)[0]
    return _final(s4, cnt, r4, batch_p, Wc, bc2)

# --- scband reference (transcript-rebuilt; emitter-appended) ---
"""Pipeline reference for scband-graph-sagesummarizer-31456340476253 (READ-ONLY COPY).

The authoritative reference and input builder live on the scoring server;
editing this copy changes nothing except your own understanding.
"""

import jax, jax.numpy as jnp
import numpy as np

N = 10000
E = 320000
D = 128
H = 128
G = 16


def _param(key, shape, scale):
    return jax.random.normal(key, shape, jnp.float32) * scale


def setup_inputs(seed: int = 0) -> dict:
    key = jax.random.key(seed)
    ks = jax.random.split(key, 20)
    x = jax.random.normal(ks[0], (N, D), jnp.float32)
    edge_index = jax.random.randint(ks[1], (2, E), 0, N, dtype=jnp.int32)
    edge_weight = jax.random.uniform(ks[2], (E,), jnp.float32)
    batch = jnp.sort(jax.random.randint(ks[3], (N,), 0, G, dtype=jnp.int32))
    inp = {"x": x, "edge_index": edge_index, "edge_weight": edge_weight, "batch": batch}
    dims = [(D, H), (H, H), (H, H), (H, H)]
    for i, (din, dout) in enumerate(dims, start=1):
        s = 1.0 / np.sqrt(din)
        inp[f"W{i}l"] = _param(ks[3 + 3 * i], (dout, din), s)
        inp[f"b{i}l"] = jnp.zeros((dout,), jnp.float32)
        inp[f"W{i}r"] = _param(ks[4 + 3 * i], (dout, din), s)
    inp["Wc"] = _param(ks[18], (1, H), 1.0 / np.sqrt(H))
    inp["bc"] = jnp.zeros((1,), jnp.float32)
    return inp


def _sage_conv(x, src, dst, Wl, bl, Wr):
    # PyG SAGEConv: out = lin_l(mean_{j in N(i)} x_j) + lin_r(x_i)
    msgs = x[src]
    s = jax.ops.segment_sum(msgs, dst, num_segments=N)
    cnt = jax.ops.segment_sum(jnp.ones((src.shape[0], 1), x.dtype), dst, num_segments=N)
    agg = s / jnp.maximum(cnt, 1.0)
    return agg @ Wl.T + bl + x @ Wr.T


def reference(x, edge_index, edge_weight, batch, W1l, b1l, W1r, W2l, b2l, W2r, W3l, b3l, W3r, W4l, b4l, W4r, Wc, bc):
    src, dst = edge_index[0], edge_index[1]
    h = jax.nn.relu(_sage_conv(x, src, dst, W1l, b1l, W1r))
    h = jax.nn.relu(_sage_conv(h, src, dst, W2l, b2l, W2r))
    h = jax.nn.relu(_sage_conv(h, src, dst, W3l, b3l, W3r))
    h = jax.nn.relu(_sage_conv(h, src, dst, W4l, b4l, W4r))
    # global_mean_pool over graph ids
    gs = jax.ops.segment_sum(h, batch, num_segments=G)
    gc = jax.ops.segment_sum(jnp.ones((N, 1), h.dtype), batch, num_segments=G)
    pooled = gs / jnp.maximum(gc, 1.0)
    out = pooled @ Wc.T + bc
    return jax.nn.sigmoid(out)

if __name__ == "__main__":
    import jax
    _d = setup_inputs()
    print(jax.jit(kernel)(*tuple(_d.values())))

</pallas_src>

<mosaic_0001>
#map = affine_map<(d0, d1) -> (0, 0)>
#map1 = affine_map<(d0, d1) -> (0, 0, 0, 0)>
#map2 = affine_map<(d0, d1) -> (0)>
#map3 = affine_map<(d0, d1) -> (0, 0, 0)>
module attributes {stable_mosaic.version = 14 : i64} {
  func.func @_seg_body(%arg0: i32, %arg1: i32, %arg2: memref<10240x128xf32, #tpu.memory_space<hbm>>, %arg3: memref<32x81x2x128xi32, #tpu.memory_space<hbm>>, %arg4: memref<128x128xf32, #tpu.memory_space<hbm>>, %arg5: memref<640xf32, #tpu.memory_space<hbm>>, %arg6: memref<2x10240x128xf32, #tpu.memory_space<hbm>>, %arg7: memref<2x10240xf32, #tpu.memory_space<hbm>>, %arg8: memref<10240x128xf32, #tpu.memory_space<vmem_shared>>, %arg9: memref<10240xf32, #tpu.memory_space<vmem_shared>>, %arg10: memref<128xf32, #tpu.memory_space<vmem>>, %arg11: memref<640xf32, #tpu.memory_space<vmem>>, %arg12: memref<128x128xf32, #tpu.memory_space<vmem>>, %arg13: memref<128x128xf32, #tpu.memory_space<vmem>>, %arg14: memref<2x128xi32, #tpu.memory_space<vmem>>, %arg15: memref<2x128xi32, #tpu.memory_space<vmem>>, %arg16: memref<!tpu.dma_semaphore, #tpu.memory_space<semaphore_mem>>, %arg17: memref<!tpu.dma_semaphore, #tpu.memory_space<semaphore_mem>>) attributes {dimension_semantics = [#tpu.dimension_semantics<core_parallel>, #tpu.dimension_semantics<subcore_parallel>], iteration_bounds = array<i64: 2, 16>, scalar_prefetch = 0 : i64, scratch_operands = 10 : i64, tpu.core_type = #tpu.core_type<sc_vector_subcore>, window_params = [{transform_indices = #map}, {transform_indices = #map1}, {transform_indices = #map}, {transform_indices = #map2}, {transform_indices = #map3}, {transform_indices = #map}]} {
    %mul3A = arith.constant 2 : i32
    %mul3A_0 = arith.muli %arg1, %mul3A : i32
    %add3A = arith.addi %mul3A_0, %arg0 : i32
    %mul3A_1 = arith.constant 640 : i32
    %mul3A_2 = arith.muli %arg1, %mul3A_1 : i32
    "tpu.region"() ({
      %run_scoped3A_78 = tpu.sem_alloc : memref<!tpu.dma_semaphore, #tpu.memory_space<semaphore_mem>>
      tpu.enqueue_dma source(%arg4 : memref<128x128xf32, #tpu.memory_space<hbm>>) target(%arg12 : memref<128x128xf32, #tpu.memory_space<vmem>>) target_semaphore(%run_scoped3A_78 : memref<!tpu.dma_semaphore, #tpu.memory_space<semaphore_mem>>)
      tpu.wait_dma2 semaphore(%run_scoped3A_78 : memref<!tpu.dma_semaphore, #tpu.memory_space<semaphore_mem>>) src(%arg4 : memref<128x128xf32, #tpu.memory_space<hbm>>) dst(%arg12 : memref<128x128xf32, #tpu.memory_space<vmem>>)
      tpu.yield
    }) : () -> ()
    %scan3A = arith.constant 0 : i32
    %scan3A_3 = arith.constant 0 : i32
    %scan3A_4 = arith.constant 5 : i32
    %scan3A_5 = arith.addi %scan3A_3, %scan3A_4 : i32
    %scan3A_6 = arith.constant 1 : i32
    scf.for %scan3A_78 = %scan3A_3 to %scan3A_5 step %scan3A_6  : i32 {
      %mul3A_79 = arith.constant 128 : i32
      %mul3A_80 = arith.muli %scan3A_78, %mul3A_79 : i32
      %add3A_81 = arith.addi %mul3A_2, %mul3A_80 : i32
      "tpu.region"() ({
        %run_scoped3A_82 = tpu.sem_alloc : memref<!tpu.dma_semaphore, #tpu.memory_space<semaphore_mem>>
        %dma_start3A_83 = arith.constant 0 : i32
        %dma_start3A_84 = tpu.memref_slice %arg8[%add3A_81, %dma_start3A_83] : memref<10240x128xf32, #tpu.memory_space<vmem_shared>> -> memref<128x128xf32, #tpu.memory_space<vmem_shared>>
        %dma_start3A_85 = arith.constant 0 : i32
        %dma_start3A_86 = tpu.memref_slice %arg8[%add3A_81, %dma_start3A_85] : memref<10240x128xf32, #tpu.memory_space<vmem_shared>> -> memref<128x128xf32, #tpu.memory_space<vmem_shared>>
        tpu.enqueue_dma source(%arg12 : memref<128x128xf32, #tpu.memory_space<vmem>>) target(%dma_start3A_86 : memref<128x128xf32, #tpu.memory_space<vmem_shared>>) target_semaphore(%run_scoped3A_82 : memref<!tpu.dma_semaphore, #tpu.memory_space<semaphore_mem>>)
        %dma_wait3A_87 = arith.constant 0 : i32
        %dma_wait3A_88 = tpu.memref_slice %arg8[%add3A_81, %dma_wait3A_87] : memref<10240x128xf32, #tpu.memory_space<vmem_shared>> -> memref<128x128xf32, #tpu.memory_space<vmem_shared>>
        %dma_wait3A_89 = arith.constant 0 : i32
        %dma_wait3A_90 = tpu.memref_slice %arg8[%add3A_81, %dma_wait3A_89] : memref<10240x128xf32, #tpu.memory_space<vmem_shared>> -> memref<128x128xf32, #tpu.memory_space<vmem_shared>>
        tpu.wait_dma2 semaphore(%run_scoped3A_82 : memref<!tpu.dma_semaphore, #tpu.memory_space<semaphore_mem>>) src(%arg12 : memref<128x128xf32, #tpu.memory_space<vmem>>) dst(%dma_wait3A_90 : memref<128x128xf32, #tpu.memory_space<vmem_shared>>)
        tpu.yield
      }) : () -> ()
    }
    %scan3A_7 = arith.constant 5 : i32
    "tpu.region"() ({
      %run_scoped3A_78 = tpu.sem_alloc : memref<!tpu.dma_semaphore, #tpu.memory_space<semaphore_mem>>
      tpu.enqueue_dma source(%arg5 : memref<640xf32, #tpu.memory_space<hbm>>) target(%arg11 : memref<640xf32, #tpu.memory_space<vmem>>) target_semaphore(%run_scoped3A_78 : memref<!tpu.dma_semaphore, #tpu.memory_space<semaphore_mem>>)
      tpu.wait_dma2 semaphore(%run_scoped3A_78 : memref<!tpu.dma_semaphore, #tpu.memory_space<semaphore_mem>>) src(%arg5 : memref<640xf32, #tpu.memory_space<hbm>>) dst(%arg11 : memref<640xf32, #tpu.memory_space<vmem>>)
      tpu.yield
    }) : () -> ()
    "tpu.region"() ({
      %run_scoped3A_78 = tpu.sem_alloc : memref<!tpu.dma_semaphore, #tpu.memory_space<semaphore_mem>>
      %dma_start3A_79 = tpu.memref_slice %arg9[%mul3A_2] : memref<10240xf32, #tpu.memory_space<vmem_shared>> -> memref<640xf32, #tpu.memory_space<vmem_shared>>
      %dma_start3A_80 = tpu.memref_slice %arg9[%mul3A_2] : memref<10240xf32, #tpu.memory_space<vmem_shared>> -> memref<640xf32, #tpu.memory_space<vmem_shared>>
      tpu.enqueue_dma source(%arg11 : memref<640xf32, #tpu.memory_space<vmem>>) target(%dma_start3A_80 : memref<640xf32, #tpu.memory_space<vmem_shared>>) target_semaphore(%run_scoped3A_78 : memref<!tpu.dma_semaphore, #tpu.memory_space<semaphore_mem>>)
      %dma_wait3A_81 = tpu.memref_slice %arg9[%mul3A_2] : memref<10240xf32, #tpu.memory_space<vmem_shared>> -> memref<640xf32, #tpu.memory_space<vmem_shared>>
      %dma_wait3A_82 = tpu.memref_slice %arg9[%mul3A_2] : memref<10240xf32, #tpu.memory_space<vmem_shared>> -> memref<640xf32, #tpu.memory_space<vmem_shared>>
      tpu.wait_dma2 semaphore(%run_scoped3A_78 : memref<!tpu.dma_semaphore, #tpu.memory_space<semaphore_mem>>) src(%arg11 : memref<640xf32, #tpu.memory_space<vmem>>) dst(%dma_wait3A_82 : memref<640xf32, #tpu.memory_space<vmem_shared>>)
      tpu.yield
    }) : () -> ()
    %broadcast_in_dim3A = arith.constant 1.000000e+00 : f32
    %broadcast_in_dim3A_8 = vector.broadcast %broadcast_in_dim3A : f32 to vector<16xf32>
    %swap3A = arith.constant 0 : index
    %swap3A_9 = tpu.vector_load %arg10[%swap3A] {strides = array<i32>} : memref<128xf32, #tpu.memory_space<vmem>>, vector<16xf32>,
    %swap3A_10 = vector.shape_cast %swap3A_9 : vector<16xf32> to vector<16xf32>
    %swap3A_11 = vector.shape_cast %broadcast_in_dim3A_8 : vector<16xf32> to vector<16xf32>
    tpu.vector_store %arg10[%swap3A], %swap3A_11 {strides = array<i32>} : memref<128xf32, #tpu.memory_space<vmem>>, vector<16xf32>,
    %broadcast_in_dim3A_12 = arith.constant 1.000000e+00 : f32
    %broadcast_in_dim3A_13 = vector.broadcast %broadcast_in_dim3A_12 : f32 to vector<16xf32>
    %swap3A_14 = arith.constant 16 : index
    %swap3A_15 = tpu.vector_load %arg10[%swap3A_14] {strides = array<i32>} : memref<128xf32, #tpu.memory_space<vmem>>, vector<16xf32>,
    %swap3A_16 = vector.shape_cast %swap3A_15 : vector<16xf32> to vector<16xf32>
    %swap3A_17 = vector.shape_cast %broadcast_in_dim3A_13 : vector<16xf32> to vector<16xf32>
    tpu.vector_store %arg10[%swap3A_14], %swap3A_17 {strides = array<i32>} : memref<128xf32, #tpu.memory_space<vmem>>, vector<16xf32>,
    %broadcast_in_dim3A_18 = arith.constant 1.000000e+00 : f32
    %broadcast_in_dim3A_19 = vector.broadcast %broadcast_in_dim3A_18 : f32 to vector<16xf32>
    %swap3A_20 = arith.constant 32 : index
    %swap3A_21 = tpu.vector_load %arg10[%swap3A_20] {strides = array<i32>} : memref<128xf32, #tpu.memory_space<vmem>>, vector<16xf32>,
    %swap3A_22 = vector.shape_cast %swap3A_21 : vector<16xf32> to vector<16xf32>
    %swap3A_23 = vector.shape_cast %broadcast_in_dim3A_19 : vector<16xf32> to vector<16xf32>
    tpu.vector_store %arg10[%swap3A_20], %swap3A_23 {strides = array<i32>} : memref<128xf32, #tpu.memory_space<vmem>>, vector<16xf32>,
    %broadcast_in_dim3A_24 = arith.constant 1.000000e+00 : f32
    %broadcast_in_dim3A_25 = vector.broadcast %broadcast_in_dim3A_24 : f32 to vector<16xf32>
    %swap3A_26 = arith.constant 48 : index
    %swap3A_27 = tpu.vector_load %arg10[%swap3A_26] {strides = array<i32>} : memref<128xf32, #tpu.memory_space<vmem>>, vector<16xf32>,
    %swap3A_28 = vector.shape_cast %swap3A_27 : vector<16xf32> to vector<16xf32>
    %swap3A_29 = vector.shape_cast %broadcast_in_dim3A_25 : vector<16xf32> to vector<16xf32>
    tpu.vector_store %arg10[%swap3A_26], %swap3A_29 {strides = array<i32>} : memref<128xf32, #tpu.memory_space<vmem>>, vector<16xf32>,
    %broadcast_in_dim3A_30 = arith.constant 1.000000e+00 : f32
    %broadcast_in_dim3A_31 = vector.broadcast %broadcast_in_dim3A_30 : f32 to vector<16xf32>
    %swap3A_32 = arith.constant 64 : index
    %swap3A_33 = tpu.vector_load %arg10[%swap3A_32] {strides = array<i32>} : memref<128xf32, #tpu.memory_space<vmem>>, vector<16xf32>,
    %swap3A_34 = vector.shape_cast %swap3A_33 : vector<16xf32> to vector<16xf32>
    %swap3A_35 = vector.shape_cast %broadcast_in_dim3A_31 : vector<16xf32> to vector<16xf32>
    tpu.vector_store %arg10[%swap3A_32], %swap3A_35 {strides = array<i32>} : memref<128xf32, #tpu.memory_space<vmem>>, vector<16xf32>,
    %broadcast_in_dim3A_36 = arith.constant 1.000000e+00 : f32
    %broadcast_in_dim3A_37 = vector.broadcast %broadcast_in_dim3A_36 : f32 to vector<16xf32>
    %swap3A_38 = arith.constant 80 : index
    %swap3A_39 = tpu.vector_load %arg10[%swap3A_38] {strides = array<i32>} : memref<128xf32, #tpu.memory_space<vmem>>, vector<16xf32>,
    %swap3A_40 = vector.shape_cast %swap3A_39 : vector<16xf32> to vector<16xf32>
    %swap3A_41 = vector.shape_cast %broadcast_in_dim3A_37 : vector<16xf32> to vector<16xf32>
    tpu.vector_store %arg10[%swap3A_38], %swap3A_41 {strides = array<i32>} : memref<128xf32, #tpu.memory_space<vmem>>, vector<16xf32>,
    %broadcast_in_dim3A_42 = arith.constant 1.000000e+00 : f32
    %broadcast_in_dim3A_43 = vector.broadcast %broadcast_in_dim3A_42 : f32 to vector<16xf32>
    %swap3A_44 = arith.constant 96 : index
    %swap3A_45 = tpu.vector_load %arg10[%swap3A_44] {strides = array<i32>} : memref<128xf32, #tpu.memory_space<vmem>>, vector<16xf32>,
    %swap3A_46 = vector.shape_cast %swap3A_45 : vector<16xf32> to vector<16xf32>
    %swap3A_47 = vector.shape_cast %broadcast_in_dim3A_43 : vector<16xf32> to vector<16xf32>
    tpu.vector_store %arg10[%swap3A_44], %swap3A_47 {strides = array<i32>} : memref<128xf32, #tpu.memory_space<vmem>>, vector<16xf32>,
    %broadcast_in_dim3A_48 = arith.constant 1.000000e+00 : f32
    %broadcast_in_dim3A_49 = vector.broadcast %broadcast_in_dim3A_48 : f32 to vector<16xf32>
    %swap3A_50 = arith.constant 112 : index
    %swap3A_51 = tpu.vector_load %arg10[%swap3A_50] {strides = array<i32>} : memref<128xf32, #tpu.memory_space<vmem>>, vector<16xf32>,
    %swap3A_52 = vector.shape_cast %swap3A_51 : vector<16xf32> to vector<16xf32>
    %swap3A_53 = vector.shape_cast %broadcast_in_dim3A_49 : vector<16xf32> to vector<16xf32>
    tpu.vector_store %arg10[%swap3A_50], %swap3A_53 {strides = array<i32>} : memref<128xf32, #tpu.memory_space<vmem>>, vector<16xf32>,
    %run_scoped3A = arith.constant 0 : i32
    "tpu.region"() ({
      %run_scoped3A_78 = tpu.sem_alloc : memref<!tpu.dma_semaphore, #tpu.memory_space<semaphore_mem>>
      %dma_start3A_79 = arith.constant 0 : i32
      %dma_start3A_80 = arith.constant 0 : i32
      %dma_start3A_81 = tpu.memref_slice %arg3[%add3A, %run_scoped3A, %dma_start3A_79, %dma_start3A_80] : memref<32x81x2x128xi32, #tpu.memory_space<hbm>> -> memref<1x1x2x128xi32, #tpu.memory_space<hbm>>
      %dma_start3A_82 = tpu.memref_squeeze %dma_start3A_81 : memref<1x1x2x128xi32, #tpu.memory_space<hbm>> -> memref<2x128xi32, #tpu.memory_space<hbm>>
      %dma_start3A_83 = arith.constant 0 : i32
      %dma_start3A_84 = arith.constant 0 : i32
      %dma_start3A_85 = tpu.memref_slice %arg3[%add3A, %run_scoped3A, %dma_start3A_83, %dma_start3A_84] : memref<32x81x2x128xi32, #tpu.memory_space<hbm>> -> memref<1x1x2x128xi32, #tpu.memory_space<hbm>>
      %dma_start3A_86 = tpu.memref_squeeze %dma_start3A_85 : memref<1x1x2x128xi32, #tpu.memory_space<hbm>> -> memref<2x128xi32, #tpu.memory_space<hbm>>
      tpu.enqueue_dma source(%dma_start3A_86 : memref<2x128xi32, #tpu.memory_space<hbm>>) target(%arg14 : memref<2x128xi32, #tpu.memory_space<vmem>>) target_semaphore(%run_scoped3A_78 : memref<!tpu.dma_semaphore, #tpu.memory_space<semaphore_mem>>)
      %dma_wait3A_87 = arith.constant 0 : i32
      %dma_wait3A_88 = arith.constant 0 : i32
      %dma_wait3A_89 = tpu.memref_slice %arg3[%add3A, %run_scoped3A, %dma_wait3A_87, %dma_wait3A_88] : memref<32x81x2x128xi32, #tpu.memory_space<hbm>> -> memref<1x1x2x128xi32, #tpu.memory_space<hbm>>
      %dma_wait3A_90 = tpu.memref_squeeze %dma_wait3A_89 : memref<1x1x2x128xi32, #tpu.memory_space<hbm>> -> memref<2x128xi32, #tpu.memory_space<hbm>>
      %dma_wait3A_91 = arith.constant 0 : i32
      %dma_wait3A_92 = arith.constant 0 : i32
      %dma_wait3A_93 = tpu.memref_slice %arg3[%add3A, %run_scoped3A, %dma_wait3A_91, %dma_wait3A_92] : memref<32x81x2x128xi32, #tpu.memory_space<hbm>> -> memref<1x1x2x128xi32, #tpu.memory_space<hbm>>
      %dma_wait3A_94 = tpu.memref_squeeze %dma_wait3A_93 : memref<1x1x2x128xi32, #tpu.memory_space<hbm>> -> memref<2x128xi32, #tpu.memory_space<hbm>>
      tpu.wait_dma2 semaphore(%run_scoped3A_78 : memref<!tpu.dma_semaphore, #tpu.memory_space<semaphore_mem>>) src(%dma_wait3A_94 : memref<2x128xi32, #tpu.memory_space<hbm>>) dst(%arg14 : memref<2x128xi32, #tpu.memory_space<vmem>>)
      tpu.yield
    }) : () -> ()
    %dma_start3A = arith.constant 0 : i32
    %dma_start3A_54 = arith.constant 0 : i32
    %dma_start3A_55 = tpu.memref_slice %arg14[%dma_start3A, %dma_start3A_54] : memref<2x128xi32, #tpu.memory_space<vmem>> -> memref<1x128xi32, #tpu.memory_space<vmem>>
    %dma_start3A_56 = tpu.memref_squeeze %dma_start3A_55 : memref<1x128xi32, #tpu.memory_space<vmem>> -> memref<128xi32, #tpu.memory_space<vmem>>
    %dma_start3A_57 = arith.constant 0 : i32
    %dma_start3A_58 = arith.constant 0 : i32
    %dma_start3A_59 = tpu.memref_slice %arg2[%dma_start3A_57, %dma_start3A_58] : memref<10240x128xf32, #tpu.memory_space<hbm>> -> memref<10240x128xf32, #tpu.memory_space<hbm>>
    tpu.enqueue_indirect_dma source(%dma_start3A_59 : memref<10240x128xf32, #tpu.memory_space<hbm>>) target(%arg12 : memref<128x128xf32, #tpu.memory_space<vmem>>) offsets(%dma_start3A_56 : memref<128xi32, #tpu.memory_space<vmem>>) semaphore(%arg16 : memref<!tpu.dma_semaphore, #tpu.memory_space<semaphore_mem>>)
    %barrier3A = arith.constant 0 : index
    tpu.barrier barrier_id(%barrier3A)
    %scan3A_60 = arith.constant 0 : i32
    %scan3A_61 = arith.constant 0 : i32
    %scan3A_62 = arith.constant 40 : i32
    %scan3A_63 = arith.addi %scan3A_61, %scan3A_62 : i32
    %scan3A_64 = arith.constant 1 : i32
    scf.for %scan3A_78 = %scan3A_61 to %scan3A_63 step %scan3A_64  : i32 {
      %mul3A_79 = arith.constant 2 : i32
      %mul3A_80 = arith.muli %scan3A_78, %mul3A_79 : i32
      %add3A_81 = arith.constant 0 : i32
      %add3A_82 = arith.addi %mul3A_80, %add3A_81 : i32
      %add3A_83 = arith.constant 1 : i32
      %add3A_84 = arith.addi %add3A_82, %add3A_83 : i32
      "tpu.region"() ({
        %run_scoped3A_121 = tpu.sem_alloc : memref<!tpu.dma_semaphore, #tpu.memory_space<semaphore_mem>>
        %dma_start3A_122 = arith.constant 0 : i32
        %dma_start3A_123 = arith.constant 0 : i32
        %dma_start3A_124 = tpu.memref_slice %arg3[%add3A, %add3A_84, %dma_start3A_122, %dma_start3A_123] : memref<32x81x2x128xi32, #tpu.memory_space<hbm>> -> memref<1x1x2x128xi32, #tpu.memory_space<hbm>>
        %dma_start3A_125 = tpu.memref_squeeze %dma_start3A_124 : memref<1x1x2x128xi32, #tpu.memory_space<hbm>> -> memref<2x128xi32, #tpu.memory_space<hbm>>
        %dma_start3A_126 = arith.constant 0 : i32
        %dma_start3A_127 = arith.constant 0 : i32
        %dma_start3A_128 = tpu.memref_slice %arg3[%add3A, %add3A_84, %dma_start3A_126, %dma_start3A_127] : memref<32x81x2x128xi32, #tpu.memory_space<hbm>> -> memref<1x1x2x128xi32, #tpu.memory_space<hbm>>
        %dma_start3A_129 = tpu.memref_squeeze %dma_start3A_128 : memref<1x1x2x128xi32, #tpu.memory_space<hbm>> -> memref<2x128xi32, #tpu.memory_space<hbm>>
        tpu.enqueue_dma source(%dma_start3A_129 : memref<2x128xi32, #tpu.memory_space<hbm>>) target(%arg15 : memref<2x128xi32, #tpu.memory_space<vmem>>) target_semaphore(%run_scoped3A_121 : memref<!tpu.dma_semaphore, #tpu.memory_space<semaphore_mem>>)
        %dma_wait3A_130 = arith.constant 0 : i32
        %dma_wait3A_131 = arith.constant 0 : i32
        %dma_wait3A_132 = tpu.memref_slice %arg3[%add3A, %add3A_84, %dma_wait3A_130, %dma_wait3A_131] : memref<32x81x2x128xi32, #tpu.memory_space<hbm>> -> memref<1x1x2x128xi32, #tpu.memory_space<hbm>>
        %dma_wait3A_133 = tpu.memref_squeeze %dma_wait3A_132 : memref<1x1x2x128xi32, #tpu.memory_space<hbm>> -> memref<2x128xi32, #tpu.memory_space<hbm>>
        %dma_wait3A_134 = arith.constant 0 : i32
        %dma_wait3A_135 = arith.constant 0 : i32
        %dma_wait3A_136 = tpu.memref_slice %arg3[%add3A, %add3A_84, %dma_wait3A_134, %dma_wait3A_135] : memref<32x81x2x128xi32, #tpu.memory_space<hbm>> -> memref<1x1x2x128xi32, #tpu.memory_space<hbm>>
        %dma_wait3A_137 = tpu.memref_squeeze %dma_wait3A_136 : memref<1x1x2x128xi32, #tpu.memory_space<hbm>> -> memref<2x128xi32, #tpu.memory_space<hbm>>
        tpu.wait_dma2 semaphore(%run_scoped3A_121 : memref<!tpu.dma_semaphore, #tpu.memory_space<semaphore_mem>>) src(%dma_wait3A_137 : memref<2x128xi32, #tpu.memory_space<hbm>>) dst(%arg15 : memref<2x128xi32, #tpu.memory_space<vmem>>)
        tpu.yield
      }) : () -> ()
      %dma_wait3A_85 = arith.constant 0 : i32
      %dma_wait3A_86 = arith.constant 0 : i32
      %dma_wait3A_87 = tpu.memref_slice %arg2[%dma_wait3A_85, %dma_wait3A_86] : memref<10240x128xf32, #tpu.memory_space<hbm>> -> memref<128x128xf32, #tpu.memory_space<hbm>>
      %dma_wait3A_88 = arith.constant 0 : i32
      %dma_wait3A_89 = arith.constant 0 : i32
      %dma_wait3A_90 = tpu.memref_slice %arg2[%dma_wait3A_88, %dma_wait3A_89] : memref<10240x128xf32, #tpu.memory_space<hbm>> -> memref<128x128xf32, #tpu.memory_space<hbm>>
      tpu.wait_dma2 semaphore(%arg16 : memref<!tpu.dma_semaphore, #tpu.memory_space<semaphore_mem>>) src(%dma_wait3A_90 : memref<128x128xf32, #tpu.memory_space<hbm>>) dst(%arg12 : memref<128x128xf32, #tpu.memory_space<vmem>>)
      %dma_start3A_91 = arith.constant 0 : i32
      %dma_start3A_92 = arith.constant 0 : i32
      %dma_start3A_93 = tpu.memref_slice %arg15[%dma_start3A_91, %dma_start3A_92] : memref<2x128xi32, #tpu.memory_space<vmem>> -> memref<1x128xi32, #tpu.memory_space<vmem>>
      %dma_start3A_94 = tpu.memref_squeeze %dma_start3A_93 : memref<1x128xi32, #tpu.memory_space<vmem>> -> memref<128xi32, #tpu.memory_space<vmem>>
      %dma_start3A_95 = arith.constant 0 : i32
      %dma_start3A_96 = arith.constant 0 : i32
      %dma_start3A_97 = tpu.memref_slice %arg2[%dma_start3A_95, %dma_start3A_96] : memref<10240x128xf32, #tpu.memory_space<hbm>> -> memref<10240x128xf32, #tpu.memory_space<hbm>>
      tpu.enqueue_indirect_dma source(%dma_start3A_97 : memref<10240x128xf32, #tpu.memory_space<hbm>>) target(%arg13 : memref<128x128xf32, #tpu.memory_space<vmem>>) offsets(%dma_start3A_94 : memref<128xi32, #tpu.memory_space<vmem>>) semaphore(%arg17 : memref<!tpu.dma_semaphore, #tpu.memory_space<semaphore_mem>>)
      %run_scoped3A_98 = arith.constant 1 : i32
      "tpu.region"() ({
        %run_scoped3A_121 = tpu.sem_alloc : memref<!tpu.dma_semaphore, #tpu.memory_space<semaphore_mem>>
        %dma_start3A_122 = arith.constant 0 : i32
        %dma_start3A_123 = tpu.memref_slice %arg14[%run_scoped3A_98, %dma_start3A_122] : memref<2x128xi32, #tpu.memory_space<vmem>> -> memref<1x128xi32, #tpu.memory_space<vmem>>
        %dma_start3A_124 = tpu.memref_squeeze %dma_start3A_123 : memref<1x128xi32, #tpu.memory_space<vmem>> -> memref<128xi32, #tpu.memory_space<vmem>>
        %dma_start3A_125 = arith.constant 0 : i32
        %dma_start3A_126 = arith.constant 0 : i32
        %dma_start3A_127 = tpu.memref_slice %arg8[%dma_start3A_125, %dma_start3A_126] : memref<10240x128xf32, #tpu.memory_space<vmem_shared>> -> memref<10240x128xf32, #tpu.memory_space<vmem_shared>>
        tpu.enqueue_indirect_dma source(%arg12 : memref<128x128xf32, #tpu.memory_space<vmem>>) target(%dma_start3A_127 : memref<10240x128xf32, #tpu.memory_space<vmem_shared>>) offsets(%dma_start3A_124 : memref<128xi32, #tpu.memory_space<vmem>>) semaphore(%run_scoped3A_121 : memref<!tpu.dma_semaphore, #tpu.memory_space<semaphore_mem>>) {add = true}
        %dma_wait3A_128 = arith.constant 0 : i32
        %dma_wait3A_129 = tpu.memref_slice %arg14[%run_scoped3A_98, %dma_wait3A_128] : memref<2x128xi32, #tpu.memory_space<vmem>> -> memref<1x128xi32, #tpu.memory_space<vmem>>
        %dma_wait3A_130 = tpu.memref_squeeze %dma_wait3A_129 : memref<1x128xi32, #tpu.memory_space<vmem>> -> memref<128xi32, #tpu.memory_space<vmem>>
        %dma_wait3A_131 = arith.constant 0 : i32
        %dma_wait3A_132 = arith.constant 0 : i32
        %dma_wait3A_133 = tpu.memref_slice %arg8[%dma_wait3A_131, %dma_wait3A_132] : memref<10240x128xf32, #tpu.memory_space<vmem_shared>> -> memref<10240x128xf32, #tpu.memory_space<vmem_shared>>
        tpu.wait_indirect_dma semaphore(%run_scoped3A_121 : memref<!tpu.dma_semaphore, #tpu.memory_space<semaphore_mem>>) src(%arg12 : memref<128x128xf32, #tpu.memory_space<vmem>>) dst(%dma_wait3A_133 : memref<10240x128xf32, #tpu.memory_space<vmem_shared>>)
        tpu.yield
      }) : () -> ()
      %run_scoped3A_99 = arith.constant 1 : i32
      "tpu.region"() ({
        %run_scoped3A_121 = tpu.sem_alloc : memref<!tpu.dma_semaphore, #tpu.memory_space<semaphore_mem>>
        %dma_start3A_122 = arith.constant 0 : i32
        %dma_start3A_123 = tpu.memref_slice %arg14[%run_scoped3A_99, %dma_start3A_122] : memref<2x128xi32, #tpu.memory_space<vmem>> -> memref<1x128xi32, #tpu.memory_space<vmem>>
        %dma_start3A_124 = tpu.memref_squeeze %dma_start3A_123 : memref<1x128xi32, #tpu.memory_space<vmem>> -> memref<128xi32, #tpu.memory_space<vmem>>
        %dma_start3A_125 = arith.constant 0 : i32
        %dma_start3A_126 = tpu.memref_slice %arg9[%dma_start3A_125] : memref<10240xf32, #tpu.memory_space<vmem_shared>> -> memref<10240xf32, #tpu.memory_space<vmem_shared>>
        tpu.enqueue_indirect_dma source(%arg10 : memref<128xf32, #tpu.memory_space<vmem>>) target(%dma_start3A_126 : memref<10240xf32, #tpu.memory_space<vmem_shared>>) offsets(%dma_start3A_124 : memref<128xi32, #tpu.memory_space<vmem>>) semaphore(%run_scoped3A_121 : memref<!tpu.dma_semaphore, #tpu.memory_space<semaphore_mem>>) {add = true}
        %dma_wait3A_127 = arith.constant 0 : i32
        %dma_wait3A_128 = tpu.memref_slice %arg14[%run_scoped3A_99, %dma_wait3A_127] : memref<2x128xi32, #tpu.memory_space<vmem>> -> memref<1x128xi32, #tpu.memory_space<vmem>>
        %dma_wait3A_129 = tpu.memref_squeeze %dma_wait3A_128 : memref<1x128xi32, #tpu.memory_space<vmem>> -> memref<128xi32, #tpu.memory_space<vmem>>
        %dma_wait3A_130 = arith.constant 0 : i32
        %dma_wait3A_131 = tpu.memref_slice %arg9[%dma_wait3A_130] : memref<10240xf32, #tpu.memory_space<vmem_shared>> -> memref<10240xf32, #tpu.memory_space<vmem_shared>>
        tpu.wait_indirect_dma semaphore(%run_scoped3A_121 : memref<!tpu.dma_semaphore, #tpu.memory_space<semaphore_mem>>) src(%arg10 : memref<128xf32, #tpu.memory_space<vmem>>) dst(%dma_wait3A_131 : memref<10240xf32, #tpu.memory_space<vmem_shared>>)
        tpu.yield
      }) : () -> ()
      %mul3A_100 = arith.constant 2 : i32
      %mul3A_101 = arith.muli %scan3A_78, %mul3A_100 : i32
      %add3A_102 = arith.constant 1 : i32
      %add3A_103 = arith.addi %mul3A_101, %add3A_102 : i32
      %add3A_104 = arith.constant 1 : i32
      %add3A_105 = arith.addi %add3A_103, %add3A_104 : i32
      "tpu.region"() ({
        %run_scoped3A_121 = tpu.sem_alloc : memref<!tpu.dma_semaphore, #tpu.memory_space<semaphore_mem>>
        %dma_start3A_122 = arith.constant 0 : i32
        %dma_start3A_123 = arith.constant 0 : i32
        %dma_start3A_124 = tpu.memref_slice %arg3[%add3A, %add3A_105, %dma_start3A_122, %dma_start3A_123] : memref<32x81x2x128xi32, #tpu.memory_space<hbm>> -> memref<1x1x2x128xi32, #tpu.memory_space<hbm>>
        %dma_start3A_125 = tpu.memref_squeeze %dma_start3A_124 : memref<1x1x2x128xi32, #tpu.memory_space<hbm>> -> memref<2x128xi32, #tpu.memory_space<hbm>>
        %dma_start3A_126 = arith.constant 0 : i32
        %dma_start3A_127 = arith.constant 0 : i32
        %dma_start3A_128 = tpu.memref_slice %arg3[%add3A, %add3A_105, %dma_start3A_126, %dma_start3A_127] : memref<32x81x2x128xi32, #tpu.memory_space<hbm>> -> memref<1x1x2x128xi32, #tpu.memory_space<hbm>>
        %dma_start3A_129 = tpu.memref_squeeze %dma_start3A_128 : memref<1x1x2x128xi32, #tpu.memory_space<hbm>> -> memref<2x128xi32, #tpu.memory_space<hbm>>
        tpu.enqueue_dma source(%dma_start3A_129 : memref<2x128xi32, #tpu.memory_space<hbm>>) target(%arg14 : memref<2x128xi32, #tpu.memory_space<vmem>>) target_semaphore(%run_scoped3A_121 : memref<!tpu.dma_semaphore, #tpu.memory_space<semaphore_mem>>)
        %dma_wait3A_130 = arith.constant 0 : i32
        %dma_wait3A_131 = arith.constant 0 : i32
        %dma_wait3A_132 = tpu.memref_slice %arg3[%add3A, %add3A_105, %dma_wait3A_130, %dma_wait3A_131] : memref<32x81x2x128xi32, #tpu.memory_space<hbm>> -> memref<1x1x2x128xi32, #tpu.memory_space<hbm>>
        %dma_wait3A_133 = tpu.memref_squeeze %dma_wait3A_132 : memref<1x1x2x128xi32, #tpu.memory_space<hbm>> -> memref<2x128xi32, #tpu.memory_space<hbm>>
        %dma_wait3A_134 = arith.constant 0 : i32
        %dma_wait3A_135 = arith.constant 0 : i32
        %dma_wait3A_136 = tpu.memref_slice %arg3[%add3A, %add3A_105, %dma_wait3A_134, %dma_wait3A_135] : memref<32x81x2x128xi32, #tpu.memory_space<hbm>> -> memref<1x1x2x128xi32, #tpu.memory_space<hbm>>
        %dma_wait3A_137 = tpu.memref_squeeze %dma_wait3A_136 : memref<1x1x2x128xi32, #tpu.memory_space<hbm>> -> memref<2x128xi32, #tpu.memory_space<hbm>>
        tpu.wait_dma2 semaphore(%run_scoped3A_121 : memref<!tpu.dma_semaphore, #tpu.memory_space<semaphore_mem>>) src(%dma_wait3A_137 : memref<2x128xi32, #tpu.memory_space<hbm>>) dst(%arg14 : memref<2x128xi32, #tpu.memory_space<vmem>>)
        tpu.yield
      }) : () -> ()
      %dma_wait3A_106 = arith.constant 0 : i32
      %dma_wait3A_107 = arith.constant 0 : i32
      %dma_wait3A_108 = tpu.memref_slice %arg2[%dma_wait3A_106, %dma_wait3A_107] : memref<10240x128xf32, #tpu.memory_space<hbm>> -> memref<128x128xf32, #tpu.memory_space<hbm>>
      %dma_wait3A_109 = arith.constant 0 : i32
      %dma_wait3A_110 = arith.constant 0 : i32
      %dma_wait3A_111 = tpu.memref_slice %arg2[%dma_wait3A_109, %dma_wait3A_110] : memref<10240x128xf32, #tpu.memory_space<hbm>> -> memref<128x128xf32, #tpu.memory_space<hbm>>
      tpu.wait_dma2 semaphore(%arg17 : memref<!tpu.dma_semaphore, #tpu.memory_space<semaphore_mem>>) src(%dma_wait3A_111 : memref<128x128xf32, #tpu.memory_space<hbm>>) dst(%arg13 : memref<128x128xf32, #tpu.memory_space<vmem>>)
      %dma_start3A_112 = arith.constant 0 : i32
      %dma_start3A_113 = arith.constant 0 : i32
      %dma_start3A_114 = tpu.memref_slice %arg14[%dma_start3A_112, %dma_start3A_113] : memref<2x128xi32, #tpu.memory_space<vmem>> -> memref<1x128xi32, #tpu.memory_space<vmem>>
      %dma_start3A_115 = tpu.memref_squeeze %dma_start3A_114 : memref<1x128xi32, #tpu.memory_space<vmem>> -> memref<128xi32, #tpu.memory_space<vmem>>
      %dma_start3A_116 = arith.constant 0 : i32
      %dma_start3A_117 = arith.constant 0 : i32
      %dma_start3A_118 = tpu.memref_slice %arg2[%dma_start3A_116, %dma_start3A_117] : memref<10240x128xf32, #tpu.memory_space<hbm>> -> memref<10240x128xf32, #tpu.memory_space<hbm>>
      tpu.enqueue_indirect_dma source(%dma_start3A_118 : memref<10240x128xf32, #tpu.memory_space<hbm>>) target(%arg12 : memref<128x128xf32, #tpu.memory_space<vmem>>) offsets(%dma_start3A_115 : memref<128xi32, #tpu.memory_space<vmem>>) semaphore(%arg16 : memref<!tpu.dma_semaphore, #tpu.memory_space<semaphore_mem>>)
      %run_scoped3A_119 = arith.constant 1 : i32
      "tpu.region"() ({
        %run_scoped3A_121 = tpu.sem_alloc : memref<!tpu.dma_semaphore, #tpu.memory_space<semaphore_mem>>
        %dma_start3A_122 = arith.constant 0 : i32
        %dma_start3A_123 = tpu.memref_slice %arg15[%run_scoped3A_119, %dma_start3A_122] : memref<2x128xi32, #tpu.memory_space<vmem>> -> memref<1x128xi32, #tpu.memory_space<vmem>>
        %dma_start3A_124 = tpu.memref_squeeze %dma_start3A_123 : memref<1x128xi32, #tpu.memory_space<vmem>> -> memref<128xi32, #tpu.memory_space<vmem>>
        %dma_start3A_125 = arith.constant 0 : i32
        %dma_start3A_126 = arith.constant 0 : i32
        %dma_start3A_127 = tpu.memref_slice %arg8[%dma_start3A_125, %dma_start3A_126] : memref<10240x128xf32, #tpu.memory_space<vmem_shared>> -> memref<10240x128xf32, #tpu.memory_space<vmem_shared>>
        tpu.enqueue_indirect_dma source(%arg13 : memref<128x128xf32, #tpu.memory_space<vmem>>) target(%dma_start3A_127 : memref<10240x128xf32, #tpu.memory_space<vmem_shared>>) offsets(%dma_start3A_124 : memref<128xi32, #tpu.memory_space<vmem>>) semaphore(%run_scoped3A_121 : memref<!tpu.dma_semaphore, #tpu.memory_space<semaphore_mem>>) {add = true}
        %dma_wait3A_128 = arith.constant 0 : i32
        %dma_wait3A_129 = tpu.memref_slice %arg15[%run_scoped3A_119, %dma_wait3A_128] : memref<2x128xi32, #tpu.memory_space<vmem>> -> memref<1x128xi32, #tpu.memory_space<vmem>>
        %dma_wait3A_130 = tpu.memref_squeeze %dma_wait3A_129 : memref<1x128xi32, #tpu.memory_space<vmem>> -> memref<128xi32, #tpu.memory_space<vmem>>
        %dma_wait3A_131 = arith.constant 0 : i32
        %dma_wait3A_132 = arith.constant 0 : i32
        %dma_wait3A_133 = tpu.memref_slice %arg8[%dma_wait3A_131, %dma_wait3A_132] : memref<10240x128xf32, #tpu.memory_space<vmem_shared>> -> memref<10240x128xf32, #tpu.memory_space<vmem_shared>>
        tpu.wait_indirect_dma semaphore(%run_scoped3A_121 : memref<!tpu.dma_semaphore, #tpu.memory_space<semaphore_mem>>) src(%arg13 : memref<128x128xf32, #tpu.memory_space<vmem>>) dst(%dma_wait3A_133 : memref<10240x128xf32, #tpu.memory_space<vmem_shared>>)
        tpu.yield
      }) : () -> ()
      %run_scoped3A_120 = arith.constant 1 : i32
      "tpu.region"() ({
        %run_scoped3A_121 = tpu.sem_alloc : memref<!tpu.dma_semaphore, #tpu.memory_space<semaphore_mem>>
        %dma_start3A_122 = arith.constant 0 : i32
        %dma_start3A_123 = tpu.memref_slice %arg15[%run_scoped3A_120, %dma_start3A_122] : memref<2x128xi32, #tpu.memory_space<vmem>> -> memref<1x128xi32, #tpu.memory_space<vmem>>
        %dma_start3A_124 = tpu.memref_squeeze %dma_start3A_123 : memref<1x128xi32, #tpu.memory_space<vmem>> -> memref<128xi32, #tpu.memory_space<vmem>>
        %dma_start3A_125 = arith.constant 0 : i32
        %dma_start3A_126 = tpu.memref_slice %arg9[%dma_start3A_125] : memref<10240xf32, #tpu.memory_space<vmem_shared>> -> memref<10240xf32, #tpu.memory_space<vmem_shared>>
        tpu.enqueue_indirect_dma source(%arg10 : memref<128xf32, #tpu.memory_space<vmem>>) target(%dma_start3A_126 : memref<10240xf32, #tpu.memory_space<vmem_shared>>) offsets(%dma_start3A_124 : memref<128xi32, #tpu.memory_space<vmem>>) semaphore(%run_scoped3A_121 : memref<!tpu.dma_semaphore, #tpu.memory_space<semaphore_mem>>) {add = true}
        %dma_wait3A_127 = arith.constant 0 : i32
        %dma_wait3A_128 = tpu.memref_slice %arg15[%run_scoped3A_120, %dma_wait3A_127] : memref<2x128xi32, #tpu.memory_space<vmem>> -> memref<1x128xi32, #tpu.memory_space<vmem>>
        %dma_wait3A_129 = tpu.memref_squeeze %dma_wait3A_128 : memref<1x128xi32, #tpu.memory_space<vmem>> -> memref<128xi32, #tpu.memory_space<vmem>>
        %dma_wait3A_130 = arith.constant 0 : i32
        %dma_wait3A_131 = tpu.memref_slice %arg9[%dma_wait3A_130] : memref<10240xf32, #tpu.memory_space<vmem_shared>> -> memref<10240xf32, #tpu.memory_space<vmem_shared>>
        tpu.wait_indirect_dma semaphore(%run_scoped3A_121 : memref<!tpu.dma_semaphore, #tpu.memory_space<semaphore_mem>>) src(%arg10 : memref<128xf32, #tpu.memory_space<vmem>>) dst(%dma_wait3A_131 : memref<10240xf32, #tpu.memory_space<vmem_shared>>)
        tpu.yield
      }) : () -> ()
    }
    %scan3A_65 = arith.constant 40 : i32
    %dma_wait3A = arith.constant 0 : i32
    %dma_wait3A_66 = arith.constant 0 : i32
    %dma_wait3A_67 = tpu.memref_slice %arg2[%dma_wait3A, %dma_wait3A_66] : memref<10240x128xf32, #tpu.memory_space<hbm>> -> memref<128x128xf32, #tpu.memory_space<hbm>>
    %dma_wait3A_68 = arith.constant 0 : i32
    %dma_wait3A_69 = arith.constant 0 : i32
    %dma_wait3A_70 = tpu.memref_slice %arg2[%dma_wait3A_68, %dma_wait3A_69] : memref<10240x128xf32, #tpu.memory_space<hbm>> -> memref<128x128xf32, #tpu.memory_space<hbm>>
    tpu.wait_dma2 semaphore(%arg16 : memref<!tpu.dma_semaphore, #tpu.memory_space<semaphore_mem>>) src(%dma_wait3A_70 : memref<128x128xf32, #tpu.memory_space<hbm>>) dst(%arg12 : memref<128x128xf32, #tpu.memory_space<vmem>>)
    %barrier3A_71 = arith.constant 0 : index
    tpu.barrier barrier_id(%barrier3A_71)
    %scan3A_72 = arith.constant 0 : i32
    %scan3A_73 = arith.constant 0 : i32
    %scan3A_74 = arith.constant 5 : i32
    %scan3A_75 = arith.addi %scan3A_73, %scan3A_74 : i32
    %scan3A_76 = arith.constant 1 : i32
    scf.for %scan3A_78 = %scan3A_73 to %scan3A_75 step %scan3A_76  : i32 {
      %mul3A_79 = arith.constant 128 : i32
      %mul3A_80 = arith.muli %scan3A_78, %mul3A_79 : i32
      %add3A_81 = arith.addi %mul3A_2, %mul3A_80 : i32
      "tpu.region"() ({
        %run_scoped3A_82 = tpu.sem_alloc : memref<!tpu.dma_semaphore, #tpu.memory_space<semaphore_mem>>
        %dma_start3A_83 = arith.constant 0 : i32
        %dma_start3A_84 = tpu.memref_slice %arg8[%add3A_81, %dma_start3A_83] : memref<10240x128xf32, #tpu.memory_space<vmem_shared>> -> memref<128x128xf32, #tpu.memory_space<vmem_shared>>
        %dma_start3A_85 = arith.constant 0 : i32
        %dma_start3A_86 = tpu.memref_slice %arg8[%add3A_81, %dma_start3A_85] : memref<10240x128xf32, #tpu.memory_space<vmem_shared>> -> memref<128x128xf32, #tpu.memory_space<vmem_shared>>
        tpu.enqueue_dma source(%dma_start3A_86 : memref<128x128xf32, #tpu.memory_space<vmem_shared>>) target(%arg12 : memref<128x128xf32, #tpu.memory_space<vmem>>) target_semaphore(%run_scoped3A_82 : memref<!tpu.dma_semaphore, #tpu.memory_space<semaphore_mem>>)
        %dma_wait3A_87 = arith.constant 0 : i32
        %dma_wait3A_88 = tpu.memref_slice %arg8[%add3A_81, %dma_wait3A_87] : memref<10240x128xf32, #tpu.memory_space<vmem_shared>> -> memref<128x128xf32, #tpu.memory_space<vmem_shared>>
        %dma_wait3A_89 = arith.constant 0 : i32
        %dma_wait3A_90 = tpu.memref_slice %arg8[%add3A_81, %dma_wait3A_89] : memref<10240x128xf32, #tpu.memory_space<vmem_shared>> -> memref<128x128xf32, #tpu.memory_space<vmem_shared>>
        tpu.wait_dma2 semaphore(%run_scoped3A_82 : memref<!tpu.dma_semaphore, #tpu.memory_space<semaphore_mem>>) src(%dma_wait3A_90 : memref<128x128xf32, #tpu.memory_space<vmem_shared>>) dst(%arg12 : memref<128x128xf32, #tpu.memory_space<vmem>>)
        tpu.yield
      }) : () -> ()
      "tpu.region"() ({
        %run_scoped3A_82 = tpu.sem_alloc : memref<!tpu.dma_semaphore, #tpu.memory_space<semaphore_mem>>
        %dma_start3A_83 = arith.constant 0 : i32
        %dma_start3A_84 = tpu.memref_slice %arg6[%arg0, %add3A_81, %dma_start3A_83] : memref<2x10240x128xf32, #tpu.memory_space<hbm>> -> memref<1x128x128xf32, #tpu.memory_space<hbm>>
        %dma_start3A_85 = tpu.memref_squeeze %dma_start3A_84 : memref<1x128x128xf32, #tpu.memory_space<hbm>> -> memref<128x128xf32, #tpu.memory_space<hbm>>
        %dma_start3A_86 = arith.constant 0 : i32
        %dma_start3A_87 = tpu.memref_slice %arg6[%arg0, %add3A_81, %dma_start3A_86] : memref<2x10240x128xf32, #tpu.memory_space<hbm>> -> memref<1x128x128xf32, #tpu.memory_space<hbm>>
        %dma_start3A_88 = tpu.memref_squeeze %dma_start3A_87 : memref<1x128x128xf32, #tpu.memory_space<hbm>> -> memref<128x128xf32, #tpu.memory_space<hbm>>
        tpu.enqueue_dma source(%arg12 : memref<128x128xf32, #tpu.memory_space<vmem>>) target(%dma_start3A_88 : memref<128x128xf32, #tpu.memory_space<hbm>>) target_semaphore(%run_scoped3A_82 : memref<!tpu.dma_semaphore, #tpu.memory_space<semaphore_mem>>)
        %dma_wait3A_89 = arith.constant 0 : i32
        %dma_wait3A_90 = tpu.memref_slice %arg6[%arg0, %add3A_81, %dma_wait3A_89] : memref<2x10240x128xf32, #tpu.memory_space<hbm>> -> memref<1x128x128xf32, #tpu.memory_space<hbm>>
        %dma_wait3A_91 = tpu.memref_squeeze %dma_wait3A_90 : memref<1x128x128xf32, #tpu.memory_space<hbm>> -> memref<128x128xf32, #tpu.memory_space<hbm>>
        %dma_wait3A_92 = arith.constant 0 : i32
        %dma_wait3A_93 = tpu.memref_slice %arg6[%arg0, %add3A_81, %dma_wait3A_92] : memref<2x10240x128xf32, #tpu.memory_space<hbm>> -> memref<1x128x128xf32, #tpu.memory_space<hbm>>
        %dma_wait3A_94 = tpu.memref_squeeze %dma_wait3A_93 : memref<1x128x128xf32, #tpu.memory_space<hbm>> -> memref<128x128xf32, #tpu.memory_space<hbm>>
        tpu.wait_dma2 semaphore(%run_scoped3A_82 : memref<!tpu.dma_semaphore, #tpu.memory_space<semaphore_mem>>) src(%arg12 : memref<128x128xf32, #tpu.memory_space<vmem>>) dst(%dma_wait3A_94 : memref<128x128xf32, #tpu.memory_space<hbm>>)
        tpu.yield
      }) : () -> ()
    }
    %scan3A_77 = arith.constant 5 : i32
    "tpu.region"() ({
      %run_scoped3A_78 = tpu.sem_alloc : memref<!tpu.dma_semaphore, #tpu.memory_space<semaphore_mem>>
      %dma_start3A_79 = tpu.memref_slice %arg9[%mul3A_2] : memref<10240xf32, #tpu.memory_space<vmem_shared>> -> memref<640xf32, #tpu.memory_space<vmem_shared>>
      %dma_start3A_80 = tpu.memref_slice %arg9[%mul3A_2] : memref<10240xf32, #tpu.memory_space<vmem_shared>> -> memref<640xf32, #tpu.memory_space<vmem_shared>>
      tpu.enqueue_dma source(%dma_start3A_80 : memref<640xf32, #tpu.memory_space<vmem_shared>>) target(%arg11 : memref<640xf32, #tpu.memory_space<vmem>>) target_semaphore(%run_scoped3A_78 : memref<!tpu.dma_semaphore, #tpu.memory_space<semaphore_mem>>)
      %dma_wait3A_81 = tpu.memref_slice %arg9[%mul3A_2] : memref<10240xf32, #tpu.memory_space<vmem_shared>> -> memref<640xf32, #tpu.memory_space<vmem_shared>>
      %dma_wait3A_82 = tpu.memref_slice %arg9[%mul3A_2] : memref<10240xf32, #tpu.memory_space<vmem_shared>> -> memref<640xf32, #tpu.memory_space<vmem_shared>>
      tpu.wait_dma2 semaphore(%run_scoped3A_78 : memref<!tpu.dma_semaphore, #tpu.memory_space<semaphore_mem>>) src(%dma_wait3A_82 : memref<640xf32, #tpu.memory_space<vmem_shared>>) dst(%arg11 : memref<640xf32, #tpu.memory_space<vmem>>)
      tpu.yield
    }) : () -> ()
    "tpu.region"() ({
      %run_scoped3A_78 = tpu.sem_alloc : memref<!tpu.dma_semaphore, #tpu.memory_space<semaphore_mem>>
      %dma_start3A_79 = tpu.memref_slice %arg7[%arg0, %mul3A_2] : memref<2x10240xf32, #tpu.memory_space<hbm>> -> memref<1x640xf32, #tpu.memory_space<hbm>>
      %dma_start3A_80 = tpu.memref_squeeze %dma_start3A_79 : memref<1x640xf32, #tpu.memory_space<hbm>> -> memref<640xf32, #tpu.memory_space<hbm>>
      %dma_start3A_81 = tpu.memref_slice %arg7[%arg0, %mul3A_2] : memref<2x10240xf32, #tpu.memory_space<hbm>> -> memref<1x640xf32, #tpu.memory_space<hbm>>
      %dma_start3A_82 = tpu.memref_squeeze %dma_start3A_81 : memref<1x640xf32, #tpu.memory_space<hbm>> -> memref<640xf32, #tpu.memory_space<hbm>>
      tpu.enqueue_dma source(%arg11 : memref<640xf32, #tpu.memory_space<vmem>>) target(%dma_start3A_82 : memref<640xf32, #tpu.memory_space<hbm>>) target_semaphore(%run_scoped3A_78 : memref<!tpu.dma_semaphore, #tpu.memory_space<semaphore_mem>>)
      %dma_wait3A_83 = tpu.memref_slice %arg7[%arg0, %mul3A_2] : memref<2x10240xf32, #tpu.memory_space<hbm>> -> memref<1x640xf32, #tpu.memory_space<hbm>>
      %dma_wait3A_84 = tpu.memref_squeeze %dma_wait3A_83 : memref<1x640xf32, #tpu.memory_space<hbm>> -> memref<640xf32, #tpu.memory_space<hbm>>
      %dma_wait3A_85 = tpu.memref_slice %arg7[%arg0, %mul3A_2] : memref<2x10240xf32, #tpu.memory_space<hbm>> -> memref<1x640xf32, #tpu.memory_space<hbm>>
      %dma_wait3A_86 = tpu.memref_squeeze %dma_wait3A_85 : memref<1x640xf32, #tpu.memory_space<hbm>> -> memref<640xf32, #tpu.memory_space<hbm>>
      tpu.wait_dma2 semaphore(%run_scoped3A_78 : memref<!tpu.dma_semaphore, #tpu.memory_space<semaphore_mem>>) src(%arg11 : memref<640xf32, #tpu.memory_space<vmem>>) dst(%dma_wait3A_86 : memref<640xf32, #tpu.memory_space<hbm>>)
      tpu.yield
    }) : () -> ()
    return
  }
}

#map = affine_map<(d0, d1) -> (0, 0)>
#map1 = affine_map<(d0, d1) -> (0, 0, 0, 0)>
#map2 = affine_map<(d0, d1) -> (0, 0, 0)>
module attributes {stable_mosaic.version = 14 : i64} {
  func.func @_seg_body(%arg0: i32, %arg1: i32, %arg2: memref<10240x128xf32, #tpu.memory_space<hbm>>, %arg3: memref<32x81x2x128xi32, #tpu.memory_space<hbm>>, %arg4: memref<128x128xf32, #tpu.memory_space<hbm>>, %arg5: memref<2x10240x128xf32, #tpu.memory_space<hbm>>, %arg6: memref<10240x128xf32, #tpu.memory_space<vmem_shared>>, %arg7: memref<128x128xf32, #tpu.memory_space<vmem>>, %arg8: memref<128x128xf32, #tpu.memory_space<vmem>>, %arg9: memref<2x128xi32, #tpu.memory_space<vmem>>, %arg10: memref<2x128xi32, #tpu.memory_space<vmem>>, %arg11: memref<!tpu.dma_semaphore, #tpu.memory_space<semaphore_mem>>, %arg12: memref<!tpu.dma_semaphore, #tpu.memory_space<semaphore_mem>>) attributes {dimension_semantics = [#tpu.dimension_semantics<core_parallel>, #tpu.dimension_semantics<subcore_parallel>], iteration_bounds = array<i64: 2, 16>, scalar_prefetch = 0 : i64, scratch_operands = 7 : i64, tpu.core_type = #tpu.core_type<sc_vector_subcore>, window_params = [{transform_indices = #map}, {transform_indices = #map1}, {transform_indices = #map}, {transform_indices = #map2}]} {
    %mul3A = arith.constant 2 : i32
    %mul3A_0 = arith.muli %arg1, %mul3A : i32
    %add3A = arith.addi %mul3A_0, %arg0 : i32
    %mul3A_1 = arith.constant 640 : i32
    %mul3A_2 = arith.muli %arg1, %mul3A_1 : i32
    "tpu.region"() ({
      %run_scoped3A_32 = tpu.sem_alloc : memref<!tpu.dma_semaphore, #tpu.memory_space<semaphore_mem>>
      tpu.enqueue_dma source(%arg4 : memref<128x128xf32, #tpu.memory_space<hbm>>) target(%arg7 : memref<128x128xf32, #tpu.memory_space<vmem>>) target_semaphore(%run_scoped3A_32 : memref<!tpu.dma_semaphore, #tpu.memory_space<semaphore_mem>>)
      tpu.wait_dma2 semaphore(%run_scoped3A_32 : memref<!tpu.dma_semaphore, #tpu.memory_space<semaphore_mem>>) src(%arg4 : memref<128x128xf32, #tpu.memory_space<hbm>>) dst(%arg7 : memref<128x128xf32, #tpu.memory_space<vmem>>)
      tpu.yield
    }) : () -> ()
    %scan3A = arith.constant 0 : i32
    %scan3A_3 = arith.constant 0 : i32
    %scan3A_4 = arith.constant 5 : i32
    %scan3A_5 = arith.addi %scan3A_3, %scan3A_4 : i32
    %scan3A_6 = arith.constant 1 : i32
    scf.for %scan3A_32 = %scan3A_3 to %scan3A_5 step %scan3A_6  : i32 {
      %mul3A_33 = arith.constant 128 : i32
      %mul3A_34 = arith.muli %scan3A_32, %mul3A_33 : i32
      %add3A_35 = arith.addi %mul3A_2, %mul3A_34 : i32
      "tpu.region"() ({
        %run_scoped3A_36 = tpu.sem_alloc : memref<!tpu.dma_semaphore, #tpu.memory_space<semaphore_mem>>
        %dma_start3A_37 = arith.constant 0 : i32
        %dma_start3A_38 = tpu.memref_slice %arg6[%add3A_35, %dma_start3A_37] : memref<10240x128xf32, #tpu.memory_space<vmem_shared>> -> memref<128x128xf32, #tpu.memory_space<vmem_shared>>
        %dma_start3A_39 = arith.constant 0 : i32
        %dma_start3A_40 = tpu.memref_slice %arg6[%add3A_35, %dma_start3A_39] : memref<10240x128xf32, #tpu.memory_space<vmem_shared>> -> memref<128x128xf32, #tpu.memory_space<vmem_shared>>
        tpu.enqueue_dma source(%arg7 : memref<128x128xf32, #tpu.memory_space<vmem>>) target(%dma_start3A_40 : memref<128x128xf32, #tpu.memory_space<vmem_shared>>) target_semaphore(%run_scoped3A_36 : memref<!tpu.dma_semaphore, #tpu.memory_space<semaphore_mem>>)
        %dma_wait3A_41 = arith.constant 0 : i32
        %dma_wait3A_42 = tpu.memref_slice %arg6[%add3A_35, %dma_wait3A_41] : memref<10240x128xf32, #tpu.memory_space<vmem_shared>> -> memref<128x128xf32, #tpu.memory_space<vmem_shared>>
        %dma_wait3A_43 = arith.constant 0 : i32
        %dma_wait3A_44 = tpu.memref_slice %arg6[%add3A_35, %dma_wait3A_43] : memref<10240x128xf32, #tpu.memory_space<vmem_shared>> -> memref<128x128xf32, #tpu.memory_space<vmem_shared>>
        tpu.wait_dma2 semaphore(%run_scoped3A_36 : memref<!tpu.dma_semaphore, #tpu.memory_space<semaphore_mem>>) src(%arg7 : memref<128x128xf32, #tpu.memory_space<vmem>>) dst(%dma_wait3A_44 : memref<128x128xf32, #tpu.memory_space<vmem_shared>>)
        tpu.yield
      }) : () -> ()
    }
    %scan3A_7 = arith.constant 5 : i32
    %run_scoped3A = arith.constant 0 : i32
    "tpu.region"() ({
      %run_scoped3A_32 = tpu.sem_alloc : memref<!tpu.dma_semaphore, #tpu.memory_space<semaphore_mem>>
      %dma_start3A_33 = arith.constant 0 : i32
      %dma_start3A_34 = arith.constant 0 : i32
      %dma_start3A_35 = tpu.memref_slice %arg3[%add3A, %run_scoped3A, %dma_start3A_33, %dma_start3A_34] : memref<32x81x2x128xi32, #tpu.memory_space<hbm>> -> memref<1x1x2x128xi32, #tpu.memory_space<hbm>>
      %dma_start3A_36 = tpu.memref_squeeze %dma_start3A_35 : memref<1x1x2x128xi32, #tpu.memory_space<hbm>> -> memref<2x128xi32, #tpu.memory_space<hbm>>
      %dma_start3A_37 = arith.constant 0 : i32
      %dma_start3A_38 = arith.constant 0 : i32
      %dma_start3A_39 = tpu.memref_slice %arg3[%add3A, %run_scoped3A, %dma_start3A_37, %dma_start3A_38] : memref<32x81x2x128xi32, #tpu.memory_space<hbm>> -> memref<1x1x2x128xi32, #tpu.memory_space<hbm>>
      %dma_start3A_40 = tpu.memref_squeeze %dma_start3A_39 : memref<1x1x2x128xi32, #tpu.memory_space<hbm>> -> memref<2x128xi32, #tpu.memory_space<hbm>>
      tpu.enqueue_dma source(%dma_start3A_40 : memref<2x128xi32, #tpu.memory_space<hbm>>) target(%arg9 : memref<2x128xi32, #tpu.memory_space<vmem>>) target_semaphore(%run_scoped3A_32 : memref<!tpu.dma_semaphore, #tpu.memory_space<semaphore_mem>>)
      %dma_wait3A_41 = arith.constant 0 : i32
      %dma_wait3A_42 = arith.constant 0 : i32
      %dma_wait3A_43 = tpu.memref_slice %arg3[%add3A, %run_scoped3A, %dma_wait3A_41, %dma_wait3A_42] : memref<32x81x2x128xi32, #tpu.memory_space<hbm>> -> memref<1x1x2x128xi32, #tpu.memory_space<hbm>>
      %dma_wait3A_44 = tpu.memref_squeeze %dma_wait3A_43 : memref<1x1x2x128xi32, #tpu.memory_space<hbm>> -> memref<2x128xi32, #tpu.memory_space<hbm>>
      %dma_wait3A_45 = arith.constant 0 : i32
      %dma_wait3A_46 = arith.constant 0 : i32
      %dma_wait3A_47 = tpu.memref_slice %arg3[%add3A, %run_scoped3A, %dma_wait3A_45, %dma_wait3A_46] : memref<32x81x2x128xi32, #tpu.memory_space<hbm>> -> memref<1x1x2x128xi32, #tpu.memory_space<hbm>>
      %dma_wait3A_48 = tpu.memref_squeeze %dma_wait3A_47 : memref<1x1x2x128xi32, #tpu.memory_space<hbm>> -> memref<2x128xi32, #tpu.memory_space<hbm>>
      tpu.wait_dma2 semaphore(%run_scoped3A_32 : memref<!tpu.dma_semaphore, #tpu.memory_space<semaphore_mem>>) src(%dma_wait3A_48 : memref<2x128xi32, #tpu.memory_space<hbm>>) dst(%arg9 : memref<2x128xi32, #tpu.memory_space<vmem>>)
      tpu.yield
    }) : () -> ()
    %dma_start3A = arith.constant 0 : i32
    %dma_start3A_8 = arith.constant 0 : i32
    %dma_start3A_9 = tpu.memref_slice %arg9[%dma_start3A, %dma_start3A_8] : memref<2x128xi32, #tpu.memory_space<vmem>> -> memref<1x128xi32, #tpu.memory_space<vmem>>
    %dma_start3A_10 = tpu.memref_squeeze %dma_start3A_9 : memref<1x128xi32, #tpu.memory_space<vmem>> -> memref<128xi32, #tpu.memory_space<vmem>>
    %dma_start3A_11 = arith.constant 0 : i32
    %dma_start3A_12 = arith.constant 0 : i32
    %dma_start3A_13 = tpu.memref_slice %arg2[%dma_start3A_11, %dma_start3A_12] : memref<10240x128xf32, #tpu.memory_space<hbm>> -> memref<10240x128xf32, #tpu.memory_space<hbm>>
    tpu.enqueue_indirect_dma source(%dma_start3A_13 : memref<10240x128xf32, #tpu.memory_space<hbm>>) target(%arg7 : memref<128x128xf32, #tpu.memory_space<vmem>>) offsets(%dma_start3A_10 : memref<128xi32, #tpu.memory_space<vmem>>) semaphore(%arg11 : memref<!tpu.dma_semaphore, #tpu.memory_space<semaphore_mem>>)
    %barrier3A = arith.constant 0 : index
    tpu.barrier barrier_id(%barrier3A)
    %scan3A_14 = arith.constant 0 : i32
    %scan3A_15 = arith.constant 0 : i32
    %scan3A_16 = arith.constant 40 : i32
    %scan3A_17 = arith.addi %scan3A_15, %scan3A_16 : i32
    %scan3A_18 = arith.constant 1 : i32
    scf.for %scan3A_32 = %scan3A_15 to %scan3A_17 step %scan3A_18  : i32 {
      %mul3A_33 = arith.constant 2 : i32
      %mul3A_34 = arith.muli %scan3A_32, %mul3A_33 : i32
      %add3A_35 = arith.constant 0 : i32
      %add3A_36 = arith.addi %mul3A_34, %add3A_35 : i32
      %add3A_37 = arith.constant 1 : i32
      %add3A_38 = arith.addi %add3A_36, %add3A_37 : i32
      "tpu.region"() ({
        %run_scoped3A_73 = tpu.sem_alloc : memref<!tpu.dma_semaphore, #tpu.memory_space<semaphore_mem>>
        %dma_start3A_74 = arith.constant 0 : i32
        %dma_start3A_75 = arith.constant 0 : i32
        %dma_start3A_76 = tpu.memref_slice %arg3[%add3A, %add3A_38, %dma_start3A_74, %dma_start3A_75] : memref<32x81x2x128xi32, #tpu.memory_space<hbm>> -> memref<1x1x2x128xi32, #tpu.memory_space<hbm>>
        %dma_start3A_77 = tpu.memref_squeeze %dma_start3A_76 : memref<1x1x2x128xi32, #tpu.memory_space<hbm>> -> memref<2x128xi32, #tpu.memory_space<hbm>>
        %dma_start3A_78 = arith.constant 0 : i32
        %dma_start3A_79 = arith.constant 0 : i32
        %dma_start3A_80 = tpu.memref_slice %arg3[%add3A, %add3A_38, %dma_start3A_78, %dma_start3A_79] : memref<32x81x2x128xi32, #tpu.memory_space<hbm>> -> memref<1x1x2x128xi32, #tpu.memory_space<hbm>>
        %dma_start3A_81 = tpu.memref_squeeze %dma_start3A_80 : memref<1x1x2x128xi32, #tpu.memory_space<hbm>> -> memref<2x128xi32, #tpu.memory_space<hbm>>
        tpu.enqueue_dma source(%dma_start3A_81 : memref<2x128xi32, #tpu.memory_space<hbm>>) target(%arg10 : memref<2x128xi32, #tpu.memory_space<vmem>>) target_semaphore(%run_scoped3A_73 : memref<!tpu.dma_semaphore, #tpu.memory_space<semaphore_mem>>)
        %dma_wait3A_82 = arith.constant 0 : i32
        %dma_wait3A_83 = arith.constant 0 : i32
        %dma_wait3A_84 = tpu.memref_slice %arg3[%add3A, %add3A_38, %dma_wait3A_82, %dma_wait3A_83] : memref<32x81x2x128xi32, #tpu.memory_space<hbm>> -> memref<1x1x2x128xi32, #tpu.memory_space<hbm>>
        %dma_wait3A_85 = tpu.memref_squeeze %dma_wait3A_84 : memref<1x1x2x128xi32, #tpu.memory_space<hbm>> -> memref<2x128xi32, #tpu.memory_space<hbm>>
        %dma_wait3A_86 = arith.constant 0 : i32
        %dma_wait3A_87 = arith.constant 0 : i32
        %dma_wait3A_88 = tpu.memref_slice %arg3[%add3A, %add3A_38, %dma_wait3A_86, %dma_wait3A_87] : memref<32x81x2x128xi32, #tpu.memory_space<hbm>> -> memref<1x1x2x128xi32, #tpu.memory_space<hbm>>
        %dma_wait3A_89 = tpu.memref_squeeze %dma_wait3A_88 : memref<1x1x2x128xi32, #tpu.memory_space<hbm>> -> memref<2x128xi32, #tpu.memory_space<hbm>>
        tpu.wait_dma2 semaphore(%run_scoped3A_73 : memref<!tpu.dma_semaphore, #tpu.memory_space<semaphore_mem>>) src(%dma_wait3A_89 : memref<2x128xi32, #tpu.memory_space<hbm>>) dst(%arg10 : memref<2x128xi32, #tpu.memory_space<vmem>>)
        tpu.yield
      }) : () -> ()
      %dma_wait3A_39 = arith.constant 0 : i32
      %dma_wait3A_40 = arith.constant 0 : i32
      %dma_wait3A_41 = tpu.memref_slice %arg2[%dma_wait3A_39, %dma_wait3A_40] : memref<10240x128xf32, #tpu.memory_space<hbm>> -> memref<128x128xf32, #tpu.memory_space<hbm>>
      %dma_wait3A_42 = arith.constant 0 : i32
      %dma_wait3A_43 = arith.constant 0 : i32
      %dma_wait3A_44 = tpu.memref_slice %arg2[%dma_wait3A_42, %dma_wait3A_43] : memref<10240x128xf32, #tpu.memory_space<hbm>> -> memref<128x128xf32, #tpu.memory_space<hbm>>
      tpu.wait_dma2 semaphore(%arg11 : memref<!tpu.dma_semaphore, #tpu.memory_space<semaphore_mem>>) src(%dma_wait3A_44 : memref<128x128xf32, #tpu.memory_space<hbm>>) dst(%arg7 : memref<128x128xf32, #tpu.memory_space<vmem>>)
      %dma_start3A_45 = arith.constant 0 : i32
      %dma_start3A_46 = arith.constant 0 : i32
      %dma_start3A_47 = tpu.memref_slice %arg10[%dma_start3A_45, %dma_start3A_46] : memref<2x128xi32, #tpu.memory_space<vmem>> -> memref<1x128xi32, #tpu.memory_space<vmem>>
      %dma_start3A_48 = tpu.memref_squeeze %dma_start3A_47 : memref<1x128xi32, #tpu.memory_space<vmem>> -> memref<128xi32, #tpu.memory_space<vmem>>
      %dma_start3A_49 = arith.constant 0 : i32
      %dma_start3A_50 = arith.constant 0 : i32
      %dma_start3A_51 = tpu.memref_slice %arg2[%dma_start3A_49, %dma_start3A_50] : memref<10240x128xf32, #tpu.memory_space<hbm>> -> memref<10240x128xf32, #tpu.memory_space<hbm>>
      tpu.enqueue_indirect_dma source(%dma_start3A_51 : memref<10240x128xf32, #tpu.memory_space<hbm>>) target(%arg8 : memref<128x128xf32, #tpu.memory_space<vmem>>) offsets(%dma_start3A_48 : memref<128xi32, #tpu.memory_space<vmem>>) semaphore(%arg12 : memref<!tpu.dma_semaphore, #tpu.memory_space<semaphore_mem>>)
      %run_scoped3A_52 = arith.constant 1 : i32
      "tpu.region"() ({
        %run_scoped3A_73 = tpu.sem_alloc : memref<!tpu.dma_semaphore, #tpu.memory_space<semaphore_mem>>
        %dma_start3A_74 = arith.constant 0 : i32
        %dma_start3A_75 = tpu.memref_slice %arg9[%run_scoped3A_52, %dma_start3A_74] : memref<2x128xi32, #tpu.memory_space<vmem>> -> memref<1x128xi32, #tpu.memory_space<vmem>>
        %dma_start3A_76 = tpu.memref_squeeze %dma_start3A_75 : memref<1x128xi32, #tpu.memory_space<vmem>> -> memref<128xi32, #tpu.memory_space<vmem>>
        %dma_start3A_77 = arith.constant 0 : i32
        %dma_start3A_78 = arith.constant 0 : i32
        %dma_start3A_79 = tpu.memref_slice %arg6[%dma_start3A_77, %dma_start3A_78] : memref<10240x128xf32, #tpu.memory_space<vmem_shared>> -> memref<10240x128xf32, #tpu.memory_space<vmem_shared>>
        tpu.enqueue_indirect_dma source(%arg7 : memref<128x128xf32, #tpu.memory_space<vmem>>) target(%dma_start3A_79 : memref<10240x128xf32, #tpu.memory_space<vmem_shared>>) offsets(%dma_start3A_76 : memref<128xi32, #tpu.memory_space<vmem>>) semaphore(%run_scoped3A_73 : memref<!tpu.dma_semaphore, #tpu.memory_space<semaphore_mem>>) {add = true}
        %dma_wait3A_80 = arith.constant 0 : i32
        %dma_wait3A_81 = tpu.memref_slice %arg9[%run_scoped3A_52, %dma_wait3A_80] : memref<2x128xi32, #tpu.memory_space<vmem>> -> memref<1x128xi32, #tpu.memory_space<vmem>>
        %dma_wait3A_82 = tpu.memref_squeeze %dma_wait3A_81 : memref<1x128xi32, #tpu.memory_space<vmem>> -> memref<128xi32, #tpu.memory_space<vmem>>
        %dma_wait3A_83 = arith.constant 0 : i32
        %dma_wait3A_84 = arith.constant 0 : i32
        %dma_wait3A_85 = tpu.memref_slice %arg6[%dma_wait3A_83, %dma_wait3A_84] : memref<10240x128xf32, #tpu.memory_space<vmem_shared>> -> memref<10240x128xf32, #tpu.memory_space<vmem_shared>>
        tpu.wait_indirect_dma semaphore(%run_scoped3A_73 : memref<!tpu.dma_semaphore, #tpu.memory_space<semaphore_mem>>) src(%arg7 : memref<128x128xf32, #tpu.memory_space<vmem>>) dst(%dma_wait3A_85 : memref<10240x128xf32, #tpu.memory_space<vmem_shared>>)
        tpu.yield
      }) : () -> ()
      %mul3A_53 = arith.constant 2 : i32
      %mul3A_54 = arith.muli %scan3A_32, %mul3A_53 : i32
      %add3A_55 = arith.constant 1 : i32
      %add3A_56 = arith.addi %mul3A_54, %add3A_55 : i32
      %add3A_57 = arith.constant 1 : i32
      %add3A_58 = arith.addi %add3A_56, %add3A_57 : i32
      "tpu.region"() ({
        %run_scoped3A_73 = tpu.sem_alloc : memref<!tpu.dma_semaphore, #tpu.memory_space<semaphore_mem>>
        %dma_start3A_74 = arith.constant 0 : i32
        %dma_start3A_75 = arith.constant 0 : i32
        %dma_start3A_76 = tpu.memref_slice %arg3[%add3A, %add3A_58, %dma_start3A_74, %dma_start3A_75] : memref<32x81x2x128xi32, #tpu.memory_space<hbm>> -> memref<1x1x2x128xi32, #tpu.memory_space<hbm>>
        %dma_start3A_77 = tpu.memref_squeeze %dma_start3A_76 : memref<1x1x2x128xi32, #tpu.memory_space<hbm>> -> memref<2x128xi32, #tpu.memory_space<hbm>>
        %dma_start3A_78 = arith.constant 0 : i32
        %dma_start3A_79 = arith.constant 0 : i32
        %dma_start3A_80 = tpu.memref_slice %arg3[%add3A, %add3A_58, %dma_start3A_78, %dma_start3A_79] : memref<32x81x2x128xi32, #tpu.memory_space<hbm>> -> memref<1x1x2x128xi32, #tpu.memory_space<hbm>>
        %dma_start3A_81 = tpu.memref_squeeze %dma_start3A_80 : memref<1x1x2x128xi32, #tpu.memory_space<hbm>> -> memref<2x128xi32, #tpu.memory_space<hbm>>
        tpu.enqueue_dma source(%dma_start3A_81 : memref<2x128xi32, #tpu.memory_space<hbm>>) target(%arg9 : memref<2x128xi32, #tpu.memory_space<vmem>>) target_semaphore(%run_scoped3A_73 : memref<!tpu.dma_semaphore, #tpu.memory_space<semaphore_mem>>)
        %dma_wait3A_82 = arith.constant 0 : i32
        %dma_wait3A_83 = arith.constant 0 : i32
        %dma_wait3A_84 = tpu.memref_slice %arg3[%add3A, %add3A_58, %dma_wait3A_82, %dma_wait3A_83] : memref<32x81x2x128xi32, #tpu.memory_space<hbm>> -> memref<1x1x2x128xi32, #tpu.memory_space<hbm>>
        %dma_wait3A_85 = tpu.memref_squeeze %dma_wait3A_84 : memref<1x1x2x128xi32, #tpu.memory_space<hbm>> -> memref<2x128xi32, #tpu.memory_space<hbm>>
        %dma_wait3A_86 = arith.constant 0 : i32
        %dma_wait3A_87 = arith.constant 0 : i32
        %dma_wait3A_88 = tpu.memref_slice %arg3[%add3A, %add3A_58, %dma_wait3A_86, %dma_wait3A_87] : memref<32x81x2x128xi32, #tpu.memory_space<hbm>> -> memref<1x1x2x128xi32, #tpu.memory_space<hbm>>
        %dma_wait3A_89 = tpu.memref_squeeze %dma_wait3A_88 : memref<1x1x2x128xi32, #tpu.memory_space<hbm>> -> memref<2x128xi32, #tpu.memory_space<hbm>>
        tpu.wait_dma2 semaphore(%run_scoped3A_73 : memref<!tpu.dma_semaphore, #tpu.memory_space<semaphore_mem>>) src(%dma_wait3A_89 : memref<2x128xi32, #tpu.memory_space<hbm>>) dst(%arg9 : memref<2x128xi32, #tpu.memory_space<vmem>>)
        tpu.yield
      }) : () -> ()
      %dma_wait3A_59 = arith.constant 0 : i32
      %dma_wait3A_60 = arith.constant 0 : i32
      %dma_wait3A_61 = tpu.memref_slice %arg2[%dma_wait3A_59, %dma_wait3A_60] : memref<10240x128xf32, #tpu.memory_space<hbm>> -> memref<128x128xf32, #tpu.memory_space<hbm>>
      %dma_wait3A_62 = arith.constant 0 : i32
      %dma_wait3A_63 = arith.constant 0 : i32
      %dma_wait3A_64 = tpu.memref_slice %arg2[%dma_wait3A_62, %dma_wait3A_63] : memref<10240x128xf32, #tpu.memory_space<hbm>> -> memref<128x128xf32, #tpu.memory_space<hbm>>
      tpu.wait_dma2 semaphore(%arg12 : memref<!tpu.dma_semaphore, #tpu.memory_space<semaphore_mem>>) src(%dma_wait3A_64 : memref<128x128xf32, #tpu.memory_space<hbm>>) dst(%arg8 : memref<128x128xf32, #tpu.memory_space<vmem>>)
      %dma_start3A_65 = arith.constant 0 : i32
      %dma_start3A_66 = arith.constant 0 : i32
      %dma_start3A_67 = tpu.memref_slice %arg9[%dma_start3A_65, %dma_start3A_66] : memref<2x128xi32, #tpu.memory_space<vmem>> -> memref<1x128xi32, #tpu.memory_space<vmem>>
      %dma_start3A_68 = tpu.memref_squeeze %dma_start3A_67 : memref<1x128xi32, #tpu.memory_space<vmem>> -> memref<128xi32, #tpu.memory_space<vmem>>
      %dma_start3A_69 = arith.constant 0 : i32
      %dma_start3A_70 = arith.constant 0 : i32
      %dma_start3A_71 = tpu.memref_slice %arg2[%dma_start3A_69, %dma_start3A_70] : memref<10240x128xf32, #tpu.memory_space<hbm>> -> memref<10240x128xf32, #tpu.memory_space<hbm>>
      tpu.enqueue_indirect_dma source(%dma_start3A_71 : memref<10240x128xf32, #tpu.memory_space<hbm>>) target(%arg7 : memref<128x128xf32, #tpu.memory_space<vmem>>) offsets(%dma_start3A_68 : memref<128xi32, #tpu.memory_space<vmem>>) semaphore(%arg11 : memref<!tpu.dma_semaphore, #tpu.memory_space<semaphore_mem>>)
      %run_scoped3A_72 = arith.constant 1 : i32
      "tpu.region"() ({
        %run_scoped3A_73 = tpu.sem_alloc : memref<!tpu.dma_semaphore, #tpu.memory_space<semaphore_mem>>
        %dma_start3A_74 = arith.constant 0 : i32
        %dma_start3A_75 = tpu.memref_slice %arg10[%run_scoped3A_72, %dma_start3A_74] : memref<2x128xi32, #tpu.memory_space<vmem>> -> memref<1x128xi32, #tpu.memory_space<vmem>>
        %dma_start3A_76 = tpu.memref_squeeze %dma_start3A_75 : memref<1x128xi32, #tpu.memory_space<vmem>> -> memref<128xi32, #tpu.memory_space<vmem>>
        %dma_start3A_77 = arith.constant 0 : i32
        %dma_start3A_78 = arith.constant 0 : i32
        %dma_start3A_79 = tpu.memref_slice %arg6[%dma_start3A_77, %dma_start3A_78] : memref<10240x128xf32, #tpu.memory_space<vmem_shared>> -> memref<10240x128xf32, #tpu.memory_space<vmem_shared>>
        tpu.enqueue_indirect_dma source(%arg8 : memref<128x128xf32, #tpu.memory_space<vmem>>) target(%dma_start3A_79 : memref<10240x128xf32, #tpu.memory_space<vmem_shared>>) offsets(%dma_start3A_76 : memref<128xi32, #tpu.memory_space<vmem>>) semaphore(%run_scoped3A_73 : memref<!tpu.dma_semaphore, #tpu.memory_space<semaphore_mem>>) {add = true}
        %dma_wait3A_80 = arith.constant 0 : i32
        %dma_wait3A_81 = tpu.memref_slice %arg10[%run_scoped3A_72, %dma_wait3A_80] : memref<2x128xi32, #tpu.memory_space<vmem>> -> memref<1x128xi32, #tpu.memory_space<vmem>>
        %dma_wait3A_82 = tpu.memref_squeeze %dma_wait3A_81 : memref<1x128xi32, #tpu.memory_space<vmem>> -> memref<128xi32, #tpu.memory_space<vmem>>
        %dma_wait3A_83 = arith.constant 0 : i32
        %dma_wait3A_84 = arith.constant 0 : i32
        %dma_wait3A_85 = tpu.memref_slice %arg6[%dma_wait3A_83, %dma_wait3A_84] : memref<10240x128xf32, #tpu.memory_space<vmem_shared>> -> memref<10240x128xf32, #tpu.memory_space<vmem_shared>>
        tpu.wait_indirect_dma semaphore(%run_scoped3A_73 : memref<!tpu.dma_semaphore, #tpu.memory_space<semaphore_mem>>) src(%arg8 : memref<128x128xf32, #tpu.memory_space<vmem>>) dst(%dma_wait3A_85 : memref<10240x128xf32, #tpu.memory_space<vmem_shared>>)
        tpu.yield
      }) : () -> ()
    }
    %scan3A_19 = arith.constant 40 : i32
    %dma_wait3A = arith.constant 0 : i32
    %dma_wait3A_20 = arith.constant 0 : i32
    %dma_wait3A_21 = tpu.memref_slice %arg2[%dma_wait3A, %dma_wait3A_20] : memref<10240x128xf32, #tpu.memory_space<hbm>> -> memref<128x128xf32, #tpu.memory_space<hbm>>
    %dma_wait3A_22 = arith.constant 0 : i32
    %dma_wait3A_23 = arith.constant 0 : i32
    %dma_wait3A_24 = tpu.memref_slice %arg2[%dma_wait3A_22, %dma_wait3A_23] : memref<10240x128xf32, #tpu.memory_space<hbm>> -> memref<128x128xf32, #tpu.memory_space<hbm>>
    tpu.wait_dma2 semaphore(%arg11 : memref<!tpu.dma_semaphore, #tpu.memory_space<semaphore_mem>>) src(%dma_wait3A_24 : memref<128x128xf32, #tpu.memory_space<hbm>>) dst(%arg7 : memref<128x128xf32, #tpu.memory_space<vmem>>)
    %barrier3A_25 = arith.constant 0 : index
    tpu.barrier barrier_id(%barrier3A_25)
    %scan3A_26 = arith.constant 0 : i32
    %scan3A_27 = arith.constant 0 : i32
    %scan3A_28 = arith.constant 5 : i32
    %scan3A_29 = arith.addi %scan3A_27, %scan3A_28 : i32
    %scan3A_30 = arith.constant 1 : i32
    scf.for %scan3A_32 = %scan3A_27 to %scan3A_29 step %scan3A_30  : i32 {
      %mul3A_33 = arith.constant 128 : i32
      %mul3A_34 = arith.muli %scan3A_32, %mul3A_33 : i32
      %add3A_35 = arith.addi %mul3A_2, %mul3A_34 : i32
      "tpu.region"() ({
        %run_scoped3A_36 = tpu.sem_alloc : memref<!tpu.dma_semaphore, #tpu.memory_space<semaphore_mem>>
        %dma_start3A_37 = arith.constant 0 : i32
        %dma_start3A_38 = tpu.memref_slice %arg6[%add3A_35, %dma_start3A_37] : memref<10240x128xf32, #tpu.memory_space<vmem_shared>> -> memref<128x128xf32, #tpu.memory_space<vmem_shared>>
        %dma_start3A_39 = arith.constant 0 : i32
        %dma_start3A_40 = tpu.memref_slice %arg6[%add3A_35, %dma_start3A_39] : memref<10240x128xf32, #tpu.memory_space<vmem_shared>> -> memref<128x128xf32, #tpu.memory_space<vmem_shared>>
        tpu.enqueue_dma source(%dma_start3A_40 : memref<128x128xf32, #tpu.memory_space<vmem_shared>>) target(%arg7 : memref<128x128xf32, #tpu.memory_space<vmem>>) target_semaphore(%run_scoped3A_36 : memref<!tpu.dma_semaphore, #tpu.memory_space<semaphore_mem>>)
        %dma_wait3A_41 = arith.constant 0 : i32
        %dma_wait3A_42 = tpu.memref_slice %arg6[%add3A_35, %dma_wait3A_41] : memref<10240x128xf32, #tpu.memory_space<vmem_shared>> -> memref<128x128xf32, #tpu.memory_space<vmem_shared>>
        %dma_wait3A_43 = arith.constant 0 : i32
        %dma_wait3A_44 = tpu.memref_slice %arg6[%add3A_35, %dma_wait3A_43] : memref<10240x128xf32, #tpu.memory_space<vmem_shared>> -> memref<128x128xf32, #tpu.memory_space<vmem_shared>>
        tpu.wait_dma2 semaphore(%run_scoped3A_36 : memref<!tpu.dma_semaphore, #tpu.memory_space<semaphore_mem>>) src(%dma_wait3A_44 : memref<128x128xf32, #tpu.memory_space<vmem_shared>>) dst(%arg7 : memref<128x128xf32, #tpu.memory_space<vmem>>)
        tpu.yield
      }) : () -> ()
      "tpu.region"() ({
        %run_scoped3A_36 = tpu.sem_alloc : memref<!tpu.dma_semaphore, #tpu.memory_space<semaphore_mem>>
        %dma_start3A_37 = arith.constant 0 : i32
        %dma_start3A_38 = tpu.memref_slice %arg5[%arg0, %add3A_35, %dma_start3A_37] : memref<2x10240x128xf32, #tpu.memory_space<hbm>> -> memref<1x128x128xf32, #tpu.memory_space<hbm>>
        %dma_start3A_39 = tpu.memref_squeeze %dma_start3A_38 : memref<1x128x128xf32, #tpu.memory_space<hbm>> -> memref<128x128xf32, #tpu.memory_space<hbm>>
        %dma_start3A_40 = arith.constant 0 : i32
        %dma_start3A_41 = tpu.memref_slice %arg5[%arg0, %add3A_35, %dma_start3A_40] : memref<2x10240x128xf32, #tpu.memory_space<hbm>> -> memref<1x128x128xf32, #tpu.memory_space<hbm>>
        %dma_start3A_42 = tpu.memref_squeeze %dma_start3A_41 : memref<1x128x128xf32, #tpu.memory_space<hbm>> -> memref<128x128xf32, #tpu.memory_space<hbm>>
        tpu.enqueue_dma source(%arg7 : memref<128x128xf32, #tpu.memory_space<vmem>>) target(%dma_start3A_42 : memref<128x128xf32, #tpu.memory_space<hbm>>) target_semaphore(%run_scoped3A_36 : memref<!tpu.dma_semaphore, #tpu.memory_space<semaphore_mem>>)
        %dma_wait3A_43 = arith.constant 0 : i32
        %dma_wait3A_44 = tpu.memref_slice %arg5[%arg0, %add3A_35, %dma_wait3A_43] : memref<2x10240x128xf32, #tpu.memory_space<hbm>> -> memref<1x128x128xf32, #tpu.memory_space<hbm>>
        %dma_wait3A_45 = tpu.memref_squeeze %dma_wait3A_44 : memref<1x128x128xf32, #tpu.memory_space<hbm>> -> memref<128x128xf32, #tpu.memory_space<hbm>>
        %dma_wait3A_46 = arith.constant 0 : i32
        %dma_wait3A_47 = tpu.memref_slice %arg5[%arg0, %add3A_35, %dma_wait3A_46] : memref<2x10240x128xf32, #tpu.memory_space<hbm>> -> memref<1x128x128xf32, #tpu.memory_space<hbm>>
        %dma_wait3A_48 = tpu.memref_squeeze %dma_wait3A_47 : memref<1x128x128xf32, #tpu.memory_space<hbm>> -> memref<128x128xf32, #tpu.memory_space<hbm>>
        tpu.wait_dma2 semaphore(%run_scoped3A_36 : memref<!tpu.dma_semaphore, #tpu.memory_space<semaphore_mem>>) src(%arg7 : memref<128x128xf32, #tpu.memory_space<vmem>>) dst(%dma_wait3A_48 : memref<128x128xf32, #tpu.memory_space<hbm>>)
        tpu.yield
      }) : () -> ()
    }
    %scan3A_31 = arith.constant 5 : i32
    return
  }
}

#map = affine_map<(d0, d1) -> (0, 0)>
#map1 = affine_map<(d0, d1) -> (0, 0, 0, 0)>
#map2 = affine_map<(d0, d1) -> (0, 0, 0)>
module attributes {stable_mosaic.version = 14 : i64} {
  func.func @_seg_body(%arg0: i32, %arg1: i32, %arg2: memref<10240x128xf32, #tpu.memory_space<hbm>>, %arg3: memref<32x81x2x128xi32, #tpu.memory_space<hbm>>, %arg4: memref<128x128xf32, #tpu.memory_space<hbm>>, %arg5: memref<2x10240x128xf32, #tpu.memory_space<hbm>>, %arg6: memref<10240x128xf32, #tpu.memory_space<vmem_shared>>, %arg7: memref<128x128xf32, #tpu.memory_space<vmem>>, %arg8: memref<128x128xf32, #tpu.memory_space<vmem>>, %arg9: memref<2x128xi32, #tpu.memory_space<vmem>>, %arg10: memref<2x128xi32, #tpu.memory_space<vmem>>, %arg11: memref<!tpu.dma_semaphore, #tpu.memory_space<semaphore_mem>>, %arg12: memref<!tpu.dma_semaphore, #tpu.memory_space<semaphore_mem>>) attributes {dimension_semantics = [#tpu.dimension_semantics<core_parallel>, #tpu.dimension_semantics<subcore_parallel>], iteration_bounds = array<i64: 2, 16>, scalar_prefetch = 0 : i64, scratch_operands = 7 : i64, tpu.core_type = #tpu.core_type<sc_vector_subcore>, window_params = [{transform_indices = #map}, {transform_indices = #map1}, {transform_indices = #map}, {transform_indices = #map2}]} {
    %mul3A = arith.constant 2 : i32
    %mul3A_0 = arith.muli %arg1, %mul3A : i32
    %add3A = arith.addi %mul3A_0, %arg0 : i32
    %mul3A_1 = arith.constant 640 : i32
    %mul3A_2 = arith.muli %arg1, %mul3A_1 : i32
    "tpu.region"() ({
      %run_scoped3A_32 = tpu.sem_alloc : memref<!tpu.dma_semaphore, #tpu.memory_space<semaphore_mem>>
      tpu.enqueue_dma source(%arg4 : memref<128x128xf32, #tpu.memory_space<hbm>>) target(%arg7 : memref<128x128xf32, #tpu.memory_space<vmem>>) target_semaphore(%run_scoped3A_32 : memref<!tpu.dma_semaphore, #tpu.memory_space<semaphore_mem>>)
      tpu.wait_dma2 semaphore(%run_scoped3A_32 : memref<!tpu.dma_semaphore, #tpu.memory_space<semaphore_mem>>) src(%arg4 : memref<128x128xf32, #tpu.memory_space<hbm>>) dst(%arg7 : memref<128x128xf32, #tpu.memory_space<vmem>>)
      tpu.yield
    }) : () -> ()
    %scan3A = arith.constant 0 : i32
    %scan3A_3 = arith.constant 0 : i32
    %scan3A_4 = arith.constant 5 : i32
    %scan3A_5 = arith.addi %scan3A_3, %scan3A_4 : i32
    %scan3A_6 = arith.constant 1 : i32
    scf.for %scan3A_32 = %scan3A_3 to %scan3A_5 step %scan3A_6  : i32 {
      %mul3A_33 = arith.constant 128 : i32
      %mul3A_34 = arith.muli %scan3A_32, %mul3A_33 : i32
      %add3A_35 = arith.addi %mul3A_2, %mul3A_34 : i32
      "tpu.region"() ({
        %run_scoped3A_36 = tpu.sem_alloc : memref<!tpu.dma_semaphore, #tpu.memory_space<semaphore_mem>>
        %dma_start3A_37 = arith.constant 0 : i32
        %dma_start3A_38 = tpu.memref_slice %arg6[%add3A_35, %dma_start3A_37] : memref<10240x128xf32, #tpu.memory_space<vmem_shared>> -> memref<128x128xf32, #tpu.memory_space<vmem_shared>>
        %dma_start3A_39 = arith.constant 0 : i32
        %dma_start3A_40 = tpu.memref_slice %arg6[%add3A_35, %dma_start3A_39] : memref<10240x128xf32, #tpu.memory_space<vmem_shared>> -> memref<128x128xf32, #tpu.memory_space<vmem_shared>>
        tpu.enqueue_dma source(%arg7 : memref<128x128xf32, #tpu.memory_space<vmem>>) target(%dma_start3A_40 : memref<128x128xf32, #tpu.memory_space<vmem_shared>>) target_semaphore(%run_scoped3A_36 : memref<!tpu.dma_semaphore, #tpu.memory_space<semaphore_mem>>)
        %dma_wait3A_41 = arith.constant 0 : i32
        %dma_wait3A_42 = tpu.memref_slice %arg6[%add3A_35, %dma_wait3A_41] : memref<10240x128xf32, #tpu.memory_space<vmem_shared>> -> memref<128x128xf32, #tpu.memory_space<vmem_shared>>
        %dma_wait3A_43 = arith.constant 0 : i32
        %dma_wait3A_44 = tpu.memref_slice %arg6[%add3A_35, %dma_wait3A_43] : memref<10240x128xf32, #tpu.memory_space<vmem_shared>> -> memref<128x128xf32, #tpu.memory_space<vmem_shared>>
        tpu.wait_dma2 semaphore(%run_scoped3A_36 : memref<!tpu.dma_semaphore, #tpu.memory_space<semaphore_mem>>) src(%arg7 : memref<128x128xf32, #tpu.memory_space<vmem>>) dst(%dma_wait3A_44 : memref<128x128xf32, #tpu.memory_space<vmem_shared>>)
        tpu.yield
      }) : () -> ()
    }
    %scan3A_7 = arith.constant 5 : i32
    %run_scoped3A = arith.constant 0 : i32
    "tpu.region"() ({
      %run_scoped3A_32 = tpu.sem_alloc : memref<!tpu.dma_semaphore, #tpu.memory_space<semaphore_mem>>
      %dma_start3A_33 = arith.constant 0 : i32
      %dma_start3A_34 = arith.constant 0 : i32
      %dma_start3A_35 = tpu.memref_slice %arg3[%add3A, %run_scoped3A, %dma_start3A_33, %dma_start3A_34] : memref<32x81x2x128xi32, #tpu.memory_space<hbm>> -> memref<1x1x2x128xi32, #tpu.memory_space<hbm>>
      %dma_start3A_36 = tpu.memref_squeeze %dma_start3A_35 : memref<1x1x2x128xi32, #tpu.memory_space<hbm>> -> memref<2x128xi32, #tpu.memory_space<hbm>>
      %dma_start3A_37 = arith.constant 0 : i32
      %dma_start3A_38 = arith.constant 0 : i32
      %dma_start3A_39 = tpu.memref_slice %arg3[%add3A, %run_scoped3A, %dma_start3A_37, %dma_start3A_38] : memref<32x81x2x128xi32, #tpu.memory_space<hbm>> -> memref<1x1x2x128xi32, #tpu.memory_space<hbm>>
      %dma_start3A_40 = tpu.memref_squeeze %dma_start3A_39 : memref<1x1x2x128xi32, #tpu.memory_space<hbm>> -> memref<2x128xi32, #tpu.memory_space<hbm>>
      tpu.enqueue_dma source(%dma_start3A_40 : memref<2x128xi32, #tpu.memory_space<hbm>>) target(%arg9 : memref<2x128xi32, #tpu.memory_space<vmem>>) target_semaphore(%run_scoped3A_32 : memref<!tpu.dma_semaphore, #tpu.memory_space<semaphore_mem>>)
      %dma_wait3A_41 = arith.constant 0 : i32
      %dma_wait3A_42 = arith.constant 0 : i32
      %dma_wait3A_43 = tpu.memref_slice %arg3[%add3A, %run_scoped3A, %dma_wait3A_41, %dma_wait3A_42] : memref<32x81x2x128xi32, #tpu.memory_space<hbm>> -> memref<1x1x2x128xi32, #tpu.memory_space<hbm>>
      %dma_wait3A_44 = tpu.memref_squeeze %dma_wait3A_43 : memref<1x1x2x128xi32, #tpu.memory_space<hbm>> -> memref<2x128xi32, #tpu.memory_space<hbm>>
      %dma_wait3A_45 = arith.constant 0 : i32
      %dma_wait3A_46 = arith.constant 0 : i32
      %dma_wait3A_47 = tpu.memref_slice %arg3[%add3A, %run_scoped3A, %dma_wait3A_45, %dma_wait3A_46] : memref<32x81x2x128xi32, #tpu.memory_space<hbm>> -> memref<1x1x2x128xi32, #tpu.memory_space<hbm>>
      %dma_wait3A_48 = tpu.memref_squeeze %dma_wait3A_47 : memref<1x1x2x128xi32, #tpu.memory_space<hbm>> -> memref<2x128xi32, #tpu.memory_space<hbm>>
      tpu.wait_dma2 semaphore(%run_scoped3A_32 : memref<!tpu.dma_semaphore, #tpu.memory_space<semaphore_mem>>) src(%dma_wait3A_48 : memref<2x128xi32, #tpu.memory_space<hbm>>) dst(%arg9 : memref<2x128xi32, #tpu.memory_space<vmem>>)
      tpu.yield
    }) : () -> ()
    %dma_start3A = arith.constant 0 : i32
    %dma_start3A_8 = arith.constant 0 : i32
    %dma_start3A_9 = tpu.memref_slice %arg9[%dma_start3A, %dma_start3A_8] : memref<2x128xi32, #tpu.memory_space<vmem>> -> memref<1x128xi32, #tpu.memory_space<vmem>>
    %dma_start3A_10 = tpu.memref_squeeze %dma_start3A_9 : memref<1x128xi32, #tpu.memory_space<vmem>> -> memref<128xi32, #tpu.memory_space<vmem>>
    %dma_start3A_11 = arith.constant 0 : i32
    %dma_start3A_12 = arith.constant 0 : i32
    %dma_start3A_13 = tpu.memref_slice %arg2[%dma_start3A_11, %dma_start3A_12] : memref<10240x128xf32, #tpu.memory_space<hbm>> -> memref<10240x128xf32, #tpu.memory_space<hbm>>
    tpu.enqueue_indirect_dma source(%dma_start3A_13 : memref<10240x128xf32, #tpu.memory_space<hbm>>) target(%arg7 : memref<128x128xf32, #tpu.memory_space<vmem>>) offsets(%dma_start3A_10 : memref<128xi32, #tpu.memory_space<vmem>>) semaphore(%arg11 : memref<!tpu.dma_semaphore, #tpu.memory_space<semaphore_mem>>)
    %barrier3A = arith.constant 0 : index
    tpu.barrier barrier_id(%barrier3A)
    %scan3A_14 = arith.constant 0 : i32
    %scan3A_15 = arith.constant 0 : i32
    %scan3A_16 = arith.constant 40 : i32
    %scan3A_17 = arith.addi %scan3A_15, %scan3A_16 : i32
    %scan3A_18 = arith.constant 1 : i32
    scf.for %scan3A_32 = %scan3A_15 to %scan3A_17 step %scan3A_18  : i32 {
      %mul3A_33 = arith.constant 2 : i32
      %mul3A_34 = arith.muli %scan3A_32, %mul3A_33 : i32
      %add3A_35 = arith.constant 0 : i32
      %add3A_36 = arith.addi %mul3A_34, %add3A_35 : i32
      %add3A_37 = arith.constant 1 : i32
      %add3A_38 = arith.addi %add3A_36, %add3A_37 : i32
      "tpu.region"() ({
        %run_scoped3A_73 = tpu.sem_alloc : memref<!tpu.dma_semaphore, #tpu.memory_space<semaphore_mem>>
        %dma_start3A_74 = arith.constant 0 : i32
        %dma_start3A_75 = arith.constant 0 : i32
        %dma_start3A_76 = tpu.memref_slice %arg3[%add3A, %add3A_38, %dma_start3A_74, %dma_start3A_75] : memref<32x81x2x128xi32, #tpu.memory_space<hbm>> -> memref<1x1x2x128xi32, #tpu.memory_space<hbm>>
        %dma_start3A_77 = tpu.memref_squeeze %dma_start3A_76 : memref<1x1x2x128xi32, #tpu.memory_space<hbm>> -> memref<2x128xi32, #tpu.memory_space<hbm>>
        %dma_start3A_78 = arith.constant 0 : i32
        %dma_start3A_79 = arith.constant 0 : i32
        %dma_start3A_80 = tpu.memref_slice %arg3[%add3A, %add3A_38, %dma_start3A_78, %dma_start3A_79] : memref<32x81x2x128xi32, #tpu.memory_space<hbm>> -> memref<1x1x2x128xi32, #tpu.memory_space<hbm>>
        %dma_start3A_81 = tpu.memref_squeeze %dma_start3A_80 : memref<1x1x2x128xi32, #tpu.memory_space<hbm>> -> memref<2x128xi32, #tpu.memory_space<hbm>>
        tpu.enqueue_dma source(%dma_start3A_81 : memref<2x128xi32, #tpu.memory_space<hbm>>) target(%arg10 : memref<2x128xi32, #tpu.memory_space<vmem>>) target_semaphore(%run_scoped3A_73 : memref<!tpu.dma_semaphore, #tpu.memory_space<semaphore_mem>>)
        %dma_wait3A_82 = arith.constant 0 : i32
        %dma_wait3A_83 = arith.constant 0 : i32
        %dma_wait3A_84 = tpu.memref_slice %arg3[%add3A, %add3A_38, %dma_wait3A_82, %dma_wait3A_83] : memref<32x81x2x128xi32, #tpu.memory_space<hbm>> -> memref<1x1x2x128xi32, #tpu.memory_space<hbm>>
        %dma_wait3A_85 = tpu.memref_squeeze %dma_wait3A_84 : memref<1x1x2x128xi32, #tpu.memory_space<hbm>> -> memref<2x128xi32, #tpu.memory_space<hbm>>
        %dma_wait3A_86 = arith.constant 0 : i32
        %dma_wait3A_87 = arith.constant 0 : i32
        %dma_wait3A_88 = tpu.memref_slice %arg3[%add3A, %add3A_38, %dma_wait3A_86, %dma_wait3A_87] : memref<32x81x2x128xi32, #tpu.memory_space<hbm>> -> memref<1x1x2x128xi32, #tpu.memory_space<hbm>>
        %dma_wait3A_89 = tpu.memref_squeeze %dma_wait3A_88 : memref<1x1x2x128xi32, #tpu.memory_space<hbm>> -> memref<2x128xi32, #tpu.memory_space<hbm>>
        tpu.wait_dma2 semaphore(%run_scoped3A_73 : memref<!tpu.dma_semaphore, #tpu.memory_space<semaphore_mem>>) src(%dma_wait3A_89 : memref<2x128xi32, #tpu.memory_space<hbm>>) dst(%arg10 : memref<2x128xi32, #tpu.memory_space<vmem>>)
        tpu.yield
      }) : () -> ()
      %dma_wait3A_39 = arith.constant 0 : i32
      %dma_wait3A_40 = arith.constant 0 : i32
      %dma_wait3A_41 = tpu.memref_slice %arg2[%dma_wait3A_39, %dma_wait3A_40] : memref<10240x128xf32, #tpu.memory_space<hbm>> -> memref<128x128xf32, #tpu.memory_space<hbm>>
      %dma_wait3A_42 = arith.constant 0 : i32
      %dma_wait3A_43 = arith.constant 0 : i32
      %dma_wait3A_44 = tpu.memref_slice %arg2[%dma_wait3A_42, %dma_wait3A_43] : memref<10240x128xf32, #tpu.memory_space<hbm>> -> memref<128x128xf32, #tpu.memory_space<hbm>>
      tpu.wait_dma2 semaphore(%arg11 : memref<!tpu.dma_semaphore, #tpu.memory_space<semaphore_mem>>) src(%dma_wait3A_44 : memref<128x128xf32, #tpu.memory_space<hbm>>) dst(%arg7 : memref<128x128xf32, #tpu.memory_space<vmem>>)
      %dma_start3A_45 = arith.constant 0 : i32
      %dma_start3A_46 = arith.constant 0 : i32
      %dma_start3A_47 = tpu.memref_slice %arg10[%dma_start3A_45, %dma_start3A_46] : memref<2x128xi32, #tpu.memory_space<vmem>> -> memref<1x128xi32, #tpu.memory_space<vmem>>
      %dma_start3A_48 = tpu.memref_squeeze %dma_start3A_47 : memref<1x128xi32, #tpu.memory_space<vmem>> -> memref<128xi32, #tpu.memory_space<vmem>>
      %dma_start3A_49 = arith.constant 0 : i32
      %dma_start3A_50 = arith.constant 0 : i32
      %dma_start3A_51 = tpu.memref_slice %arg2[%dma_start3A_49, %dma_start3A_50] : memref<10240x128xf32, #tpu.memory_space<hbm>> -> memref<10240x128xf32, #tpu.memory_space<hbm>>
      tpu.enqueue_indirect_dma source(%dma_start3A_51 : memref<10240x128xf32, #tpu.memory_space<hbm>>) target(%arg8 : memref<128x128xf32, #tpu.memory_space<vmem>>) offsets(%dma_start3A_48 : memref<128xi32, #tpu.memory_space<vmem>>) semaphore(%arg12 : memref<!tpu.dma_semaphore, #tpu.memory_space<semaphore_mem>>)
      %run_scoped3A_52 = arith.constant 1 : i32
      "tpu.region"() ({
        %run_scoped3A_73 = tpu.sem_alloc : memref<!tpu.dma_semaphore, #tpu.memory_space<semaphore_mem>>
        %dma_start3A_74 = arith.constant 0 : i32
        %dma_start3A_75 = tpu.memref_slice %arg9[%run_scoped3A_52, %dma_start3A_74] : memref<2x128xi32, #tpu.memory_space<vmem>> -> memref<1x128xi32, #tpu.memory_space<vmem>>
        %dma_start3A_76 = tpu.memref_squeeze %dma_start3A_75 : memref<1x128xi32, #tpu.memory_space<vmem>> -> memref<128xi32, #tpu.memory_space<vmem>>
        %dma_start3A_77 = arith.constant 0 : i32
        %dma_start3A_78 = arith.constant 0 : i32
        %dma_start3A_79 = tpu.memref_slice %arg6[%dma_start3A_77, %dma_start3A_78] : memref<10240x128xf32, #tpu.memory_space<vmem_shared>> -> memref<10240x128xf32, #tpu.memory_space<vmem_shared>>
        tpu.enqueue_indirect_dma source(%arg7 : memref<128x128xf32, #tpu.memory_space<vmem>>) target(%dma_start3A_79 : memref<10240x128xf32, #tpu.memory_space<vmem_shared>>) offsets(%dma_start3A_76 : memref<128xi32, #tpu.memory_space<vmem>>) semaphore(%run_scoped3A_73 : memref<!tpu.dma_semaphore, #tpu.memory_space<semaphore_mem>>) {add = true}
        %dma_wait3A_80 = arith.constant 0 : i32
        %dma_wait3A_81 = tpu.memref_slice %arg9[%run_scoped3A_52, %dma_wait3A_80] : memref<2x128xi32, #tpu.memory_space<vmem>> -> memref<1x128xi32, #tpu.memory_space<vmem>>
        %dma_wait3A_82 = tpu.memref_squeeze %dma_wait3A_81 : memref<1x128xi32, #tpu.memory_space<vmem>> -> memref<128xi32, #tpu.memory_space<vmem>>
        %dma_wait3A_83 = arith.constant 0 : i32
        %dma_wait3A_84 = arith.constant 0 : i32
        %dma_wait3A_85 = tpu.memref_slice %arg6[%dma_wait3A_83, %dma_wait3A_84] : memref<10240x128xf32, #tpu.memory_space<vmem_shared>> -> memref<10240x128xf32, #tpu.memory_space<vmem_shared>>
        tpu.wait_indirect_dma semaphore(%run_scoped3A_73 : memref<!tpu.dma_semaphore, #tpu.memory_space<semaphore_mem>>) src(%arg7 : memref<128x128xf32, #tpu.memory_space<vmem>>) dst(%dma_wait3A_85 : memref<10240x128xf32, #tpu.memory_space<vmem_shared>>)
        tpu.yield
      }) : () -> ()
      %mul3A_53 = arith.constant 2 : i32
      %mul3A_54 = arith.muli %scan3A_32, %mul3A_53 : i32
      %add3A_55 = arith.constant 1 : i32
      %add3A_56 = arith.addi %mul3A_54, %add3A_55 : i32
      %add3A_57 = arith.constant 1 : i32
      %add3A_58 = arith.addi %add3A_56, %add3A_57 : i32
      "tpu.region"() ({
        %run_scoped3A_73 = tpu.sem_alloc : memref<!tpu.dma_semaphore, #tpu.memory_space<semaphore_mem>>
        %dma_start3A_74 = arith.constant 0 : i32
        %dma_start3A_75 = arith.constant 0 : i32
        %dma_start3A_76 = tpu.memref_slice %arg3[%add3A, %add3A_58, %dma_start3A_74, %dma_start3A_75] : memref<32x81x2x128xi32, #tpu.memory_space<hbm>> -> memref<1x1x2x128xi32, #tpu.memory_space<hbm>>
        %dma_start3A_77 = tpu.memref_squeeze %dma_start3A_76 : memref<1x1x2x128xi32, #tpu.memory_space<hbm>> -> memref<2x128xi32, #tpu.memory_space<hbm>>
        %dma_start3A_78 = arith.constant 0 : i32
        %dma_start3A_79 = arith.constant 0 : i32
        %dma_start3A_80 = tpu.memref_slice %arg3[%add3A, %add3A_58, %dma_start3A_78, %dma_start3A_79] : memref<32x81x2x128xi32, #tpu.memory_space<hbm>> -> memref<1x1x2x128xi32, #tpu.memory_space<hbm>>
        %dma_start3A_81 = tpu.memref_squeeze %dma_start3A_80 : memref<1x1x2x128xi32, #tpu.memory_space<hbm>> -> memref<2x128xi32, #tpu.memory_space<hbm>>
        tpu.enqueue_dma source(%dma_start3A_81 : memref<2x128xi32, #tpu.memory_space<hbm>>) target(%arg9 : memref<2x128xi32, #tpu.memory_space<vmem>>) target_semaphore(%run_scoped3A_73 : memref<!tpu.dma_semaphore, #tpu.memory_space<semaphore_mem>>)
        %dma_wait3A_82 = arith.constant 0 : i32
        %dma_wait3A_83 = arith.constant 0 : i32
        %dma_wait3A_84 = tpu.memref_slice %arg3[%add3A, %add3A_58, %dma_wait3A_82, %dma_wait3A_83] : memref<32x81x2x128xi32, #tpu.memory_space<hbm>> -> memref<1x1x2x128xi32, #tpu.memory_space<hbm>>
        %dma_wait3A_85 = tpu.memref_squeeze %dma_wait3A_84 : memref<1x1x2x128xi32, #tpu.memory_space<hbm>> -> memref<2x128xi32, #tpu.memory_space<hbm>>
        %dma_wait3A_86 = arith.constant 0 : i32
        %dma_wait3A_87 = arith.constant 0 : i32
        %dma_wait3A_88 = tpu.memref_slice %arg3[%add3A, %add3A_58, %dma_wait3A_86, %dma_wait3A_87] : memref<32x81x2x128xi32, #tpu.memory_space<hbm>> -> memref<1x1x2x128xi32, #tpu.memory_space<hbm>>
        %dma_wait3A_89 = tpu.memref_squeeze %dma_wait3A_88 : memref<1x1x2x128xi32, #tpu.memory_space<hbm>> -> memref<2x128xi32, #tpu.memory_space<hbm>>
        tpu.wait_dma2 semaphore(%run_scoped3A_73 : memref<!tpu.dma_semaphore, #tpu.memory_space<semaphore_mem>>) src(%dma_wait3A_89 : memref<2x128xi32, #tpu.memory_space<hbm>>) dst(%arg9 : memref<2x128xi32, #tpu.memory_space<vmem>>)
        tpu.yield
      }) : () -> ()
      %dma_wait3A_59 = arith.constant 0 : i32
      %dma_wait3A_60 = arith.constant 0 : i32
      %dma_wait3A_61 = tpu.memref_slice %arg2[%dma_wait3A_59, %dma_wait3A_60] : memref<10240x128xf32, #tpu.memory_space<hbm>> -> memref<128x128xf32, #tpu.memory_space<hbm>>
      %dma_wait3A_62 = arith.constant 0 : i32
      %dma_wait3A_63 = arith.constant 0 : i32
      %dma_wait3A_64 = tpu.memref_slice %arg2[%dma_wait3A_62, %dma_wait3A_63] : memref<10240x128xf32, #tpu.memory_space<hbm>> -> memref<128x128xf32, #tpu.memory_space<hbm>>
      tpu.wait_dma2 semaphore(%arg12 : memref<!tpu.dma_semaphore, #tpu.memory_space<semaphore_mem>>) src(%dma_wait3A_64 : memref<128x128xf32, #tpu.memory_space<hbm>>) dst(%arg8 : memref<128x128xf32, #tpu.memory_space<vmem>>)
      %dma_start3A_65 = arith.constant 0 : i32
      %dma_start3A_66 = arith.constant 0 : i32
      %dma_start3A_67 = tpu.memref_slice %arg9[%dma_start3A_65, %dma_start3A_66] : memref<2x128xi32, #tpu.memory_space<vmem>> -> memref<1x128xi32, #tpu.memory_space<vmem>>
      %dma_start3A_68 = tpu.memref_squeeze %dma_start3A_67 : memref<1x128xi32, #tpu.memory_space<vmem>> -> memref<128xi32, #tpu.memory_space<vmem>>
      %dma_start3A_69 = arith.constant 0 : i32
      %dma_start3A_70 = arith.constant 0 : i32
      %dma_start3A_71 = tpu.memref_slice %arg2[%dma_start3A_69, %dma_start3A_70] : memref<10240x128xf32, #tpu.memory_space<hbm>> -> memref<10240x128xf32, #tpu.memory_space<hbm>>
      tpu.enqueue_indirect_dma source(%dma_start3A_71 : memref<10240x128xf32, #tpu.memory_space<hbm>>) target(%arg7 : memref<128x128xf32, #tpu.memory_space<vmem>>) offsets(%dma_start3A_68 : memref<128xi32, #tpu.memory_space<vmem>>) semaphore(%arg11 : memref<!tpu.dma_semaphore, #tpu.memory_space<semaphore_mem>>)
      %run_scoped3A_72 = arith.constant 1 : i32
      "tpu.region"() ({
        %run_scoped3A_73 = tpu.sem_alloc : memref<!tpu.dma_semaphore, #tpu.memory_space<semaphore_mem>>
        %dma_start3A_74 = arith.constant 0 : i32
        %dma_start3A_75 = tpu.memref_slice %arg10[%run_scoped3A_72, %dma_start3A_74] : memref<2x128xi32, #tpu.memory_space<vmem>> -> memref<1x128xi32, #tpu.memory_space<vmem>>
        %dma_start3A_76 = tpu.memref_squeeze %dma_start3A_75 : memref<1x128xi32, #tpu.memory_space<vmem>> -> memref<128xi32, #tpu.memory_space<vmem>>
        %dma_start3A_77 = arith.constant 0 : i32
        %dma_start3A_78 = arith.constant 0 : i32
        %dma_start3A_79 = tpu.memref_slice %arg6[%dma_start3A_77, %dma_start3A_78] : memref<10240x128xf32, #tpu.memory_space<vmem_shared>> -> memref<10240x128xf32, #tpu.memory_space<vmem_shared>>
        tpu.enqueue_indirect_dma source(%arg8 : memref<128x128xf32, #tpu.memory_space<vmem>>) target(%dma_start3A_79 : memref<10240x128xf32, #tpu.memory_space<vmem_shared>>) offsets(%dma_start3A_76 : memref<128xi32, #tpu.memory_space<vmem>>) semaphore(%run_scoped3A_73 : memref<!tpu.dma_semaphore, #tpu.memory_space<semaphore_mem>>) {add = true}
        %dma_wait3A_80 = arith.constant 0 : i32
        %dma_wait3A_81 = tpu.memref_slice %arg10[%run_scoped3A_72, %dma_wait3A_80] : memref<2x128xi32, #tpu.memory_space<vmem>> -> memref<1x128xi32, #tpu.memory_space<vmem>>
        %dma_wait3A_82 = tpu.memref_squeeze %dma_wait3A_81 : memref<1x128xi32, #tpu.memory_space<vmem>> -> memref<128xi32, #tpu.memory_space<vmem>>
        %dma_wait3A_83 = arith.constant 0 : i32
        %dma_wait3A_84 = arith.constant 0 : i32
        %dma_wait3A_85 = tpu.memref_slice %arg6[%dma_wait3A_83, %dma_wait3A_84] : memref<10240x128xf32, #tpu.memory_space<vmem_shared>> -> memref<10240x128xf32, #tpu.memory_space<vmem_shared>>
        tpu.wait_indirect_dma semaphore(%run_scoped3A_73 : memref<!tpu.dma_semaphore, #tpu.memory_space<semaphore_mem>>) src(%arg8 : memref<128x128xf32, #tpu.memory_space<vmem>>) dst(%dma_wait3A_85 : memref<10240x128xf32, #tpu.memory_space<vmem_shared>>)
        tpu.yield
      }) : () -> ()
    }
    %scan3A_19 = arith.constant 40 : i32
    %dma_wait3A = arith.constant 0 : i32
    %dma_wait3A_20 = arith.constant 0 : i32
    %dma_wait3A_21 = tpu.memref_slice %arg2[%dma_wait3A, %dma_wait3A_20] : memref<10240x128xf32, #tpu.memory_space<hbm>> -> memref<128x128xf32, #tpu.memory_space<hbm>>
    %dma_wait3A_22 = arith.constant 0 : i32
    %dma_wait3A_23 = arith.constant 0 : i32
    %dma_wait3A_24 = tpu.memref_slice %arg2[%dma_wait3A_22, %dma_wait3A_23] : memref<10240x128xf32, #tpu.memory_space<hbm>> -> memref<128x128xf32, #tpu.memory_space<hbm>>
    tpu.wait_dma2 semaphore(%arg11 : memref<!tpu.dma_semaphore, #tpu.memory_space<semaphore_mem>>) src(%dma_wait3A_24 : memref<128x128xf32, #tpu.memory_space<hbm>>) dst(%arg7 : memref<128x128xf32, #tpu.memory_space<vmem>>)
    %barrier3A_25 = arith.constant 0 : index
    tpu.barrier barrier_id(%barrier3A_25)
    %scan3A_26 = arith.constant 0 : i32
    %scan3A_27 = arith.constant 0 : i32
    %scan3A_28 = arith.constant 5 : i32
    %scan3A_29 = arith.addi %scan3A_27, %scan3A_28 : i32
    %scan3A_30 = arith.constant 1 : i32
    scf.for %scan3A_32 = %scan3A_27 to %scan3A_29 step %scan3A_30  : i32 {
      %mul3A_33 = arith.constant 128 : i32
      %mul3A_34 = arith.muli %scan3A_32, %mul3A_33 : i32
      %add3A_35 = arith.addi %mul3A_2, %mul3A_34 : i32
      "tpu.region"() ({
        %run_scoped3A_36 = tpu.sem_alloc : memref<!tpu.dma_semaphore, #tpu.memory_space<semaphore_mem>>
        %dma_start3A_37 = arith.constant 0 : i32
        %dma_start3A_38 = tpu.memref_slice %arg6[%add3A_35, %dma_start3A_37] : memref<10240x128xf32, #tpu.memory_space<vmem_shared>> -> memref<128x128xf32, #tpu.memory_space<vmem_shared>>
        %dma_start3A_39 = arith.constant 0 : i32
        %dma_start3A_40 = tpu.memref_slice %arg6[%add3A_35, %dma_start3A_39] : memref<10240x128xf32, #tpu.memory_space<vmem_shared>> -> memref<128x128xf32, #tpu.memory_space<vmem_shared>>
        tpu.enqueue_dma source(%dma_start3A_40 : memref<128x128xf32, #tpu.memory_space<vmem_shared>>) target(%arg7 : memref<128x128xf32, #tpu.memory_space<vmem>>) target_semaphore(%run_scoped3A_36 : memref<!tpu.dma_semaphore, #tpu.memory_space<semaphore_mem>>)
        %dma_wait3A_41 = arith.constant 0 : i32
        %dma_wait3A_42 = tpu.memref_slice %arg6[%add3A_35, %dma_wait3A_41] : memref<10240x128xf32, #tpu.memory_space<vmem_shared>> -> memref<128x128xf32, #tpu.memory_space<vmem_shared>>
        %dma_wait3A_43 = arith.constant 0 : i32
        %dma_wait3A_44 = tpu.memref_slice %arg6[%add3A_35, %dma_wait3A_43] : memref<10240x128xf32, #tpu.memory_space<vmem_shared>> -> memref<128x128xf32, #tpu.memory_space<vmem_shared>>
        tpu.wait_dma2 semaphore(%run_scoped3A_36 : memref<!tpu.dma_semaphore, #tpu.memory_space<semaphore_mem>>) src(%dma_wait3A_44 : memref<128x128xf32, #tpu.memory_space<vmem_shared>>) dst(%arg7 : memref<128x128xf32, #tpu.memory_space<vmem>>)
        tpu.yield
      }) : () -> ()
      "tpu.region"() ({
        %run_scoped3A_36 = tpu.sem_alloc : memref<!tpu.dma_semaphore, #tpu.memory_space<semaphore_mem>>
        %dma_start3A_37 = arith.constant 0 : i32
        %dma_start3A_38 = tpu.memref_slice %arg5[%arg0, %add3A_35, %dma_start3A_37] : memref<2x10240x128xf32, #tpu.memory_space<hbm>> -> memref<1x128x128xf32, #tpu.memory_space<hbm>>
        %dma_start3A_39 = tpu.memref_squeeze %dma_start3A_38 : memref<1x128x128xf32, #tpu.memory_space<hbm>> -> memref<128x128xf32, #tpu.memory_space<hbm>>
        %dma_start3A_40 = arith.constant 0 : i32
        %dma_start3A_41 = tpu.memref_slice %arg5[%arg0, %add3A_35, %dma_start3A_40] : memref<2x10240x128xf32, #tpu.memory_space<hbm>> -> memref<1x128x128xf32, #tpu.memory_space<hbm>>
        %dma_start3A_42 = tpu.memref_squeeze %dma_start3A_41 : memref<1x128x128xf32, #tpu.memory_space<hbm>> -> memref<128x128xf32, #tpu.memory_space<hbm>>
        tpu.enqueue_dma source(%arg7 : memref<128x128xf32, #tpu.memory_space<vmem>>) target(%dma_start3A_42 : memref<128x128xf32, #tpu.memory_space<hbm>>) target_semaphore(%run_scoped3A_36 : memref<!tpu.dma_semaphore, #tpu.memory_space<semaphore_mem>>)
        %dma_wait3A_43 = arith.constant 0 : i32
        %dma_wait3A_44 = tpu.memref_slice %arg5[%arg0, %add3A_35, %dma_wait3A_43] : memref<2x10240x128xf32, #tpu.memory_space<hbm>> -> memref<1x128x128xf32, #tpu.memory_space<hbm>>
        %dma_wait3A_45 = tpu.memref_squeeze %dma_wait3A_44 : memref<1x128x128xf32, #tpu.memory_space<hbm>> -> memref<128x128xf32, #tpu.memory_space<hbm>>
        %dma_wait3A_46 = arith.constant 0 : i32
        %dma_wait3A_47 = tpu.memref_slice %arg5[%arg0, %add3A_35, %dma_wait3A_46] : memref<2x10240x128xf32, #tpu.memory_space<hbm>> -> memref<1x128x128xf32, #tpu.memory_space<hbm>>
        %dma_wait3A_48 = tpu.memref_squeeze %dma_wait3A_47 : memref<1x128x128xf32, #tpu.memory_space<hbm>> -> memref<128x128xf32, #tpu.memory_space<hbm>>
        tpu.wait_dma2 semaphore(%run_scoped3A_36 : memref<!tpu.dma_semaphore, #tpu.memory_space<semaphore_mem>>) src(%arg7 : memref<128x128xf32, #tpu.memory_space<vmem>>) dst(%dma_wait3A_48 : memref<128x128xf32, #tpu.memory_space<hbm>>)
        tpu.yield
      }) : () -> ()
    }
    %scan3A_31 = arith.constant 5 : i32
    return
  }
}

#map = affine_map<(d0, d1) -> (0, 0)>
#map1 = affine_map<(d0, d1) -> (0, 0, 0, 0)>
#map2 = affine_map<(d0, d1) -> (0, 0, 0)>
module attributes {stable_mosaic.version = 14 : i64} {
  func.func @_seg_body(%arg0: i32, %arg1: i32, %arg2: memref<10240x128xf32, #tpu.memory_space<hbm>>, %arg3: memref<32x81x2x128xi32, #tpu.memory_space<hbm>>, %arg4: memref<128x128xf32, #tpu.memory_space<hbm>>, %arg5: memref<2x10240x128xf32, #tpu.memory_space<hbm>>, %arg6: memref<10240x128xf32, #tpu.memory_space<vmem_shared>>, %arg7: memref<128x128xf32, #tpu.memory_space<vmem>>, %arg8: memref<128x128xf32, #tpu.memory_space<vmem>>, %arg9: memref<2x128xi32, #tpu.memory_space<vmem>>, %arg10: memref<2x128xi32, #tpu.memory_space<vmem>>, %arg11: memref<!tpu.dma_semaphore, #tpu.memory_space<semaphore_mem>>, %arg12: memref<!tpu.dma_semaphore, #tpu.memory_space<semaphore_mem>>) attributes {dimension_semantics = [#tpu.dimension_semantics<core_parallel>, #tpu.dimension_semantics<subcore_parallel>], iteration_bounds = array<i64: 2, 16>, scalar_prefetch = 0 : i64, scratch_operands = 7 : i64, tpu.core_type = #tpu.core_type<sc_vector_subcore>, window_params = [{transform_indices = #map}, {transform_indices = #map1}, {transform_indices = #map}, {transform_indices = #map2}]} {
    %mul3A = arith.constant 2 : i32
    %mul3A_0 = arith.muli %arg1, %mul3A : i32
    %add3A = arith.addi %mul3A_0, %arg0 : i32
    %mul3A_1 = arith.constant 640 : i32
    %mul3A_2 = arith.muli %arg1, %mul3A_1 : i32
    "tpu.region"() ({
      %run_scoped3A_32 = tpu.sem_alloc : memref<!tpu.dma_semaphore, #tpu.memory_space<semaphore_mem>>
      tpu.enqueue_dma source(%arg4 : memref<128x128xf32, #tpu.memory_space<hbm>>) target(%arg7 : memref<128x128xf32, #tpu.memory_space<vmem>>) target_semaphore(%run_scoped3A_32 : memref<!tpu.dma_semaphore, #tpu.memory_space<semaphore_mem>>)
      tpu.wait_dma2 semaphore(%run_scoped3A_32 : memref<!tpu.dma_semaphore, #tpu.memory_space<semaphore_mem>>) src(%arg4 : memref<128x128xf32, #tpu.memory_space<hbm>>) dst(%arg7 : memref<128x128xf32, #tpu.memory_space<vmem>>)
      tpu.yield
    }) : () -> ()
    %scan3A = arith.constant 0 : i32
    %scan3A_3 = arith.constant 0 : i32
    %scan3A_4 = arith.constant 5 : i32
    %scan3A_5 = arith.addi %scan3A_3, %scan3A_4 : i32
    %scan3A_6 = arith.constant 1 : i32
    scf.for %scan3A_32 = %scan3A_3 to %scan3A_5 step %scan3A_6  : i32 {
      %mul3A_33 = arith.constant 128 : i32
      %mul3A_34 = arith.muli %scan3A_32, %mul3A_33 : i32
      %add3A_35 = arith.addi %mul3A_2, %mul3A_34 : i32
      "tpu.region"() ({
        %run_scoped3A_36 = tpu.sem_alloc : memref<!tpu.dma_semaphore, #tpu.memory_space<semaphore_mem>>
        %dma_start3A_37 = arith.constant 0 : i32
        %dma_start3A_38 = tpu.memref_slice %arg6[%add3A_35, %dma_start3A_37] : memref<10240x128xf32, #tpu.memory_space<vmem_shared>> -> memref<128x128xf32, #tpu.memory_space<vmem_shared>>
        %dma_start3A_39 = arith.constant 0 : i32
        %dma_start3A_40 = tpu.memref_slice %arg6[%add3A_35, %dma_start3A_39] : memref<10240x128xf32, #tpu.memory_space<vmem_shared>> -> memref<128x128xf32, #tpu.memory_space<vmem_shared>>
        tpu.enqueue_dma source(%arg7 : memref<128x128xf32, #tpu.memory_space<vmem>>) target(%dma_start3A_40 : memref<128x128xf32, #tpu.memory_space<vmem_shared>>) target_semaphore(%run_scoped3A_36 : memref<!tpu.dma_semaphore, #tpu.memory_space<semaphore_mem>>)
        %dma_wait3A_41 = arith.constant 0 : i32
        %dma_wait3A_42 = tpu.memref_slice %arg6[%add3A_35, %dma_wait3A_41] : memref<10240x128xf32, #tpu.memory_space<vmem_shared>> -> memref<128x128xf32, #tpu.memory_space<vmem_shared>>
        %dma_wait3A_43 = arith.constant 0 : i32
        %dma_wait3A_44 = tpu.memref_slice %arg6[%add3A_35, %dma_wait3A_43] : memref<10240x128xf32, #tpu.memory_space<vmem_shared>> -> memref<128x128xf32, #tpu.memory_space<vmem_shared>>
        tpu.wait_dma2 semaphore(%run_scoped3A_36 : memref<!tpu.dma_semaphore, #tpu.memory_space<semaphore_mem>>) src(%arg7 : memref<128x128xf32, #tpu.memory_space<vmem>>) dst(%dma_wait3A_44 : memref<128x128xf32, #tpu.memory_space<vmem_shared>>)
        tpu.yield
      }) : () -> ()
    }
    %scan3A_7 = arith.constant 5 : i32
    %run_scoped3A = arith.constant 0 : i32
    "tpu.region"() ({
      %run_scoped3A_32 = tpu.sem_alloc : memref<!tpu.dma_semaphore, #tpu.memory_space<semaphore_mem>>
      %dma_start3A_33 = arith.constant 0 : i32
      %dma_start3A_34 = arith.constant 0 : i32
      %dma_start3A_35 = tpu.memref_slice %arg3[%add3A, %run_scoped3A, %dma_start3A_33, %dma_start3A_34] : memref<32x81x2x128xi32, #tpu.memory_space<hbm>> -> memref<1x1x2x128xi32, #tpu.memory_space<hbm>>
      %dma_start3A_36 = tpu.memref_squeeze %dma_start3A_35 : memref<1x1x2x128xi32, #tpu.memory_space<hbm>> -> memref<2x128xi32, #tpu.memory_space<hbm>>
      %dma_start3A_37 = arith.constant 0 : i32
      %dma_start3A_38 = arith.constant 0 : i32
      %dma_start3A_39 = tpu.memref_slice %arg3[%add3A, %run_scoped3A, %dma_start3A_37, %dma_start3A_38] : memref<32x81x2x128xi32, #tpu.memory_space<hbm>> -> memref<1x1x2x128xi32, #tpu.memory_space<hbm>>
      %dma_start3A_40 = tpu.memref_squeeze %dma_start3A_39 : memref<1x1x2x128xi32, #tpu.memory_space<hbm>> -> memref<2x128xi32, #tpu.memory_space<hbm>>
      tpu.enqueue_dma source(%dma_start3A_40 : memref<2x128xi32, #tpu.memory_space<hbm>>) target(%arg9 : memref<2x128xi32, #tpu.memory_space<vmem>>) target_semaphore(%run_scoped3A_32 : memref<!tpu.dma_semaphore, #tpu.memory_space<semaphore_mem>>)
      %dma_wait3A_41 = arith.constant 0 : i32
      %dma_wait3A_42 = arith.constant 0 : i32
      %dma_wait3A_43 = tpu.memref_slice %arg3[%add3A, %run_scoped3A, %dma_wait3A_41, %dma_wait3A_42] : memref<32x81x2x128xi32, #tpu.memory_space<hbm>> -> memref<1x1x2x128xi32, #tpu.memory_space<hbm>>
      %dma_wait3A_44 = tpu.memref_squeeze %dma_wait3A_43 : memref<1x1x2x128xi32, #tpu.memory_space<hbm>> -> memref<2x128xi32, #tpu.memory_space<hbm>>
      %dma_wait3A_45 = arith.constant 0 : i32
      %dma_wait3A_46 = arith.constant 0 : i32
      %dma_wait3A_47 = tpu.memref_slice %arg3[%add3A, %run_scoped3A, %dma_wait3A_45, %dma_wait3A_46] : memref<32x81x2x128xi32, #tpu.memory_space<hbm>> -> memref<1x1x2x128xi32, #tpu.memory_space<hbm>>
      %dma_wait3A_48 = tpu.memref_squeeze %dma_wait3A_47 : memref<1x1x2x128xi32, #tpu.memory_space<hbm>> -> memref<2x128xi32, #tpu.memory_space<hbm>>
      tpu.wait_dma2 semaphore(%run_scoped3A_32 : memref<!tpu.dma_semaphore, #tpu.memory_space<semaphore_mem>>) src(%dma_wait3A_48 : memref<2x128xi32, #tpu.memory_space<hbm>>) dst(%arg9 : memref<2x128xi32, #tpu.memory_space<vmem>>)
      tpu.yield
    }) : () -> ()
    %dma_start3A = arith.constant 0 : i32
    %dma_start3A_8 = arith.constant 0 : i32
    %dma_start3A_9 = tpu.memref_slice %arg9[%dma_start3A, %dma_start3A_8] : memref<2x128xi32, #tpu.memory_space<vmem>> -> memref<1x128xi32, #tpu.memory_space<vmem>>
    %dma_start3A_10 = tpu.memref_squeeze %dma_start3A_9 : memref<1x128xi32, #tpu.memory_space<vmem>> -> memref<128xi32, #tpu.memory_space<vmem>>
    %dma_start3A_11 = arith.constant 0 : i32
    %dma_start3A_12 = arith.constant 0 : i32
    %dma_start3A_13 = tpu.memref_slice %arg2[%dma_start3A_11, %dma_start3A_12] : memref<10240x128xf32, #tpu.memory_space<hbm>> -> memref<10240x128xf32, #tpu.memory_space<hbm>>
    tpu.enqueue_indirect_dma source(%dma_start3A_13 : memref<10240x128xf32, #tpu.memory_space<hbm>>) target(%arg7 : memref<128x128xf32, #tpu.memory_space<vmem>>) offsets(%dma_start3A_10 : memref<128xi32, #tpu.memory_space<vmem>>) semaphore(%arg11 : memref<!tpu.dma_semaphore, #tpu.memory_space<semaphore_mem>>)
    %barrier3A = arith.constant 0 : index
    tpu.barrier barrier_id(%barrier3A)
    %scan3A_14 = arith.constant 0 : i32
    %scan3A_15 = arith.constant 0 : i32
    %scan3A_16 = arith.constant 40 : i32
    %scan3A_17 = arith.addi %scan3A_15, %scan3A_16 : i32
    %scan3A_18 = arith.constant 1 : i32
    scf.for %scan3A_32 = %scan3A_15 to %scan3A_17 step %scan3A_18  : i32 {
      %mul3A_33 = arith.constant 2 : i32
      %mul3A_34 = arith.muli %scan3A_32, %mul3A_33 : i32
      %add3A_35 = arith.constant 0 : i32
      %add3A_36 = arith.addi %mul3A_34, %add3A_35 : i32
      %add3A_37 = arith.constant 1 : i32
      %add3A_38 = arith.addi %add3A_36, %add3A_37 : i32
      "tpu.region"() ({
        %run_scoped3A_73 = tpu.sem_alloc : memref<!tpu.dma_semaphore, #tpu.memory_space<semaphore_mem>>
        %dma_start3A_74 = arith.constant 0 : i32
        %dma_start3A_75 = arith.constant 0 : i32
        %dma_start3A_76 = tpu.memref_slice %arg3[%add3A, %add3A_38, %dma_start3A_74, %dma_start3A_75] : memref<32x81x2x128xi32, #tpu.memory_space<hbm>> -> memref<1x1x2x128xi32, #tpu.memory_space<hbm>>
        %dma_start3A_77 = tpu.memref_squeeze %dma_start3A_76 : memref<1x1x2x128xi32, #tpu.memory_space<hbm>> -> memref<2x128xi32, #tpu.memory_space<hbm>>
        %dma_start3A_78 = arith.constant 0 : i32
        %dma_start3A_79 = arith.constant 0 : i32
        %dma_start3A_80 = tpu.memref_slice %arg3[%add3A, %add3A_38, %dma_start3A_78, %dma_start3A_79] : memref<32x81x2x128xi32, #tpu.memory_space<hbm>> -> memref<1x1x2x128xi32, #tpu.memory_space<hbm>>
        %dma_start3A_81 = tpu.memref_squeeze %dma_start3A_80 : memref<1x1x2x128xi32, #tpu.memory_space<hbm>> -> memref<2x128xi32, #tpu.memory_space<hbm>>
        tpu.enqueue_dma source(%dma_start3A_81 : memref<2x128xi32, #tpu.memory_space<hbm>>) target(%arg10 : memref<2x128xi32, #tpu.memory_space<vmem>>) target_semaphore(%run_scoped3A_73 : memref<!tpu.dma_semaphore, #tpu.memory_space<semaphore_mem>>)
        %dma_wait3A_82 = arith.constant 0 : i32
        %dma_wait3A_83 = arith.constant 0 : i32
        %dma_wait3A_84 = tpu.memref_slice %arg3[%add3A, %add3A_38, %dma_wait3A_82, %dma_wait3A_83] : memref<32x81x2x128xi32, #tpu.memory_space<hbm>> -> memref<1x1x2x128xi32, #tpu.memory_space<hbm>>
        %dma_wait3A_85 = tpu.memref_squeeze %dma_wait3A_84 : memref<1x1x2x128xi32, #tpu.memory_space<hbm>> -> memref<2x128xi32, #tpu.memory_space<hbm>>
        %dma_wait3A_86 = arith.constant 0 : i32
        %dma_wait3A_87 = arith.constant 0 : i32
        %dma_wait3A_88 = tpu.memref_slice %arg3[%add3A, %add3A_38, %dma_wait3A_86, %dma_wait3A_87] : memref<32x81x2x128xi32, #tpu.memory_space<hbm>> -> memref<1x1x2x128xi32, #tpu.memory_space<hbm>>
        %dma_wait3A_89 = tpu.memref_squeeze %dma_wait3A_88 : memref<1x1x2x128xi32, #tpu.memory_space<hbm>> -> memref<2x128xi32, #tpu.memory_space<hbm>>
        tpu.wait_dma2 semaphore(%run_scoped3A_73 : memref<!tpu.dma_semaphore, #tpu.memory_space<semaphore_mem>>) src(%dma_wait3A_89 : memref<2x128xi32, #tpu.memory_space<hbm>>) dst(%arg10 : memref<2x128xi32, #tpu.memory_space<vmem>>)
        tpu.yield
      }) : () -> ()
      %dma_wait3A_39 = arith.constant 0 : i32
      %dma_wait3A_40 = arith.constant 0 : i32
      %dma_wait3A_41 = tpu.memref_slice %arg2[%dma_wait3A_39, %dma_wait3A_40] : memref<10240x128xf32, #tpu.memory_space<hbm>> -> memref<128x128xf32, #tpu.memory_space<hbm>>
      %dma_wait3A_42 = arith.constant 0 : i32
      %dma_wait3A_43 = arith.constant 0 : i32
      %dma_wait3A_44 = tpu.memref_slice %arg2[%dma_wait3A_42, %dma_wait3A_43] : memref<10240x128xf32, #tpu.memory_space<hbm>> -> memref<128x128xf32, #tpu.memory_space<hbm>>
      tpu.wait_dma2 semaphore(%arg11 : memref<!tpu.dma_semaphore, #tpu.memory_space<semaphore_mem>>) src(%dma_wait3A_44 : memref<128x128xf32, #tpu.memory_space<hbm>>) dst(%arg7 : memref<128x128xf32, #tpu.memory_space<vmem>>)
      %dma_start3A_45 = arith.constant 0 : i32
      %dma_start3A_46 = arith.constant 0 : i32
      %dma_start3A_47 = tpu.memref_slice %arg10[%dma_start3A_45, %dma_start3A_46] : memref<2x128xi32, #tpu.memory_space<vmem>> -> memref<1x128xi32, #tpu.memory_space<vmem>>
      %dma_start3A_48 = tpu.memref_squeeze %dma_start3A_47 : memref<1x128xi32, #tpu.memory_space<vmem>> -> memref<128xi32, #tpu.memory_space<vmem>>
      %dma_start3A_49 = arith.constant 0 : i32
      %dma_start3A_50 = arith.constant 0 : i32
      %dma_start3A_51 = tpu.memref_slice %arg2[%dma_start3A_49, %dma_start3A_50] : memref<10240x128xf32, #tpu.memory_space<hbm>> -> memref<10240x128xf32, #tpu.memory_space<hbm>>
      tpu.enqueue_indirect_dma source(%dma_start3A_51 : memref<10240x128xf32, #tpu.memory_space<hbm>>) target(%arg8 : memref<128x128xf32, #tpu.memory_space<vmem>>) offsets(%dma_start3A_48 : memref<128xi32, #tpu.memory_space<vmem>>) semaphore(%arg12 : memref<!tpu.dma_semaphore, #tpu.memory_space<semaphore_mem>>)
      %run_scoped3A_52 = arith.constant 1 : i32
      "tpu.region"() ({
        %run_scoped3A_73 = tpu.sem_alloc : memref<!tpu.dma_semaphore, #tpu.memory_space<semaphore_mem>>
        %dma_start3A_74 = arith.constant 0 : i32
        %dma_start3A_75 = tpu.memref_slice %arg9[%run_scoped3A_52, %dma_start3A_74] : memref<2x128xi32, #tpu.memory_space<vmem>> -> memref<1x128xi32, #tpu.memory_space<vmem>>
        %dma_start3A_76 = tpu.memref_squeeze %dma_start3A_75 : memref<1x128xi32, #tpu.memory_space<vmem>> -> memref<128xi32, #tpu.memory_space<vmem>>
        %dma_start3A_77 = arith.constant 0 : i32
        %dma_start3A_78 = arith.constant 0 : i32
        %dma_start3A_79 = tpu.memref_slice %arg6[%dma_start3A_77, %dma_start3A_78] : memref<10240x128xf32, #tpu.memory_space<vmem_shared>> -> memref<10240x128xf32, #tpu.memory_space<vmem_shared>>
        tpu.enqueue_indirect_dma source(%arg7 : memref<128x128xf32, #tpu.memory_space<vmem>>) target(%dma_start3A_79 : memref<10240x128xf32, #tpu.memory_space<vmem_shared>>) offsets(%dma_start3A_76 : memref<128xi32, #tpu.memory_space<vmem>>) semaphore(%run_scoped3A_73 : memref<!tpu.dma_semaphore, #tpu.memory_space<semaphore_mem>>) {add = true}
        %dma_wait3A_80 = arith.constant 0 : i32
        %dma_wait3A_81 = tpu.memref_slice %arg9[%run_scoped3A_52, %dma_wait3A_80] : memref<2x128xi32, #tpu.memory_space<vmem>> -> memref<1x128xi32, #tpu.memory_space<vmem>>
        %dma_wait3A_82 = tpu.memref_squeeze %dma_wait3A_81 : memref<1x128xi32, #tpu.memory_space<vmem>> -> memref<128xi32, #tpu.memory_space<vmem>>
        %dma_wait3A_83 = arith.constant 0 : i32
        %dma_wait3A_84 = arith.constant 0 : i32
        %dma_wait3A_85 = tpu.memref_slice %arg6[%dma_wait3A_83, %dma_wait3A_84] : memref<10240x128xf32, #tpu.memory_space<vmem_shared>> -> memref<10240x128xf32, #tpu.memory_space<vmem_shared>>
        tpu.wait_indirect_dma semaphore(%run_scoped3A_73 : memref<!tpu.dma_semaphore, #tpu.memory_space<semaphore_mem>>) src(%arg7 : memref<128x128xf32, #tpu.memory_space<vmem>>) dst(%dma_wait3A_85 : memref<10240x128xf32, #tpu.memory_space<vmem_shared>>)
        tpu.yield
      }) : () -> ()
      %mul3A_53 = arith.constant 2 : i32
      %mul3A_54 = arith.muli %scan3A_32, %mul3A_53 : i32
      %add3A_55 = arith.constant 1 : i32
      %add3A_56 = arith.addi %mul3A_54, %add3A_55 : i32
      %add3A_57 = arith.constant 1 : i32
      %add3A_58 = arith.addi %add3A_56, %add3A_57 : i32
      "tpu.region"() ({
        %run_scoped3A_73 = tpu.sem_alloc : memref<!tpu.dma_semaphore, #tpu.memory_space<semaphore_mem>>
        %dma_start3A_74 = arith.constant 0 : i32
        %dma_start3A_75 = arith.constant 0 : i32
        %dma_start3A_76 = tpu.memref_slice %arg3[%add3A, %add3A_58, %dma_start3A_74, %dma_start3A_75] : memref<32x81x2x128xi32, #tpu.memory_space<hbm>> -> memref<1x1x2x128xi32, #tpu.memory_space<hbm>>
        %dma_start3A_77 = tpu.memref_squeeze %dma_start3A_76 : memref<1x1x2x128xi32, #tpu.memory_space<hbm>> -> memref<2x128xi32, #tpu.memory_space<hbm>>
        %dma_start3A_78 = arith.constant 0 : i32
        %dma_start3A_79 = arith.constant 0 : i32
        %dma_start3A_80 = tpu.memref_slice %arg3[%add3A, %add3A_58, %dma_start3A_78, %dma_start3A_79] : memref<32x81x2x128xi32, #tpu.memory_space<hbm>> -> memref<1x1x2x128xi32, #tpu.memory_space<hbm>>
        %dma_start3A_81 = tpu.memref_squeeze %dma_start3A_80 : memref<1x1x2x128xi32, #tpu.memory_space<hbm>> -> memref<2x128xi32, #tpu.memory_space<hbm>>
        tpu.enqueue_dma source(%dma_start3A_81 : memref<2x128xi32, #tpu.memory_space<hbm>>) target(%arg9 : memref<2x128xi32, #tpu.memory_space<vmem>>) target_semaphore(%run_scoped3A_73 : memref<!tpu.dma_semaphore, #tpu.memory_space<semaphore_mem>>)
        %dma_wait3A_82 = arith.constant 0 : i32
        %dma_wait3A_83 = arith.constant 0 : i32
        %dma_wait3A_84 = tpu.memref_slice %arg3[%add3A, %add3A_58, %dma_wait3A_82, %dma_wait3A_83] : memref<32x81x2x128xi32, #tpu.memory_space<hbm>> -> memref<1x1x2x128xi32, #tpu.memory_space<hbm>>
        %dma_wait3A_85 = tpu.memref_squeeze %dma_wait3A_84 : memref<1x1x2x128xi32, #tpu.memory_space<hbm>> -> memref<2x128xi32, #tpu.memory_space<hbm>>
        %dma_wait3A_86 = arith.constant 0 : i32
        %dma_wait3A_87 = arith.constant 0 : i32
        %dma_wait3A_88 = tpu.memref_slice %arg3[%add3A, %add3A_58, %dma_wait3A_86, %dma_wait3A_87] : memref<32x81x2x128xi32, #tpu.memory_space<hbm>> -> memref<1x1x2x128xi32, #tpu.memory_space<hbm>>
        %dma_wait3A_89 = tpu.memref_squeeze %dma_wait3A_88 : memref<1x1x2x128xi32, #tpu.memory_space<hbm>> -> memref<2x128xi32, #tpu.memory_space<hbm>>
        tpu.wait_dma2 semaphore(%run_scoped3A_73 : memref<!tpu.dma_semaphore, #tpu.memory_space<semaphore_mem>>) src(%dma_wait3A_89 : memref<2x128xi32, #tpu.memory_space<hbm>>) dst(%arg9 : memref<2x128xi32, #tpu.memory_space<vmem>>)
        tpu.yield
      }) : () -> ()
      %dma_wait3A_59 = arith.constant 0 : i32
      %dma_wait3A_60 = arith.constant 0 : i32
      %dma_wait3A_61 = tpu.memref_slice %arg2[%dma_wait3A_59, %dma_wait3A_60] : memref<10240x128xf32, #tpu.memory_space<hbm>> -> memref<128x128xf32, #tpu.memory_space<hbm>>
      %dma_wait3A_62 = arith.constant 0 : i32
      %dma_wait3A_63 = arith.constant 0 : i32
      %dma_wait3A_64 = tpu.memref_slice %arg2[%dma_wait3A_62, %dma_wait3A_63] : memref<10240x128xf32, #tpu.memory_space<hbm>> -> memref<128x128xf32, #tpu.memory_space<hbm>>
      tpu.wait_dma2 semaphore(%arg12 : memref<!tpu.dma_semaphore, #tpu.memory_space<semaphore_mem>>) src(%dma_wait3A_64 : memref<128x128xf32, #tpu.memory_space<hbm>>) dst(%arg8 : memref<128x128xf32, #tpu.memory_space<vmem>>)
      %dma_start3A_65 = arith.constant 0 : i32
      %dma_start3A_66 = arith.constant 0 : i32
      %dma_start3A_67 = tpu.memref_slice %arg9[%dma_start3A_65, %dma_start3A_66] : memref<2x128xi32, #tpu.memory_space<vmem>> -> memref<1x128xi32, #tpu.memory_space<vmem>>
      %dma_start3A_68 = tpu.memref_squeeze %dma_start3A_67 : memref<1x128xi32, #tpu.memory_space<vmem>> -> memref<128xi32, #tpu.memory_space<vmem>>
      %dma_start3A_69 = arith.constant 0 : i32
      %dma_start3A_70 = arith.constant 0 : i32
      %dma_start3A_71 = tpu.memref_slice %arg2[%dma_start3A_69, %dma_start3A_70] : memref<10240x128xf32, #tpu.memory_space<hbm>> -> memref<10240x128xf32, #tpu.memory_space<hbm>>
      tpu.enqueue_indirect_dma source(%dma_start3A_71 : memref<10240x128xf32, #tpu.memory_space<hbm>>) target(%arg7 : memref<128x128xf32, #tpu.memory_space<vmem>>) offsets(%dma_start3A_68 : memref<128xi32, #tpu.memory_space<vmem>>) semaphore(%arg11 : memref<!tpu.dma_semaphore, #tpu.memory_space<semaphore_mem>>)
      %run_scoped3A_72 = arith.constant 1 : i32
      "tpu.region"() ({
        %run_scoped3A_73 = tpu.sem_alloc : memref<!tpu.dma_semaphore, #tpu.memory_space<semaphore_mem>>
        %dma_start3A_74 = arith.constant 0 : i32
        %dma_start3A_75 = tpu.memref_slice %arg10[%run_scoped3A_72, %dma_start3A_74] : memref<2x128xi32, #tpu.memory_space<vmem>> -> memref<1x128xi32, #tpu.memory_space<vmem>>
        %dma_start3A_76 = tpu.memref_squeeze %dma_start3A_75 : memref<1x128xi32, #tpu.memory_space<vmem>> -> memref<128xi32, #tpu.memory_space<vmem>>
        %dma_start3A_77 = arith.constant 0 : i32
        %dma_start3A_78 = arith.constant 0 : i32
        %dma_start3A_79 = tpu.memref_slice %arg6[%dma_start3A_77, %dma_start3A_78] : memref<10240x128xf32, #tpu.memory_space<vmem_shared>> -> memref<10240x128xf32, #tpu.memory_space<vmem_shared>>
        tpu.enqueue_indirect_dma source(%arg8 : memref<128x128xf32, #tpu.memory_space<vmem>>) target(%dma_start3A_79 : memref<10240x128xf32, #tpu.memory_space<vmem_shared>>) offsets(%dma_start3A_76 : memref<128xi32, #tpu.memory_space<vmem>>) semaphore(%run_scoped3A_73 : memref<!tpu.dma_semaphore, #tpu.memory_space<semaphore_mem>>) {add = true}
        %dma_wait3A_80 = arith.constant 0 : i32
        %dma_wait3A_81 = tpu.memref_slice %arg10[%run_scoped3A_72, %dma_wait3A_80] : memref<2x128xi32, #tpu.memory_space<vmem>> -> memref<1x128xi32, #tpu.memory_space<vmem>>
        %dma_wait3A_82 = tpu.memref_squeeze %dma_wait3A_81 : memref<1x128xi32, #tpu.memory_space<vmem>> -> memref<128xi32, #tpu.memory_space<vmem>>
        %dma_wait3A_83 = arith.constant 0 : i32
        %dma_wait3A_84 = arith.constant 0 : i32
        %dma_wait3A_85 = tpu.memref_slice %arg6[%dma_wait3A_83, %dma_wait3A_84] : memref<10240x128xf32, #tpu.memory_space<vmem_shared>> -> memref<10240x128xf32, #tpu.memory_space<vmem_shared>>
        tpu.wait_indirect_dma semaphore(%run_scoped3A_73 : memref<!tpu.dma_semaphore, #tpu.memory_space<semaphore_mem>>) src(%arg8 : memref<128x128xf32, #tpu.memory_space<vmem>>) dst(%dma_wait3A_85 : memref<10240x128xf32, #tpu.memory_space<vmem_shared>>)
        tpu.yield
      }) : () -> ()
    }
    %scan3A_19 = arith.constant 40 : i32
    %dma_wait3A = arith.constant 0 : i32
    %dma_wait3A_20 = arith.constant 0 : i32
    %dma_wait3A_21 = tpu.memref_slice %arg2[%dma_wait3A, %dma_wait3A_20] : memref<10240x128xf32, #tpu.memory_space<hbm>> -> memref<128x128xf32, #tpu.memory_space<hbm>>
    %dma_wait3A_22 = arith.constant 0 : i32
    %dma_wait3A_23 = arith.constant 0 : i32
    %dma_wait3A_24 = tpu.memref_slice %arg2[%dma_wait3A_22, %dma_wait3A_23] : memref<10240x128xf32, #tpu.memory_space<hbm>> -> memref<128x128xf32, #tpu.memory_space<hbm>>
    tpu.wait_dma2 semaphore(%arg11 : memref<!tpu.dma_semaphore, #tpu.memory_space<semaphore_mem>>) src(%dma_wait3A_24 : memref<128x128xf32, #tpu.memory_space<hbm>>) dst(%arg7 : memref<128x128xf32, #tpu.memory_space<vmem>>)
    %barrier3A_25 = arith.constant 0 : index
    tpu.barrier barrier_id(%barrier3A_25)
    %scan3A_26 = arith.constant 0 : i32
    %scan3A_27 = arith.constant 0 : i32
    %scan3A_28 = arith.constant 5 : i32
    %scan3A_29 = arith.addi %scan3A_27, %scan3A_28 : i32
    %scan3A_30 = arith.constant 1 : i32
    scf.for %scan3A_32 = %scan3A_27 to %scan3A_29 step %scan3A_30  : i32 {
      %mul3A_33 = arith.constant 128 : i32
      %mul3A_34 = arith.muli %scan3A_32, %mul3A_33 : i32
      %add3A_35 = arith.addi %mul3A_2, %mul3A_34 : i32
      "tpu.region"() ({
        %run_scoped3A_36 = tpu.sem_alloc : memref<!tpu.dma_semaphore, #tpu.memory_space<semaphore_mem>>
        %dma_start3A_37 = arith.constant 0 : i32
        %dma_start3A_38 = tpu.memref_slice %arg6[%add3A_35, %dma_start3A_37] : memref<10240x128xf32, #tpu.memory_space<vmem_shared>> -> memref<128x128xf32, #tpu.memory_space<vmem_shared>>
        %dma_start3A_39 = arith.constant 0 : i32
        %dma_start3A_40 = tpu.memref_slice %arg6[%add3A_35, %dma_start3A_39] : memref<10240x128xf32, #tpu.memory_space<vmem_shared>> -> memref<128x128xf32, #tpu.memory_space<vmem_shared>>
        tpu.enqueue_dma source(%dma_start3A_40 : memref<128x128xf32, #tpu.memory_space<vmem_shared>>) target(%arg7 : memref<128x128xf32, #tpu.memory_space<vmem>>) target_semaphore(%run_scoped3A_36 : memref<!tpu.dma_semaphore, #tpu.memory_space<semaphore_mem>>)
        %dma_wait3A_41 = arith.constant 0 : i32
        %dma_wait3A_42 = tpu.memref_slice %arg6[%add3A_35, %dma_wait3A_41] : memref<10240x128xf32, #tpu.memory_space<vmem_shared>> -> memref<128x128xf32, #tpu.memory_space<vmem_shared>>
        %dma_wait3A_43 = arith.constant 0 : i32
        %dma_wait3A_44 = tpu.memref_slice %arg6[%add3A_35, %dma_wait3A_43] : memref<10240x128xf32, #tpu.memory_space<vmem_shared>> -> memref<128x128xf32, #tpu.memory_space<vmem_shared>>
        tpu.wait_dma2 semaphore(%run_scoped3A_36 : memref<!tpu.dma_semaphore, #tpu.memory_space<semaphore_mem>>) src(%dma_wait3A_44 : memref<128x128xf32, #tpu.memory_space<vmem_shared>>) dst(%arg7 : memref<128x128xf32, #tpu.memory_space<vmem>>)
        tpu.yield
      }) : () -> ()
      "tpu.region"() ({
        %run_scoped3A_36 = tpu.sem_alloc : memref<!tpu.dma_semaphore, #tpu.memory_space<semaphore_mem>>
        %dma_start3A_37 = arith.constant 0 : i32
        %dma_start3A_38 = tpu.memref_slice %arg5[%arg0, %add3A_35, %dma_start3A_37] : memref<2x10240x128xf32, #tpu.memory_space<hbm>> -> memref<1x128x128xf32, #tpu.memory_space<hbm>>
        %dma_start3A_39 = tpu.memref_squeeze %dma_start3A_38 : memref<1x128x128xf32, #tpu.memory_space<hbm>> -> memref<128x128xf32, #tpu.memory_space<hbm>>
        %dma_start3A_40 = arith.constant 0 : i32
        %dma_start3A_41 = tpu.memref_slice %arg5[%arg0, %add3A_35, %dma_start3A_40] : memref<2x10240x128xf32, #tpu.memory_space<hbm>> -> memref<1x128x128xf32, #tpu.memory_space<hbm>>
        %dma_start3A_42 = tpu.memref_squeeze %dma_start3A_41 : memref<1x128x128xf32, #tpu.memory_space<hbm>> -> memref<128x128xf32, #tpu.memory_space<hbm>>
        tpu.enqueue_dma source(%arg7 : memref<128x128xf32, #tpu.memory_space<vmem>>) target(%dma_start3A_42 : memref<128x128xf32, #tpu.memory_space<hbm>>) target_semaphore(%run_scoped3A_36 : memref<!tpu.dma_semaphore, #tpu.memory_space<semaphore_mem>>)
        %dma_wait3A_43 = arith.constant 0 : i32
        %dma_wait3A_44 = tpu.memref_slice %arg5[%arg0, %add3A_35, %dma_wait3A_43] : memref<2x10240x128xf32, #tpu.memory_space<hbm>> -> memref<1x128x128xf32, #tpu.memory_space<hbm>>
        %dma_wait3A_45 = tpu.memref_squeeze %dma_wait3A_44 : memref<1x128x128xf32, #tpu.memory_space<hbm>> -> memref<128x128xf32, #tpu.memory_space<hbm>>
        %dma_wait3A_46 = arith.constant 0 : i32
        %dma_wait3A_47 = tpu.memref_slice %arg5[%arg0, %add3A_35, %dma_wait3A_46] : memref<2x10240x128xf32, #tpu.memory_space<hbm>> -> memref<1x128x128xf32, #tpu.memory_space<hbm>>
        %dma_wait3A_48 = tpu.memref_squeeze %dma_wait3A_47 : memref<1x128x128xf32, #tpu.memory_space<hbm>> -> memref<128x128xf32, #tpu.memory_space<hbm>>
        tpu.wait_dma2 semaphore(%run_scoped3A_36 : memref<!tpu.dma_semaphore, #tpu.memory_space<semaphore_mem>>) src(%arg7 : memref<128x128xf32, #tpu.memory_space<vmem>>) dst(%dma_wait3A_48 : memref<128x128xf32, #tpu.memory_space<hbm>>)
        tpu.yield
      }) : () -> ()
    }
    %scan3A_31 = arith.constant 5 : i32
    return
  }
}

module attributes {stable_mosaic.version = 14 : i64} {
  func.func @_lin_first_body(%arg0: i32, %arg1: memref<1024x128xf32, #tpu.memory_space<vmem>>, %arg2: memref<128x128xf32, #tpu.memory_space<vmem>>, %arg3: memref<128x128xf32, #tpu.memory_space<vmem>>, %arg4: memref<1x128xf32, #tpu.memory_space<vmem>>, %arg5: memref<1024x128xf32, #tpu.memory_space<vmem>>, %arg6: memref<1024x128xf32, #tpu.memory_space<vmem>>) attributes {dimension_semantics = [#tpu.dimension_semantics<arbitrary>], iteration_bounds = array<i64: 10>, scalar_prefetch = 0 : i64, scratch_operands = 0 : i64, tpu.core_type = #tpu.core_type<tc>, window_params = [{transform_indices = @transform_0, window_bounds = array<i64: 1024, 128>}, {pipeline_mode = #tpu.pipeline_mode<synchronous>, transform_indices = @transform_1, window_bounds = array<i64: 128, 128>}, {pipeline_mode = #tpu.pipeline_mode<synchronous>, transform_indices = @transform_2, window_bounds = array<i64: 128, 128>}, {pipeline_mode = #tpu.pipeline_mode<synchronous>, transform_indices = @transform_3, window_bounds = array<i64: 1, 128>}, {transform_indices = @transform_4, window_bounds = array<i64: 1024, 128>}, {transform_indices = @transform_5, window_bounds = array<i64: 1024, 128>}]} {
    %get3A = arith.constant 0 : index
    %get3A_0 = arith.constant 0 : index
    %get3A_1 = vector.load %arg1[%get3A, %get3A_0] : memref<1024x128xf32, #tpu.memory_space<vmem>>, vector<1024x128xf32>
    %get3A_2 = arith.constant 0 : index
    %get3A_3 = arith.constant 0 : index
    %get3A_4 = vector.load %arg2[%get3A_2, %get3A_3] : memref<128x128xf32, #tpu.memory_space<vmem>>, vector<128x128xf32>
    %dot_general3A = arith.constant dense<0.000000e+00> : vector<1024x128xf32>
    %dot_general3A_5 = tpu.matmul %get3A_1, %get3A_4, %dot_general3A {dimension_numbers = #tpu.dot_dimension_numbers<[1], [1], [0], [0], [0, 0, 1, 0], [], []>, transpose_lhs_hint = false} : vector<1024x128xf32>, vector<128x128xf32>, vector<1024x128xf32> -> vector<1024x128xf32>
    %swap3A = arith.constant 0 : index
    %swap3A_6 = arith.constant 0 : index
    %swap3A_7 = vector.load %arg5[%swap3A, %swap3A_6] : memref<1024x128xf32, #tpu.memory_space<vmem>>, vector<1024x128xf32>
    tpu.vector_store %arg5[%swap3A, %swap3A_6], %dot_general3A_5 {strides = array<i32>} : memref<1024x128xf32, #tpu.memory_space<vmem>>, vector<1024x128xf32>,
    %get3A_8 = arith.constant 0 : index
    %get3A_9 = arith.constant 0 : index
    %get3A_10 = vector.load %arg3[%get3A_8, %get3A_9] : memref<128x128xf32, #tpu.memory_space<vmem>>, vector<128x128xf32>
    %dot_general3A_11 = arith.constant dense<0.000000e+00> : vector<1024x128xf32>
    %dot_general3A_12 = tpu.matmul %get3A_1, %get3A_10, %dot_general3A_11 {dimension_numbers = #tpu.dot_dimension_numbers<[1], [1], [0], [0], [0, 0, 1, 0], [], []>, transpose_lhs_hint = false} : vector<1024x128xf32>, vector<128x128xf32>, vector<1024x128xf32> -> vector<1024x128xf32>
    %get3A_13 = arith.constant 0 : index
    %get3A_14 = arith.constant 0 : index
    %get3A_15 = vector.load %arg4[%get3A_13, %get3A_14] : memref<1x128xf32, #tpu.memory_space<vmem>>, vector<1x128xf32>
    %add3A = vector.broadcast %get3A_15 : vector<1x128xf32> to vector<1024x128xf32>
    %add3A_16 = arith.addf %dot_general3A_12, %add3A : vector<1024x128xf32>
    %swap3A_17 = arith.constant 0 : index
    %swap3A_18 = arith.constant 0 : index
    %swap3A_19 = vector.load %arg6[%swap3A_17, %swap3A_18] : memref<1024x128xf32, #tpu.memory_space<vmem>>, vector<1024x128xf32>
    tpu.vector_store %arg6[%swap3A_17, %swap3A_18], %add3A_16 {strides = array<i32>} : memref<1024x128xf32, #tpu.memory_space<vmem>>, vector<1024x128xf32>,
    return
  }
  func.func @transform_0(%arg0: i32) -> (i32, i32) {
    %c0_i32 = arith.constant 0 : i32
    %c0_i32_0 = arith.constant 0 : i32
    return %arg0, %c0_i32 : i32, i32
  }
  func.func @transform_1(%arg0: i32) -> (i32, i32) {
    %c0_i32 = arith.constant 0 : i32
    %c0_i32_0 = arith.constant 0 : i32
    %c0_i32_1 = arith.constant 0 : i32
    return %c0_i32, %c0_i32_0 : i32, i32
  }
  func.func @transform_2(%arg0: i32) -> (i32, i32) {
    %c0_i32 = arith.constant 0 : i32
    %c0_i32_0 = arith.constant 0 : i32
    %c0_i32_1 = arith.constant 0 : i32
    return %c0_i32, %c0_i32_0 : i32, i32
  }
  func.func @transform_3(%arg0: i32) -> (i32, i32) {
    %c0_i32 = arith.constant 0 : i32
    %c0_i32_0 = arith.constant 0 : i32
    %c0_i32_1 = arith.constant 0 : i32
    return %c0_i32, %c0_i32_0 : i32, i32
  }
  func.func @transform_4(%arg0: i32) -> (i32, i32) {
    %c0_i32 = arith.constant 0 : i32
    %c0_i32_0 = arith.constant 0 : i32
    return %arg0, %c0_i32 : i32, i32
  }
  func.func @transform_5(%arg0: i32) -> (i32, i32) {
    %c0_i32 = arith.constant 0 : i32
    %c0_i32_0 = arith.constant 0 : i32
    return %arg0, %c0_i32 : i32, i32
  }
}

module attributes {stable_mosaic.version = 14 : i64} {
  func.func @_lin_mid_body(%arg0: i32, %arg1: memref<2x1024x128xf32, #tpu.memory_space<vmem>>, %arg2: memref<2x1024x1xf32, #tpu.memory_space<vmem>>, %arg3: memref<1024x128xf32, #tpu.memory_space<vmem>>, %arg4: memref<128x128xf32, #tpu.memory_space<vmem>>, %arg5: memref<128x128xf32, #tpu.memory_space<vmem>>, %arg6: memref<1x128xf32, #tpu.memory_space<vmem>>, %arg7: memref<1024x128xf32, #tpu.memory_space<vmem>>, %arg8: memref<1024x128xf32, #tpu.memory_space<vmem>>) attributes {dimension_semantics = [#tpu.dimension_semantics<arbitrary>], iteration_bounds = array<i64: 10>, scalar_prefetch = 0 : i64, scratch_operands = 0 : i64, tpu.core_type = #tpu.core_type<tc>, window_params = [{transform_indices = @transform_0, window_bounds = array<i64: 2, 1024, 128>}, {transform_indices = @transform_1, window_bounds = array<i64: 2, 1024, 1>}, {transform_indices = @transform_2, window_bounds = array<i64: 1024, 128>}, {pipeline_mode = #tpu.pipeline_mode<synchronous>, transform_indices = @transform_3, window_bounds = array<i64: 128, 128>}, {pipeline_mode = #tpu.pipeline_mode<synchronous>, transform_indices = @transform_4, window_bounds = array<i64: 128, 128>}, {pipeline_mode = #tpu.pipeline_mode<synchronous>, transform_indices = @transform_5, window_bounds = array<i64: 1, 128>}, {transform_indices = @transform_6, window_bounds = array<i64: 1024, 128>}, {transform_indices = @transform_7, window_bounds = array<i64: 1024, 128>}]} {
    %get3A = arith.constant 0 : index
    %get3A_0 = arith.constant 0 : index
    %get3A_1 = arith.constant 0 : index
    %get3A_2 = vector.load %arg2[%get3A, %get3A_0, %get3A_1] : memref<2x1024x1xf32, #tpu.memory_space<vmem>>, vector<1x1024x1xf32>
    %get3A_3 = vector.shape_cast %get3A_2 : vector<1x1024x1xf32> to vector<1024x1xf32>
    %get3A_4 = arith.constant 1 : index
    %get3A_5 = arith.constant 0 : index
    %get3A_6 = arith.constant 0 : index
    %get3A_7 = vector.load %arg2[%get3A_4, %get3A_5, %get3A_6] : memref<2x1024x1xf32, #tpu.memory_space<vmem>>, vector<1x1024x1xf32>
    %get3A_8 = vector.shape_cast %get3A_7 : vector<1x1024x1xf32> to vector<1024x1xf32>
    %add3A = arith.addf %get3A_3, %get3A_8 : vector<1024x1xf32>
    %max3A = arith.constant 1.000000e+00 : f32
    %max3A_9 = vector.broadcast %max3A : f32 to vector<1024x1xf32>
    %max3A_10 = arith.maximumf %add3A, %max3A_9 : vector<1024x1xf32>
    %div3A = arith.constant 1.000000e+00 : f32
    %div3A_11 = vector.broadcast %div3A : f32 to vector<1024x1xf32>
    %div3A_12 = arith.divf %div3A_11, %max3A_10 : vector<1024x1xf32>
    %get3A_13 = arith.constant 0 : index
    %get3A_14 = arith.constant 0 : index
    %get3A_15 = arith.constant 0 : index
    %get3A_16 = vector.load %arg1[%get3A_13, %get3A_14, %get3A_15] : memref<2x1024x128xf32, #tpu.memory_space<vmem>>, vector<1x1024x128xf32>
    %get3A_17 = vector.shape_cast %get3A_16 : vector<1x1024x128xf32> to vector<1024x128xf32>
    %get3A_18 = arith.constant 1 : index
    %get3A_19 = arith.constant 0 : index
    %get3A_20 = arith.constant 0 : index
    %get3A_21 = vector.load %arg1[%get3A_18, %get3A_19, %get3A_20] : memref<2x1024x128xf32, #tpu.memory_space<vmem>>, vector<1x1024x128xf32>
    %get3A_22 = vector.shape_cast %get3A_21 : vector<1x1024x128xf32> to vector<1024x128xf32>
    %add3A_23 = arith.addf %get3A_17, %get3A_22 : vector<1024x128xf32>
    %mul3A = vector.broadcast %div3A_12 : vector<1024x1xf32> to vector<1024x128xf32>
    %mul3A_24 = arith.mulf %add3A_23, %mul3A : vector<1024x128xf32>
    %get3A_25 = arith.constant 0 : index
    %get3A_26 = arith.constant 0 : index
    %get3A_27 = vector.load %arg3[%get3A_25, %get3A_26] : memref<1024x128xf32, #tpu.memory_space<vmem>>, vector<1024x128xf32>
    %add3A_28 = arith.addf %mul3A_24, %get3A_27 : vector<1024x128xf32>
    %max3A_29 = arith.constant 0.000000e+00 : f32
    %max3A_30 = vector.broadcast %max3A_29 : f32 to vector<1024x128xf32>
    %max3A_31 = arith.maximumf %add3A_28, %max3A_30 : vector<1024x128xf32>
    %get3A_32 = arith.constant 0 : index
    %get3A_33 = arith.constant 0 : index
    %get3A_34 = vector.load %arg4[%get3A_32, %get3A_33] : memref<128x128xf32, #tpu.memory_space<vmem>>, vector<128x128xf32>
    %dot_general3A = arith.constant dense<0.000000e+00> : vector<1024x128xf32>
    %dot_general3A_35 = tpu.matmul %max3A_31, %get3A_34, %dot_general3A {dimension_numbers = #tpu.dot_dimension_numbers<[1], [1], [0], [0], [0, 0, 1, 0], [], []>, transpose_lhs_hint = false} : vector<1024x128xf32>, vector<128x128xf32>, vector<1024x128xf32> -> vector<1024x128xf32>
    %swap3A = arith.constant 0 : index
    %swap3A_36 = arith.constant 0 : index
    %swap3A_37 = vector.load %arg7[%swap3A, %swap3A_36] : memref<1024x128xf32, #tpu.memory_space<vmem>>, vector<1024x128xf32>
    tpu.vector_store %arg7[%swap3A, %swap3A_36], %dot_general3A_35 {strides = array<i32>} : memref<1024x128xf32, #tpu.memory_space<vmem>>, vector<1024x128xf32>,
    %get3A_38 = arith.constant 0 : index
    %get3A_39 = arith.constant 0 : index
    %get3A_40 = vector.load %arg5[%get3A_38, %get3A_39] : memref<128x128xf32, #tpu.memory_space<vmem>>, vector<128x128xf32>
    %dot_general3A_41 = arith.constant dense<0.000000e+00> : vector<1024x128xf32>
    %dot_general3A_42 = tpu.matmul %max3A_31, %get3A_40, %dot_general3A_41 {dimension_numbers = #tpu.dot_dimension_numbers<[1], [1], [0], [0], [0, 0, 1, 0], [], []>, transpose_lhs_hint = false} : vector<1024x128xf32>, vector<128x128xf32>, vector<1024x128xf32> -> vector<1024x128xf32>
    %get3A_43 = arith.constant 0 : index
    %get3A_44 = arith.constant 0 : index
    %get3A_45 = vector.load %arg6[%get3A_43, %get3A_44] : memref<1x128xf32, #tpu.memory_space<vmem>>, vector<1x128xf32>
    %add3A_46 = vector.broadcast %get3A_45 : vector<1x128xf32> to vector<1024x128xf32>
    %add3A_47 = arith.addf %dot_general3A_42, %add3A_46 : vector<1024x128xf32>
    %swap3A_48 = arith.constant 0 : index
    %swap3A_49 = arith.constant 0 : index
    %swap3A_50 = vector.load %arg8[%swap3A_48, %swap3A_49] : memref<1024x128xf32, #tpu.memory_space<vmem>>, vector<1024x128xf32>
    tpu.vector_store %arg8[%swap3A_48, %swap3A_49], %add3A_47 {strides = array<i32>} : memref<1024x128xf32, #tpu.memory_space<vmem>>, vector<1024x128xf32>,
    return
  }
  func.func @transform_0(%arg0: i32) -> (i32, i32, i32) {
    %c0_i32 = arith.constant 0 : i32
    %c0_i32_0 = arith.constant 0 : i32
    %c0_i32_1 = arith.constant 0 : i32
    return %c0_i32, %arg0, %c0_i32_0 : i32, i32, i32
  }
  func.func @transform_1(%arg0: i32) -> (i32, i32, i32) {
    %c0_i32 = arith.constant 0 : i32
    %c0_i32_0 = arith.constant 0 : i32
    %c0_i32_1 = arith.constant 0 : i32
    return %c0_i32, %arg0, %c0_i32_0 : i32, i32, i32
  }
  func.func @transform_2(%arg0: i32) -> (i32, i32) {
    %c0_i32 = arith.constant 0 : i32
    %c0_i32_0 = arith.constant 0 : i32
    return %arg0, %c0_i32 : i32, i32
  }
  func.func @transform_3(%arg0: i32) -> (i32, i32) {
    %c0_i32 = arith.constant 0 : i32
    %c0_i32_0 = arith.constant 0 : i32
    %c0_i32_1 = arith.constant 0 : i32
    return %c0_i32, %c0_i32_0 : i32, i32
  }
  func.func @transform_4(%arg0: i32) -> (i32, i32) {
    %c0_i32 = arith.constant 0 : i32
    %c0_i32_0 = arith.constant 0 : i32
    %c0_i32_1 = arith.constant 0 : i32
    return %c0_i32, %c0_i32_0 : i32, i32
  }
  func.func @transform_5(%arg0: i32) -> (i32, i32) {
    %c0_i32 = arith.constant 0 : i32
    %c0_i32_0 = arith.constant 0 : i32
    %c0_i32_1 = arith.constant 0 : i32
    return %c0_i32, %c0_i32_0 : i32, i32
  }
  func.func @transform_6(%arg0: i32) -> (i32, i32) {
    %c0_i32 = arith.constant 0 : i32
    %c0_i32_0 = arith.constant 0 : i32
    return %arg0, %c0_i32 : i32, i32
  }
  func.func @transform_7(%arg0: i32) -> (i32, i32) {
    %c0_i32 = arith.constant 0 : i32
    %c0_i32_0 = arith.constant 0 : i32
    return %arg0, %c0_i32 : i32, i32
  }
}

module attributes {stable_mosaic.version = 14 : i64} {
  func.func @_final_body(%arg0: i32, %arg1: memref<2x1024x128xf32, #tpu.memory_space<vmem>>, %arg2: memref<2x1024x1xf32, #tpu.memory_space<vmem>>, %arg3: memref<1024x128xf32, #tpu.memory_space<vmem>>, %arg4: memref<1x1x1024xi32, #tpu.memory_space<vmem>>, %arg5: memref<1x128xf32, #tpu.memory_space<vmem>>, %arg6: memref<1x1xf32, #tpu.memory_space<vmem>>, %arg7: memref<16x1xf32, #tpu.memory_space<vmem>>, %arg8: memref<16x128xf32, #tpu.memory_space<vmem>>, %arg9: memref<16x1xf32, #tpu.memory_space<vmem>>) attributes {dimension_semantics = [#tpu.dimension_semantics<arbitrary>], iteration_bounds = array<i64: 10>, scalar_prefetch = 0 : i64, scratch_operands = 2 : i64, tpu.core_type = #tpu.core_type<tc>, window_params = [{transform_indices = @transform_0, window_bounds = array<i64: 2, 1024, 128>}, {transform_indices = @transform_1, window_bounds = array<i64: 2, 1024, 1>}, {transform_indices = @transform_2, window_bounds = array<i64: 1024, 128>}, {transform_indices = @transform_3, window_bounds = array<i64: 1, 1, 1024>}, {pipeline_mode = #tpu.pipeline_mode<synchronous>, transform_indices = @transform_4, window_bounds = array<i64: 1, 128>}, {pipeline_mode = #tpu.pipeline_mode<synchronous>, transform_indices = @transform_5, window_bounds = array<i64: 1, 1>}, {pipeline_mode = #tpu.pipeline_mode<synchronous>, transform_indices = @transform_6, window_bounds = array<i64: 16, 1>}]} {
    %get3A = arith.constant 0 : index
    %get3A_0 = arith.constant 0 : index
    %get3A_1 = arith.constant 0 : index
    %get3A_2 = vector.load %arg2[%get3A, %get3A_0, %get3A_1] : memref<2x1024x1xf32, #tpu.memory_space<vmem>>, vector<1x1024x1xf32>
    %get3A_3 = vector.shape_cast %get3A_2 : vector<1x1024x1xf32> to vector<1024x1xf32>
    %get3A_4 = arith.constant 1 : index
    %get3A_5 = arith.constant 0 : index
    %get3A_6 = arith.constant 0 : index
    %get3A_7 = vector.load %arg2[%get3A_4, %get3A_5, %get3A_6] : memref<2x1024x1xf32, #tpu.memory_space<vmem>>, vector<1x1024x1xf32>
    %get3A_8 = vector.shape_cast %get3A_7 : vector<1x1024x1xf32> to vector<1024x1xf32>
    %add3A = arith.addf %get3A_3, %get3A_8 : vector<1024x1xf32>
    %max3A = arith.constant 1.000000e+00 : f32
    %max3A_9 = vector.broadcast %max3A : f32 to vector<1024x1xf32>
    %max3A_10 = arith.maximumf %add3A, %max3A_9 : vector<1024x1xf32>
    %div3A = arith.constant 1.000000e+00 : f32
    %div3A_11 = vector.broadcast %div3A : f32 to vector<1024x1xf32>
    %div3A_12 = arith.divf %div3A_11, %max3A_10 : vector<1024x1xf32>
    %get3A_13 = arith.constant 0 : index
    %get3A_14 = arith.constant 0 : index
    %get3A_15 = arith.constant 0 : index
    %get3A_16 = vector.load %arg1[%get3A_13, %get3A_14, %get3A_15] : memref<2x1024x128xf32, #tpu.memory_space<vmem>>, vector<1x1024x128xf32>
    %get3A_17 = vector.shape_cast %get3A_16 : vector<1x1024x128xf32> to vector<1024x128xf32>
    %get3A_18 = arith.constant 1 : index
    %get3A_19 = arith.constant 0 : index
    %get3A_20 = arith.constant 0 : index
    %get3A_21 = vector.load %arg1[%get3A_18, %get3A_19, %get3A_20] : memref<2x1024x128xf32, #tpu.memory_space<vmem>>, vector<1x1024x128xf32>
    %get3A_22 = vector.shape_cast %get3A_21 : vector<1x1024x128xf32> to vector<1024x128xf32>
    %add3A_23 = arith.addf %get3A_17, %get3A_22 : vector<1024x128xf32>
    %mul3A = vector.broadcast %div3A_12 : vector<1024x1xf32> to vector<1024x128xf32>
    %mul3A_24 = arith.mulf %add3A_23, %mul3A : vector<1024x128xf32>
    %get3A_25 = arith.constant 0 : index
    %get3A_26 = arith.constant 0 : index
    %get3A_27 = vector.load %arg3[%get3A_25, %get3A_26] : memref<1024x128xf32, #tpu.memory_space<vmem>>, vector<1024x128xf32>
    %add3A_28 = arith.addf %mul3A_24, %get3A_27 : vector<1024x128xf32>
    %max3A_29 = arith.constant 0.000000e+00 : f32
    %max3A_30 = vector.broadcast %max3A_29 : f32 to vector<1024x128xf32>
    %max3A_31 = arith.maximumf %add3A_28, %max3A_30 : vector<1024x128xf32>
    %get3A_32 = arith.constant 0 : index
    %get3A_33 = arith.constant 0 : index
    %get3A_34 = arith.constant 0 : index
    %get3A_35 = vector.load %arg4[%get3A_32, %get3A_33, %get3A_34] : memref<1x1x1024xi32, #tpu.memory_space<vmem>>, vector<1x1x1024xi32>
    %reshape3A = vector.shape_cast %get3A_35 : vector<1x1x1024xi32> to vector<1x1024xi32>
    %iota3A = tpu.iota {dimensions = array<i32: 0>} : vector<16x1xi32>
    %eq3A = vector.broadcast %reshape3A : vector<1x1024xi32> to vector<16x1024xi32>
    %eq3A_36 = vector.broadcast %iota3A : vector<16x1xi32> to vector<16x1024xi32>
    %eq3A_37 = arith.cmpi eq, %eq3A, %eq3A_36 : vector<16x1024xi32>
    %convert_element_type3A = arith.extui %eq3A_37 : vector<16x1024xi1> to vector<16x1024xi32>
    %convert_element_type3A_38 = arith.sitofp %convert_element_type3A : vector<16x1024xi32> to vector<16x1024xf32>
    %eq3A_39 = arith.constant 0 : i32
    %eq3A_40 = arith.cmpi eq, %arg0, %eq3A_39 : i32
    %convert_element_type3A_41 = arith.extui %eq3A_40 : i1 to i32
    %cond3A = arith.constant 0 : i32
    %cond3A_42 = arith.cmpi ne, %convert_element_type3A_41, %cond3A : i32
    scf.if %cond3A_42 {
      %broadcast_in_dim3A_63 = arith.constant 0.000000e+00 : f32
      %broadcast_in_dim3A_64 = vector.broadcast %broadcast_in_dim3A_63 : f32 to vector<16x128xf32>
      %swap3A_65 = arith.constant 0 : index
      %swap3A_66 = arith.constant 0 : index
      %swap3A_67 = vector.load %arg8[%swap3A_65, %swap3A_66] : memref<16x128xf32, #tpu.memory_space<vmem>>, vector<16x128xf32>
      tpu.vector_store %arg8[%swap3A_65, %swap3A_66], %broadcast_in_dim3A_64 {strides = array<i32>} : memref<16x128xf32, #tpu.memory_space<vmem>>, vector<16x128xf32>,
      %broadcast_in_dim3A_68 = arith.constant 0.000000e+00 : f32
      %broadcast_in_dim3A_69 = vector.broadcast %broadcast_in_dim3A_68 : f32 to vector<16x1xf32>
      %swap3A_70 = arith.constant 0 : index
      %swap3A_71 = arith.constant 0 : index
      %swap3A_72 = vector.load %arg9[%swap3A_70, %swap3A_71] : memref<16x1xf32, #tpu.memory_space<vmem>>, vector<16x1xf32>
      tpu.vector_store %arg9[%swap3A_70, %swap3A_71], %broadcast_in_dim3A_69 {strides = array<i32>} : memref<16x1xf32, #tpu.memory_space<vmem>>, vector<16x1xf32>,
    } else {
    }
    %get3A_43 = arith.constant 0 : index
    %get3A_44 = arith.constant 0 : index
    %get3A_45 = vector.load %arg8[%get3A_43, %get3A_44] : memref<16x128xf32, #tpu.memory_space<vmem>>, vector<16x128xf32>
    %dot_general3A = arith.constant dense<0.000000e+00> : vector<16x128xf32>
    %dot_general3A_46 = tpu.matmul %convert_element_type3A_38, %max3A_31, %dot_general3A {dimension_numbers = #tpu.dot_dimension_numbers<[1], [0], [0], [1], [0, 0, 1, 1], [], []>, transpose_lhs_hint = false} : vector<16x1024xf32>, vector<1024x128xf32>, vector<16x128xf32> -> vector<16x128xf32>
    %add3A_47 = arith.addf %get3A_45, %dot_general3A_46 : vector<16x128xf32>
    %swap3A = arith.constant 0 : index
    %swap3A_48 = arith.constant 0 : index
    %swap3A_49 = vector.load %arg8[%swap3A, %swap3A_48] : memref<16x128xf32, #tpu.memory_space<vmem>>, vector<16x128xf32>
    tpu.vector_store %arg8[%swap3A, %swap3A_48], %add3A_47 {strides = array<i32>} : memref<16x128xf32, #tpu.memory_space<vmem>>, vector<16x128xf32>,
    %get3A_50 = arith.constant 0 : index
    %get3A_51 = arith.constant 0 : index
    %get3A_52 = vector.load %arg9[%get3A_50, %get3A_51] : memref<16x1xf32, #tpu.memory_space<vmem>>, vector<16x1xf32>
    %reduce_sum3A = arith.constant dense<0.000000e+00> : vector<16xf32>
    %reduce_sum3A_53 = vector.multi_reduction <add>, %convert_element_type3A_38, %reduce_sum3A [1] : vector<16x1024xf32> to vector<16xf32>
    %broadcast_in_dim3A = vector.shape_cast %reduce_sum3A_53 : vector<16xf32> to vector<16x1xf32>
    %add3A_54 = arith.addf %get3A_52, %broadcast_in_dim3A : vector<16x1xf32>
    %swap3A_55 = arith.constant 0 : index
    %swap3A_56 = arith.constant 0 : index
    %swap3A_57 = vector.load %arg9[%swap3A_55, %swap3A_56] : memref<16x1xf32, #tpu.memory_space<vmem>>, vector<16x1xf32>
    tpu.vector_store %arg9[%swap3A_55, %swap3A_56], %add3A_54 {strides = array<i32>} : memref<16x1xf32, #tpu.memory_space<vmem>>, vector<16x1xf32>,
    %eq3A_58 = arith.constant 9 : i32
    %eq3A_59 = arith.cmpi eq, %arg0, %eq3A_58 : i32
    %convert_element_type3A_60 = arith.extui %eq3A_59 : i1 to i32
    %cond3A_61 = arith.constant 0 : i32
    %cond3A_62 = arith.cmpi ne, %convert_element_type3A_60, %cond3A_61 : i32
    scf.if %cond3A_62 {
      %get3A_63 = arith.constant 0 : index
      %get3A_64 = arith.constant 0 : index
      %get3A_65 = vector.load %arg8[%get3A_63, %get3A_64] : memref<16x128xf32, #tpu.memory_space<vmem>>, vector<16x128xf32>
      %get3A_66 = arith.constant 0 : index
      %get3A_67 = arith.constant 0 : index
      %get3A_68 = vector.load %arg9[%get3A_66, %get3A_67] : memref<16x1xf32, #tpu.memory_space<vmem>>, vector<16x1xf32>
      %max3A_69 = arith.constant 1.000000e+00 : f32
      %max3A_70 = vector.broadcast %max3A_69 : f32 to vector<16x1xf32>
      %max3A_71 = arith.maximumf %get3A_68, %max3A_70 : vector<16x1xf32>
      %div3A_72 = vector.broadcast %max3A_71 : vector<16x1xf32> to vector<16x128xf32>
      %div3A_73 = arith.divf %get3A_65, %div3A_72 : vector<16x128xf32>
      %get3A_74 = arith.constant 0 : index
      %get3A_75 = arith.constant 0 : index
      %get3A_76 = vector.load %arg5[%get3A_74, %get3A_75] : memref<1x128xf32, #tpu.memory_space<vmem>>, vector<1x128xf32>
      %mul3A_77 = vector.broadcast %get3A_76 : vector<1x128xf32> to vector<16x128xf32>
      %mul3A_78 = arith.mulf %div3A_73, %mul3A_77 : vector<16x128xf32>
      %reduce_sum3A_79 = arith.constant dense<0.000000e+00> : vector<16xf32>
      %reduce_sum3A_80 = vector.multi_reduction <add>, %mul3A_78, %reduce_sum3A_79 [1] : vector<16x128xf32> to vector<16xf32>
      %broadcast_in_dim3A_81 = vector.shape_cast %reduce_sum3A_80 : vector<16xf32> to vector<16x1xf32>
      %get3A_82 = arith.constant 0 : index
      %get3A_83 = arith.constant 0 : index
      %get3A_84 = vector.load %arg6[%get3A_82, %get3A_83] : memref<1x1xf32, #tpu.memory_space<vmem>>, vector<1x1xf32>
      %get3A_85 = vector.extract %get3A_84[0, 0] : f32 from vector<1x1xf32>
      %add3A_86 = vector.broadcast %get3A_85 : f32 to vector<16x1xf32>
      %add3A_87 = arith.addf %broadcast_in_dim3A_81, %add3A_86 : vector<16x1xf32>
      %logistic3A = arith.negf %add3A_87 : vector<16x1xf32>
      %logistic3A_88 = math.exp %logistic3A : vector<16x1xf32>
      %logistic3A_89 = arith.constant 1.000000e+00 : f32
      %logistic3A_90 = vector.broadcast %logistic3A_89 : f32 to vector<16x1xf32>
      %logistic3A_91 = arith.addf %logistic3A_90, %logistic3A_88 : vector<16x1xf32>
      %logistic3A_92 = arith.divf %logistic3A_90, %logistic3A_91 : vector<16x1xf32>
      %swap3A_93 = arith.constant 0 : index
      %swap3A_94 = arith.constant 0 : index
      %swap3A_95 = vector.load %arg7[%swap3A_93, %swap3A_94] : memref<16x1xf32, #tpu.memory_space<vmem>>, vector<16x1xf32>
      tpu.vector_store %arg7[%swap3A_93, %swap3A_94], %logistic3A_92 {strides = array<i32>} : memref<16x1xf32, #tpu.memory_space<vmem>>, vector<16x1xf32>,
    } else {
    }
    return
  }
  func.func @transform_0(%arg0: i32) -> (i32, i32, i32) {
    %c0_i32 = arith.constant 0 : i32
    %c0_i32_0 = arith.constant 0 : i32
    %c0_i32_1 = arith.constant 0 : i32
    return %c0_i32, %arg0, %c0_i32_0 : i32, i32, i32
  }
  func.func @transform_1(%arg0: i32) -> (i32, i32, i32) {
    %c0_i32 = arith.constant 0 : i32
    %c0_i32_0 = arith.constant 0 : i32
    %c0_i32_1 = arith.constant 0 : i32
    return %c0_i32, %arg0, %c0_i32_0 : i32, i32, i32
  }
  func.func @transform_2(%arg0: i32) -> (i32, i32) {
    %c0_i32 = arith.constant 0 : i32
    %c0_i32_0 = arith.constant 0 : i32
    return %arg0, %c0_i32 : i32, i32
  }
  func.func @transform_3(%arg0: i32) -> (i32, i32, i32) {
    %c0_i32 = arith.constant 0 : i32
    %c0_i32_0 = arith.constant 0 : i32
    %c0_i32_1 = arith.constant 0 : i32
    return %arg0, %c0_i32, %c0_i32_0 : i32, i32, i32
  }
  func.func @transform_4(%arg0: i32) -> (i32, i32) {
    %c0_i32 = arith.constant 0 : i32
    %c0_i32_0 = arith.constant 0 : i32
    %c0_i32_1 = arith.constant 0 : i32
    return %c0_i32, %c0_i32_0 : i32, i32
  }
  func.func @transform_5(%arg0: i32) -> (i32, i32) {
    %c0_i32 = arith.constant 0 : i32
    %c0_i32_0 = arith.constant 0 : i32
    %c0_i32_1 = arith.constant 0 : i32
    return %c0_i32, %c0_i32_0 : i32, i32
  }
  func.func @transform_6(%arg0: i32) -> (i32, i32) {
    %c0_i32 = arith.constant 0 : i32
    %c0_i32_0 = arith.constant 0 : i32
    %c0_i32_1 = arith.constant 0 : i32
    return %c0_i32, %c0_i32_0 : i32, i32
  }
}

</mosaic_0001>

<sc_bundles>
// kernel: kernel.11.cloned.1.call-start
scs
__scs_entry_jumppad:
0x0: {  	(pc) =	sbr.rel $0x88, $3  }
0x1: {  	(tag) =	ssettag $0x0;
	lr =	simm.s32 $0x1  }
0x2: {  	[smem:$0x3F90] =	sst lr;
	_ =	strace $0xD0000000  }
0x3: {  	_ = 	snop  }
0x4: {  	_ = 	snop  }
0x5: {  	_ = 	snop  }
0x6: {  	_ = 	snop  }
0x7: {  	_ = 	snop  }
__scs_overlays_trampoline_lowered:
0x8: {  	[smem:$0x3F9F] =	sst s0  }
0x9: {  	[smem:$0x3FA0] =	sst s1  }
0xa: {  	[smem:$0x3FA1] =	sst s2  }
0xb: {  	[smem:$0x3FA2] =	sst s3  }
0xc: {  	[smem:$0x3FA3] =	sst s4  }
0xd: {  	[smem:$0x3FA4] =	sst s5  }
0xe: {  	[smem:$0x3FA5] =	sst s6  }
0xf: {  	[smem:$0x3FA6] =	sst s7  }
0x10: {  	[smem:$0x3FA7] =	sst s8  }
0x11: {  	[smem:$0x3FA8] =	sst s9;
	s0 =	simm.s32 @!p0 $0x0  }
0x12: {  	s1 =	sld [smem:$0x3F8E];
	s0 =	simm.s32 @p0 $0x1  }
0x13: {  	[smem:$0x3FA9] =	sst s0;
	s0 =	simm.s32 @!p1 $0x0  }
0x14: {  	s2 =	sld [smem:$0x3F8D];
	s0 =	simm.s32 @p1 $0x1  }
0x15: {  	[smem:$0x3FAA] =	sst s0;
	s0 =	simm.s32 @!p2 $0x0  }
0x16: {  	s3 =	sld [smem:$0x3FDB];
	s0 =	simm.s32 @p2 $0x1  }
0x17: {  	s4 =	simm.s32 $0x1BF5;
	[smem:$0x3FAC] =	sst s0  }
0x18: {  	s0 =	sld [smem:$0x3F8F];
	_ =	swait.ge [sflag:s4], $0x0  }
0x19: {  	s7 =	sld [smem:$0x3F90]  }
0x1a: {  	s8 =	sadd.s32 $0xFFFFE003, lr  }
0x1b: {  	s9 =	sadd.s32 $0xFFFFFEF7, lr;
	s5 =	simm.s32 $0xFFFFFFFF;
	p2 =	slt.u32 s8, $0xFFFFF086  }
0x1c: {  	p1 =	slt.u32 s9, $0xF7A;
	s5 =	simm.s32 @!p2 $0x0  }
0x1d: {  	s5 =	simm.s32 @p1 $0x1;
	p0 =	seq.s32 s7, s2  }
0x1e: {  	s7 =	smul.u32 @!p0 $0xF7A, s2;
	p2 =	seq.s32 @!p0 s5, $0x0  }
0x1f: {  	s9 =	smul.u32 $0xF7A, s1;
	s8 =	simm.s32 @!p0 $0x1BF5;
	p2 =	por !p2, p0  }
0x20: {  	[sflag:s8] =	ssyncset.s32 @!p0 $0xFFFFF086;
	s6 =	sadd.s32 @!p0 s3, s7;
	s7 =	simm.s32 @!p0 $0x108  }
0x21: {  	s3 =	sadd.s32 s3, s9;
	s6 =	sadd.s32 @!p0 $0x88, s6;
	s7 =	simm.s32 @p2 $0x1082  }
0x22: {  	[simem:s7], [sflag:s8] =	dma.local @!p0 [hbm:s6], $0xF7A  }
0x23: {  	s9 =	sor.u32 $0xD0000000, s2;
	s6 =	simm.s32 $0x108;
	_ =	swait.ge @!p0 [sflag:s8], $0x0  }
0x24: {  	s3 =	sadd.s32 $0x88, s3;
	s6 =	simm.s32 @!p1 $0x1082;
	[sflag:s4] =	ssyncset.s32 $0xFFFFF086  }
0x25: {  	[simem:s6], [sflag:s4] =	dma.local [hbm:s3], $0xF7A  }
0x26: {  	[smem:$0x3F90] =	sst s1;
	(tag) =	ssettag s2;
	_ =	strace s9  }
0x27: {  	s1 =	sld [smem:$0x3FA0]  }
0x28: {  	s2 =	sld [smem:$0x3FA1]  }
0x29: {  	s4 =	sld [smem:$0x3FA3]  }
0x2a: {  	p0 =	seq.s32 s5, $0x0;
	s5 =	sld [smem:$0x3FA4]  }
0x2b: {  	s6 =	sld [smem:$0x3FA5]  }
0x2c: {  	s7 =	sld [smem:$0x3FA6]  }
0x2d: {  	s3 =	simm.s32 $0x108;
	s8 =	sld [smem:$0x3FA7]  }
0x2e: {  	s3 =	simm.s32 @!p0 $0x1082;
	s9 =	sld [smem:$0x3FA8]  }
0x2f: {  	lr =	sadd.s32 s0, s3;
	s0 =	sld [smem:$0x3F9F]  }
0x30: {  	s3 =	sld [smem:$0x3FA2]  }
0x31: {  	[smem:$0x3FAB] =	sst s10  }
0x32: {  	s10 =	sld [smem:$0x3FA9];
	_ =	sdelay $0x3  }
0x33: {  	p0 =	seq.s32 s10, $0x1;
	s10 =	sld [smem:$0x3FAB];
	_ =	sdelay $0x3  }
0x34: {  	[smem:$0x3FAB] =	sst s10  }
0x35: {  	s10 =	sld [smem:$0x3FAA];
	_ =	sdelay $0x3  }
0x36: {  	p1 =	seq.s32 s10, $0x1;
	s10 =	sld [smem:$0x3FAB];
	_ =	sdelay $0x3  }
0x37: {  	[smem:$0x3FAB] =	sst s10  }
0x38: {  	s10 =	sld [smem:$0x3FAC]  }
0x39: {  	_ = 	snop;
	(pc) =	sbr.ind lr, $3  }
0x3a: {  	_ = 	snop  }
0x3b: {  	_ = 	snop  }
0x3c: {  	p2 =	seq.s32 s10, $0x1;
	s10 =	sld [smem:$0x3FAB]  }
0x3d: {  	_ =	shalt  }
0x3e: {  	_ =	shalt  }
0x3f: {  	_ =	shalt  }
0x40: {  	_ =	shalt  }
0x41: {  	_ =	shalt  }
0x42: {  	_ =	shalt  }
0x43: {  	_ =	shalt  }
0x44: {  	_ =	shalt  }
0x45: {  	_ =	shalt  }
0x46: {  	_ =	shalt  }
0x47: {  	_ =	shalt  }
0x48: {  	_ =	shalt  }
0x49: {  	_ =	shalt  }
0x4a: {  	_ =	shalt  }
0x4b: {  	_ =	shalt  }
0x4c: {  	_ =	shalt  }
0x4d: {  	_ =	shalt  }
0x4e: {  	_ =	shalt  }
0x4f: {  	_ =	shalt  }
0x50: {  	_ =	shalt  }
0x51: {  	_ =	shalt  }
0x52: {  	_ =	shalt  }
0x53: {  	_ =	shalt  }
0x54: {  	_ =	shalt  }
0x55: {  	_ =	shalt  }
0x56: {  	_ =	shalt  }
0x57: {  	_ =	shalt  }
0x58: {  	_ =	shalt  }
0x59: {  	_ =	shalt  }
0x5a: {  	_ =	shalt  }
0x5b: {  	_ =	shalt  }
0x5c: {  	_ =	shalt  }
0x5d: {  	_ =	shalt  }
0x5e: {  	_ =	shalt  }
0x5f: {  	_ =	shalt  }
0x60: {  	_ =	shalt  }
0x61: {  	_ =	shalt  }
0x62: {  	_ =	shalt  }
0x63: {  	_ =	shalt  }
0x64: {  	_ =	shalt  }
0x65: {  	_ =	shalt  }
0x66: {  	_ =	shalt  }
0x67: {  	_ =	shalt  }
0x68: {  	_ =	shalt  }
0x69: {  	_ =	shalt  }
0x6a: {  	_ =	shalt  }
0x6b: {  	_ =	shalt  }
0x6c: {  	_ =	shalt  }
0x6d: {  	_ =	shalt  }
0x6e: {  	_ =	shalt  }
0x6f: {  	_ =	shalt  }
0x70: {  	_ =	shalt  }
0x71: {  	_ =	shalt  }
0x72: {  	_ =	shalt  }
0x73: {  	_ =	shalt  }
0x74: {  	_ =	shalt  }
0x75: {  	_ =	shalt  }
0x76: {  	_ =	shalt  }
0x77: {  	_ =	shalt  }
0x78: {  	_ =	shalt  }
0x79: {  	_ =	shalt  }
0x7a: {  	_ =	shalt  }
0x7b: {  	_ =	shalt  }
0x7c: {  	_ =	shalt  }
0x7d: {  	_ =	shalt  }
0x7e: {  	_ =	shalt  }
0x7f: {  	_ =	shalt  }
0x80: {  	_ =	shalt  }
0x81: {  	_ =	shalt  }
0x82: {  	_ =	shalt  }
0x83: {  	_ =	shalt  }
0x84: {  	_ =	shalt  }
0x85: {  	_ =	shalt  }
0x86: {  	_ =	shalt  }
0x87: {  	_ =	shalt  }
.Lfunc_end0:
.L_simem_size_0:
called_computation_lowered:
.L_overlay_start_0:
0x88: {  	s2 =	sld [smem:$0x3FD9]  }
0x89: {  	s3 =	sld [smem:$0x3FFE];
	_ =	sdelay $0x1  }
0x8a: {  	s1 =	srdreg.scid  }
0x8b: {  	s0 =	sand.u32 $0x1, s1  }
0x8c: {  	s16 =	sshll.u32 s0, $0xA;
	s2 =	sadd.s32 s3, s2  }
0x8d: {  	s2 =	sadd.s32 s2, s16  }
0x8e: {  	[smem:$0x3FB7] =	sst s2  }
0x8f: {  	_ = 	snop  }
0x90: {  	(tm) =	ssettm $0x1  }
0x91: {  	s17 =	sld [smem:$0x3FFB];
	_ =	sdelay $0x3  }
0x92: {  	_ =	strace s17  }
0x93: {  	s2 =	sld [smem:$0x3FFC];
	_ =	sdelay $0x3  }
0x94: {  	_ =	strace s2  }
0x95: {  	s2 =	sld [smem:$0x3FFD];
	_ =	sdelay $0x3  }
0x96: {  	_ =	strace s2  }
0x97: {  	_ =	strace $0x8FFFFFFF  }
0x98: {  	s18 =	sld [smem:$0x3FDB];
	_ =	sdelay $0x1  }
0x99: {  	s19 =	simm.s32 $_scs_section_size  }
0x9a: {  	s4 =	simm.s32 $_size__tile_overlayer_lowered;
	s5 =	simm.s32 $_tile_overlayer_lowered  }
0x9b: {  	s22 =	simm.s32 $0x1BFF;
	s21 =	sshll.u32 s5, $0x1;
	s2 =	sadd.s32 s19, s18  }
0x9c: {  	s6 =	simm.s32 $0x0;
	s20 =	sshll.u32 s4, $0x1;
	s4 =	sadd.s32 s21, s2  }
0x9d: {  	[timem:s6], [sflag:s22] =	dma.local [hbm:s4], s20  }
0x9e: {  	_ =	swait.ge [sflag:s22], s20  }
0x9f: {  	s3 =	ssub.s32 $0x0, s20;
	[sflag:s22] =	ssyncset.done $0x0  }
0xa0: {  	[sflag:s22] =	ssyncadd.s32 s3;
	_ =	sdelay $0x1  }
0xa1: {  	s23 =	simm.s32 $0x1B8B  }
0xa2: {  	_ =	swait.ge [sflag:s23], $0x1  }
0xa3: {  	[sflag:s23] =	ssyncset.done $0x0  }
0xa4: {  	s25 =	simm.s32 $0x1B8E;
	s24 =	sld [smem:$0x3FFE];
	[sflag:s23] =	ssyncadd.s32 $0xFFFFFFFF  }
0xa5: {  	s26 =	simm.s32 $execute0_lowered;
	[smem:$0x3FD2] =	sst s25  }
0xa6: {  	s4 =	sshll.u32 s26, $0x1;
	_ =	strace $0x80000046;
	[dreg:$0x1] =	wrdreg $0xFFFFFFFF  }
0xa7: {  	s28 =	simm.s32 $_size_execute0_lowered;
	s2 =	sadd.s32 s2, s4;
	[dreg:$0x0] =	wrdreg $0x0  }
0xa8: {  	s4 =	sshll.u32 s28, $0x1;
	[dreg:$0x2] =	wrdreg s2  }
0xa9: {  	[dreg:$0x3] =	wrdreg s4  }
0xaa: {  	[dreg:$0x4] =	wrdreg $0xC0  }
0xab: {  	_ =	task [dreg:s6], $0x5FFFF  }
0xac: {  	[dreg:$0x1] =	wrdreg $0xFFFFFFFF  }
0xad: {  	[dreg:$0x0] =	wrdreg $0x60  }
0xae: {  	[dreg:$0x2] =	wrdreg s24  }
0xaf: {  	[dreg:$0x3] =	wrdreg $0x0  }
0xb0: {  	[dreg:$0x4] =	wrdreg $0x140000  }
0xb1: {  	[dreg:$0x5] =	wrdreg $0x9  }
0xb2: {  	_ =	task.clear_ibuf [dreg:s6], $0x6FFFF;
	_ =	strace $0x90000046  }
0xb3: {  	s29 =	simm.s32 $0x9;
	_ =	strace $0x80000048  }
0xb4: {  	_ =	swait.ge [sflag:s29], $0x1  }
0xb5: {  	[sflag:s29] =	ssyncadd.s32 $0xFFFFFFFF  }
0xb6: {  	_ =	strace $0x90000048  }
0xb7: {  	_ =	sfence  }
0xb8: {  	s30 =	sld [smem:$0x0];
	_ =	sdelay $0x2  }
0xb9: {  	s31 =	sshll.u32 s1, $0xD;
	s1 =	sshrl.u32 s1, $0x2  }
0xba: {  	s3 =	sand.u32 $0x4000, s31;
	s1 =	sadd.s32 s1, s30  }
0xbb: {  	s0 =	sor.u32 s3, s0;
	s1 =	sshll.u32 s1, $0x11  }
0xbc: {  	s0 =	sor.u32 s1, s0  }
0xbd: {  	s0 =	sadd.s32 $0x8F2B, s0  }
0xbe: {  	[sflag:s0] =	ssyncadd.remote.s32 $0x1  }
0xbf: {  	_ =	sfence.sel $0xFFFF  }
0xc0: {  	[dreg:$0x0] =	wrdreg $0xFFFFFFFF;
	(pc) =	sbr.abs _section_cstart, $3  }
0xc1: {  	[dreg:$0x1] =	wrdreg $0xFFFFFFFF  }
0xc2: {  	_ =	task.clear_ibuf [dreg:s6], $0x2FFFF;
	_ =	strace $0x9FFFFFFF  }
0xc3: {  	(tm) =	ssettm $0x7FFFFFFF  }
tec
execute0_lowered:
.L_overlay_start_1:
0x0: {  	(tag) =	ssettag $0x1  }
0x1: {  	s0 =	rddreg [dreg:$0x0]  }
0x2: {  	s1 =	rddreg [dreg:$0x1]  }
0x3: {  	s2 =	rddreg [dreg:$0x2];
	s3 =	simm.s32 $0x0;
	s15 =	stileid.u32  }
0x4: {  	s4 =	srdreg.scid;
	s30 =	simm.s32 $0x14580;
	s19 =	smul.u32 $0x500, s15  }
0x5: {  	s31 =	simm.s32 $0x3;
	[smem:$0x7FF] =	sst s3;
	s11 =	smul.u32 $0x280, s15  }
0x6: {  	s5 =	sadd.s32 $0x18200, s0;
	s6 =	sadd.s32 $0x3E00, s0;
	s12 =	smul.u32 $0x50000, s15  }
0x7: {  	s7 =	sadd.s32 $0x40200, s0;
	s4 =	sand.u32 $0x1, s4;
	s14 =	smul.u32 $0x14000, s15  }
0x8: {  	s8 =	sadd.s32 $0x40A00, s0;
	s20 =	sshll.u32 s15, $0x1;
	s18 =	smul.u32 $0xA200, s15  }
0x9: {  	s15 =	simm.s32 $0x2;
	_ =	strace $0x80000047;
	[dreg:$0x4] =	wrdreg s7  }
0xa: {  	[dreg:$0x5] =	wrdreg s8;
	s8 =	sadd.s32 $0x41600, s0;
	s9 =	sshll.u32 s4, $0x7  }
0xb: {  	s10 =	ssub.s32 $0x2, s4;
	s7 =	sor.u32 s9, s19;
	s9 =	sor.u32 s4, s20  }
0xc: {  	s13 =	sshrl.u32 s10, $0x1;
	s22 =	sshrl.u32 s12, $0x2;
	s9 =	smul.u32 $0x5100, s9  }
0xd: {  	s7 =	sshrl.u32 s7, $0x3;
	s21 =	ssub.s32 s10, s13;
	s13 =	smul.u32 $0x140000, s4  }
0xe: {  	s10 =	sadd.s32 s11, s2;
	s11 =	sshll.u32 s11, $0x7;
	s4 =	smul.u32 $0x5100, s4  }
0xf: {  	s0 =	sadd.s32 s7, s0;
	s7 =	smax.u32 s21, $0x1;
	s25 =	sadd.s32 $0x4000, s11  }
0x10: {  	s16 =	sadd.s32 $0x8000, s11;
	s19 =	sadd.s32 $0xC000, s11;
	s20 =	sadd.s32 $0x10000, s11  }
0x11: {  	s11 =	simm.s32 $0x1;
	s23 =	sshrl.u32 s9, $0x3;
	s9 =	sadd.s32 s22, s1  }
0x12: {  	s0 =	sadd.s32 $0x40C00, s0;
	s24 =	sadd.s32 s13, s14;
	[dreg:$0x8] =	wrdreg s7  }
0x13: {  	s14 =	sadd.s32 s13, s25;
	s7 =	sadd.s32 s25, s1;
	s17 =	sadd.s32 s13, s16  }
0x14: {  	s4 =	sadd.s32 s4, s18;
	s21 =	sadd.s32 s13, s19;
	s22 =	sadd.s32 s13, s20  }
0x15: {  	s13 =	simm.s32 $0x1C600;
	s12 =	sadd.s32 s6, s23;
	[dreg:$0x7] =	wrdreg s0  }
0x16: {  	s0 =	sshrl.u32 s24, $0x3;
	s26 =	sadd.s32 $0x4000, s9;
	[dreg:$0xb] =	wrdreg s7  }
0x17: {  	s7 =	sadd.s32 s16, s1;
	s23 =	sshrl.u32 s21, $0x3;
	s24 =	sshrl.u32 s22, $0x3  }
0x18: {  	s28 =	sadd.s32 $0xC000, s9;
	s29 =	sadd.s32 $0x10000, s9;
	[dreg:$0x6] =	wrdreg s12  }
0x19: {  	s16 =	simm.s32 $0x1C700;
	[dreg:$0x9] =	wrdreg s26;
	s0 =	sadd.s32 s8, s0  }
0x1a: {  	[dreg:$0xd] =	wrdreg s7;
	s25 =	sadd.s32 s8, s24;
	s26 =	sadd.s32 $0x100, s4  }
0x1b: {  	s24 =	sadd.s32 $0x200, s4;
	[dreg:$0xa] =	wrdreg s0;
	s0 =	sshrl.u32 s14, $0x3  }
0x1c: {  	s4 =	simm.s32 $0x1C580;
	s7 =	simm.s32 $0x80;
	s0 =	sadd.s32 s8, s0  }
0x1d: {  	s12 =	simm.s32 $0x18580;
	[dreg:$0xc] =	wrdreg s0;
	s0 =	sshrl.u32 s17, $0x3  }
0x1e: {  	[dreg:$0x11] =	wrdreg s25;
	s14 =	simm.s32 $0x14280;
	s0 =	sadd.s32 s8, s0  }
0x1f: {  	s17 =	simm.s32 $0x0;
	[dreg:$0xe] =	wrdreg s0;
	s0 =	sadd.s32 s19, s1  }
0x20: {  	[dreg:$0xf] =	wrdreg s0;
	s0 =	sadd.s32 s8, s23;
	s23 =	sadd.s32 s20, s1  }
0x21: {  	s8 =	simm.s32 $0x1C680;
	[dreg:$0x10] =	wrdreg s0;
	s0 =	sshrl.u32 s26, $0x3  }
0x22: {  	v0 =	vimm.f32 $1.000000000e+00;
	s26 =	sadd.s32 $0x8000, s9;
	s25 =	sadd.s32 s0, s6;
	s0 =	simm.s32 $0x14300  }
.LBB2_1:
0x23: {  	s18 =	rddreg [dreg:$0x4]  }
0x24: {  	[tilespmem:s30], [sflag:$0x3] =	stream.linear.gather [hbm4b:s18+s3], $0x4000, $0x38;
	[tilespmem:$0x1C780] =	vst v63  }
0x25: {  	_ =	swait.ge [sflag:s31], $0x4000  }
0x26: {  	[sflag:s31] =	ssyncset.done $0x0  }
0x27: {  	[sflag:s31] =	ssyncadd.s32 $0xFFFFC000  }
0x28: {  	[spmem:s9] =	stream.linear.scatter [tilespmem:s30], [sflag:$0x3], $0x4000, $0x38;
	[tilespmem:$0x1C780] =	vst v63  }
0x29: {  	_ =	swait.ge [sflag:s31], $0x4000  }
0x2a: {  	[sflag:s31] =	ssyncset.done $0x0  }
0x2b: {  	s22 =	rddreg [dreg:$0x9];
	[sflag:s31] =	ssyncadd.s32 $0xFFFFC000  }
0x2c: {  	[spmem:s22] =	stream.linear.scatter [tilespmem:s30], [sflag:$0x3], $0x4000, $0x38;
	[tilespmem:$0x1C780] =	vst v63  }
0x2d: {  	_ =	swait.ge [sflag:s31], $0x4000  }
0x2e: {  	[sflag:s31] =	ssyncset.done $0x0  }
0x2f: {  	[sflag:s31] =	ssyncadd.s32 $0xFFFFC000  }
0x30: {  	[spmem:s26] =	stream.linear.scatter [tilespmem:s30], [sflag:$0x3], $0x4000, $0x38;
	[tilespmem:$0x1C780] =	vst v63  }
0x31: {  	_ =	swait.ge [sflag:s31], $0x4000  }
0x32: {  	[sflag:s31] =	ssyncset.done $0x0  }
0x33: {  	[sflag:s31] =	ssyncadd.s32 $0xFFFFC000  }
0x34: {  	[spmem:s28] =	stream.linear.scatter [tilespmem:s30], [sflag:$0x3], $0x4000, $0x38;
	[tilespmem:$0x1C780] =	vst v63  }
0x35: {  	_ =	swait.ge [sflag:s31], $0x4000  }
0x36: {  	[sflag:s31] =	ssyncset.done $0x0  }
0x37: {  	[sflag:s31] =	ssyncadd.s32 $0xFFFFC000  }
0x38: {  	[spmem:s29] =	stream.linear.scatter [tilespmem:s30], [sflag:$0x3], $0x4000, $0x38;
	[tilespmem:$0x1C780] =	vst v63  }
0x39: {  	_ =	swait.ge [sflag:s31], $0x4000  }
0x3a: {  	[sflag:s31] =	ssyncset.done $0x0  }
0x3b: {  	s19 =	rddreg [dreg:$0x5];
	[sflag:s31] =	ssyncadd.s32 $0xFFFFC000  }
0x3c: {  	[tilespmem:s0], [sflag:$0x3] =	stream.linear.gather [hbm4b:s19+s3], $0x280, $0x38;
	[tilespmem:$0x1C780] =	vst v63  }
0x3d: {  	_ =	swait.ge [sflag:s31], $0x280  }
0x3e: {  	[sflag:s31] =	ssyncset.done $0x0  }
0x3f: {  	[sflag:s31] =	ssyncadd.s32 $0xFFFFFD80  }
0x40: {  	[spmem:s10] =	stream.linear.scatter [tilespmem:s0], [sflag:$0x3], $0x280, $0x38;
	[tilespmem:$0x1C780] =	vst v63  }
0x41: {  	_ =	swait.ge [sflag:s31], $0x280  }
0x42: {  	[sflag:s31] =	ssyncset.done $0x0  }
0x43: {  	[sflag:s31] =	ssyncadd.s32 $0xFFFFFD80  }
0x44: {  	[tilespmem:$0x14280] =	vst v0  }
0x45: {  	[tilespmem:$0x14290] =	vst v0  }
0x46: {  	[tilespmem:$0x142A0] =	vst v0  }
0x47: {  	[tilespmem:$0x142B0] =	vst v0  }
0x48: {  	[tilespmem:$0x142C0] =	vst v0  }
0x49: {  	[tilespmem:$0x142D0] =	vst v0  }
0x4a: {  	[tilespmem:$0x142E0] =	vst v0  }
0x4b: {  	s20 =	rddreg [dreg:$0x6];
	[tilespmem:$0x142F0] =	vst v0  }
0x4c: {  	[tilespmem:s4], [sflag:$0x3] =	stream.linear.gather [hbm4b:s20+s3], $0x100, $0x38;
	[tilespmem:$0x1C780] =	vst v63  }
0x4d: {  	_ =	swait.ge [sflag:s31], $0x100  }
0x4e: {  	[sflag:s31] =	ssyncset.done $0x0  }
0x4f: {  	[sflag:s31] =	ssyncadd.s32 $0xFFFFFF00  }
0x50: {  	[tilespmem:s30], [sflag:$0x1] =	stream.indirect.gather [hbm4b:s5+s7], $0x80, s4, s7, $0xb8;
	[tilespmem:$0x1C780] =	vst v63  }
0x51: {  	s21 =	sadd.s32 $0x0, s25;
	[bflag:$0x0] =	sbarrier.arrive $0xFFFF  }
0x52: {  	[tilespmem:s8], [sflag:$0x3] =	stream.linear.gather [hbm4b:s21+s3], $0x100, $0x38;
	[tilespmem:$0x1C780] =	vst v63  }
0x53: {  	_ =	swait.ge [sflag:s31], $0x100  }
0x54: {  	[sflag:s31] =	ssyncset.done $0x0  }
0x55: {  	[sflag:s31] =	ssyncadd.s32 $0xFFFFFF00  }
0x56: {  	_ =	swait.ge [sflag:s11], $0x4000  }
0x57: {  	[sflag:s11] =	ssyncset.done $0x0  }
0x58: {  	[sflag:s11] =	ssyncadd.s32 $0xFFFFC000  }
0x59: {  	[tilespmem:s12], [sflag:$0x2] =	stream.indirect.gather [hbm4b:s5+s7], $0x80, s8, s7, $0xb8;
	[tilespmem:$0x1C780] =	vst v63  }
0x5a: {  	_ = 	snop  }
0x5b: {  	[spmem:s1] =	stream.indirect.scatter.add.f32 [tilespmem:s30], [sflag:$0x3], $0x80, s13, s7, $0xb8;
	[tilespmem:$0x1C780] =	vst v63  }
0x5c: {  	_ =	swait.ge [sflag:s31], $0x4000  }
0x5d: {  	[sflag:s31] =	ssyncset.done $0x0  }
0x5e: {  	[sflag:s31] =	ssyncadd.s32 $0xFFFFC000  }
0x5f: {  	[spmem:s2] =	stream.indirect.scatter.add.f32 [tilespmem:s14], [sflag:$0x3], $0x1, s13, s7, $0xb8;
	[tilespmem:$0x1C780] =	vst v63  }
0x60: {  	_ =	swait.ge [sflag:s31], $0x80  }
0x61: {  	s22 =	sshrl.u32 s24, $0x3;
	[sflag:s31] =	ssyncset.done $0x0  }
0x62: {  	s18 =	sadd.s32 s6, s22;
	[sflag:s31] =	ssyncadd.s32 $0xFFFFFF80  }
0x63: {  	[tilespmem:s4], [sflag:$0x3] =	stream.linear.gather [hbm4b:s18+s3], $0x100, $0x38;
	[tilespmem:$0x1C780] =	vst v63  }
0x64: {  	_ =	swait.ge [sflag:s31], $0x100  }
0x65: {  	[sflag:s31] =	ssyncset.done $0x0  }
0x66: {  	[sflag:s31] =	ssyncadd.s32 $0xFFFFFF00  }
0x67: {  	_ =	swait.ge [sflag:s15], $0x4000  }
0x68: {  	[sflag:s15] =	ssyncset.done $0x0  }
0x69: {  	[sflag:s15] =	ssyncadd.s32 $0xFFFFC000  }
0x6a: {  	[tilespmem:s30], [sflag:$0x1] =	stream.indirect.gather [hbm4b:s5+s7], $0x80, s4, s7, $0xb8;
	[tilespmem:$0x1C780] =	vst v63  }
0x6b: {  	_ = 	snop  }
0x6c: {  	[spmem:s1] =	stream.indirect.scatter.add.f32 [tilespmem:s12], [sflag:$0x3], $0x80, s16, s7, $0xb8;
	[tilespmem:$0x1C780] =	vst v63  }
0x6d: {  	_ =	swait.ge [sflag:s31], $0x4000  }
0x6e: {  	[sflag:s31] =	ssyncset.done $0x0  }
0x6f: {  	[sflag:s31] =	ssyncadd.s32 $0xFFFFC000  }
0x70: {  	[spmem:s2] =	stream.indirect.scatter.add.f32 [tilespmem:s14], [sflag:$0x3], $0x1, s16, s7, $0xb8;
	[tilespmem:$0x1C780] =	vst v63  }
0x71: {  	s19 =	simm.s32 $0x40;
	_ =	swait.ge [sflag:s31], $0x80  }
0x72: {  	s20 =	simm.s32 $0x80;
	s18 =	sadd.s32 $0x200, s24;
	[sflag:s31] =	ssyncset.done $0x0  }
.LBB2_2:
0x73: {  	s22 =	sadd.s32 s19, s25  }
0x74: {  	[sflag:s31] =	ssyncadd.s32 $0xFFFFFF80;
	s19 =	smov.u32 s20;
	s21 =	sadd.s32 $0x40, s20  }
0x75: {  	[tilespmem:s8], [sflag:$0x3] =	stream.linear.gather [hbm4b:s22+s3], $0x100, $0x38;
	[tilespmem:$0x1C780] =	vst v63  }
0x76: {  	p0 =	sne.s32 s20, $0x9C0;
	_ =	swait.ge [sflag:s31], $0x100  }
0x77: {  	[sflag:s31] =	ssyncset.done $0x0  }
0x78: {  	[sflag:s31] =	ssyncadd.s32 $0xFFFFFF00  }
0x79: {  	_ =	swait.ge [sflag:s11], $0x4000  }
0x7a: {  	[sflag:s11] =	ssyncset.done $0x0  }
0x7b: {  	[sflag:s11] =	ssyncadd.s32 $0xFFFFC000  }
0x7c: {  	[tilespmem:s12], [sflag:$0x2] =	stream.indirect.gather [hbm4b:s5+s7], $0x80, s8, s7, $0xb8;
	[tilespmem:$0x1C780] =	vst v63  }
0x7d: {  	_ = 	snop  }
0x7e: {  	[spmem:s1] =	stream.indirect.scatter.add.f32 [tilespmem:s30], [sflag:$0x3], $0x80, s13, s7, $0xb8;
	[tilespmem:$0x1C780] =	vst v63  }
0x7f: {  	_ =	swait.ge [sflag:s31], $0x4000  }
0x80: {  	[sflag:s31] =	ssyncset.done $0x0  }
0x81: {  	[sflag:s31] =	ssyncadd.s32 $0xFFFFC000  }
0x82: {  	[spmem:s2] =	stream.indirect.scatter.add.f32 [tilespmem:s14], [sflag:$0x3], $0x1, s13, s7, $0xb8;
	[tilespmem:$0x1C780] =	vst v63  }
0x83: {  	_ =	swait.ge [sflag:s31], $0x80  }
0x84: {  	s20 =	sshrl.u32 s18, $0x3;
	[sflag:s31] =	ssyncset.done $0x0  }
0x85: {  	s20 =	sadd.s32 s6, s20;
	[sflag:s31] =	ssyncadd.s32 $0xFFFFFF80  }
0x86: {  	[tilespmem:s4], [sflag:$0x3] =	stream.linear.gather [hbm4b:s20+s3], $0x100, $0x38;
	[tilespmem:$0x1C780] =	vst v63  }
0x87: {  	_ =	swait.ge [sflag:s31], $0x100  }
0x88: {  	[sflag:s31] =	ssyncset.done $0x0  }
0x89: {  	[sflag:s31] =	ssyncadd.s32 $0xFFFFFF00  }
0x8a: {  	_ =	swait.ge [sflag:s15], $0x4000  }
0x8b: {  	[sflag:s15] =	ssyncset.done $0x0  }
0x8c: {  	[sflag:s15] =	ssyncadd.s32 $0xFFFFC000  }
0x8d: {  	[tilespmem:s30], [sflag:$0x1] =	stream.indirect.gather [hbm4b:s5+s7], $0x80, s4, s7, $0xb8;
	[tilespmem:$0x1C780] =	vst v63  }
0x8e: {  	_ = 	snop  }
0x8f: {  	[spmem:s1] =	stream.indirect.scatter.add.f32 [tilespmem:s12], [sflag:$0x3], $0x80, s16, s7, $0xb8;
	[tilespmem:$0x1C780] =	vst v63  }
0x90: {  	_ =	swait.ge [sflag:s31], $0x4000  }
.Ltmp0:
0x91: {  	[sflag:s31] =	ssyncset.done $0x0;
	(pc) =	sbr.rel @p0 .LBB2_2-.Ltmp0, $4  }
0x92: {  	[sflag:s31] =	ssyncadd.s32 $0xFFFFC000  }
0x93: {  	[spmem:s2] =	stream.indirect.scatter.add.f32 [tilespmem:s14], [sflag:$0x3], $0x1, s16, s7, $0xb8;
	[tilespmem:$0x1C780] =	vst v63  }
0x94: {  	_ =	swait.ge [sflag:s31], $0x80  }
0x95: {  	s18 =	sadd.s32 $0x200, s18;
	s20 =	smov.u32 s21;
	[sflag:s31] =	ssyncset.done $0x0  }
0x96: {  	s19 =	sadd.s32 s19, s25;
	[sflag:s31] =	ssyncadd.s32 $0xFFFFFF80  }
0x97: {  	[tilespmem:s8], [sflag:$0x3] =	stream.linear.gather [hbm4b:s19+s3], $0x100, $0x38;
	[tilespmem:$0x1C780] =	vst v63  }
0x98: {  	_ =	swait.ge [sflag:s31], $0x100  }
0x99: {  	[sflag:s31] =	ssyncset.done $0x0  }
0x9a: {  	[sflag:s31] =	ssyncadd.s32 $0xFFFFFF00  }
0x9b: {  	_ =	swait.ge [sflag:s11], $0x4000  }
0x9c: {  	[sflag:s11] =	ssyncset.done $0x0  }
0x9d: {  	[sflag:s11] =	ssyncadd.s32 $0xFFFFC000  }
0x9e: {  	[tilespmem:s12], [sflag:$0x2] =	stream.indirect.gather [hbm4b:s5+s7], $0x80, s8, s7, $0xb8;
	[tilespmem:$0x1C780] =	vst v63  }
0x9f: {  	_ = 	snop  }
0xa0: {  	[spmem:s1] =	stream.indirect.scatter.add.f32 [tilespmem:s30], [sflag:$0x3], $0x80, s13, s7, $0xb8;
	[tilespmem:$0x1C780] =	vst v63  }
0xa1: {  	_ =	swait.ge [sflag:s31], $0x4000  }
0xa2: {  	[sflag:s31] =	ssyncset.done $0x0  }
0xa3: {  	[sflag:s31] =	ssyncadd.s32 $0xFFFFC000  }
0xa4: {  	[spmem:s2] =	stream.indirect.scatter.add.f32 [tilespmem:s14], [sflag:$0x3], $0x1, s13, s7, $0xb8;
	[tilespmem:$0x1C780] =	vst v63  }
0xa5: {  	_ =	swait.ge [sflag:s31], $0x80  }
0xa6: {  	s18 =	sshrl.u32 s18, $0x3;
	[sflag:s31] =	ssyncset.done $0x0  }
0xa7: {  	s18 =	sadd.s32 s6, s18;
	[sflag:s31] =	ssyncadd.s32 $0xFFFFFF80  }
0xa8: {  	[tilespmem:s4], [sflag:$0x3] =	stream.linear.gather [hbm4b:s18+s3], $0x100, $0x38;
	[tilespmem:$0x1C780] =	vst v63  }
0xa9: {  	_ =	swait.ge [sflag:s31], $0x100  }
0xaa: {  	[sflag:s31] =	ssyncset.done $0x0  }
0xab: {  	[sflag:s31] =	ssyncadd.s32 $0xFFFFFF00  }
0xac: {  	_ =	swait.ge [sflag:s15], $0x4000  }
0xad: {  	[sflag:s15] =	ssyncset.done $0x0  }
0xae: {  	[sflag:s15] =	ssyncadd.s32 $0xFFFFC000  }
0xaf: {  	[tilespmem:s30], [sflag:$0x1] =	stream.indirect.gather [hbm4b:s5+s7], $0x80, s4, s7, $0xb8;
	[tilespmem:$0x1C780] =	vst v63  }
0xb0: {  	_ = 	snop  }
0xb1: {  	[spmem:s1] =	stream.indirect.scatter.add.f32 [tilespmem:s12], [sflag:$0x3], $0x80, s16, s7, $0xb8;
	[tilespmem:$0x1C780] =	vst v63  }
0xb2: {  	_ =	swait.ge [sflag:s31], $0x4000  }
0xb3: {  	[sflag:s31] =	ssyncset.done $0x0  }
0xb4: {  	[sflag:s31] =	ssyncadd.s32 $0xFFFFC000  }
0xb5: {  	[spmem:s2] =	stream.indirect.scatter.add.f32 [tilespmem:s14], [sflag:$0x3], $0x1, s16, s7, $0xb8;
	[tilespmem:$0x1C780] =	vst v63  }
0xb6: {  	_ =	swait.ge [sflag:s31], $0x80  }
0xb7: {  	[sflag:s31] =	ssyncset.done $0x0  }
0xb8: {  	[sflag:s31] =	ssyncadd.s32 $0xFFFFFF80  }
0xb9: {  	_ =	swait.ge [sflag:s11], $0x4000  }
0xba: {  	[sflag:s11] =	ssyncset.done $0x0  }
0xbb: {  	[sflag:s11] =	ssyncadd.s32 $0xFFFFC000  }
0xbc: {  	[bflag:$0x0] =	sbarrier.arrive $0xFFFF  }
0xbd: {  	[tilespmem:s30], [sflag:$0x3] =	stream.linear.gather [spmem:s9], $0x4000, $0x38;
	[tilespmem:$0x1C780] =	vst v63  }
0xbe: {  	_ =	swait.ge [sflag:s31], $0x4000  }
0xbf: {  	[sflag:s31] =	ssyncset.done $0x0  }
0xc0: {  	s20 =	rddreg [dreg:$0xa];
	[sflag:s31] =	ssyncadd.s32 $0xFFFFC000  }
0xc1: {  	[hbm4b:s20+s3] =	stream.linear.scatter [tilespmem:s30], [sflag:$0x3], $0x4000, $0x38;
	[tilespmem:$0x1C780] =	vst v63  }
0xc2: {  	_ =	swait.ge [sflag:s31], $0x4000  }
0xc3: {  	[sflag:s31] =	ssyncset.done $0x0  }
0xc4: {  	s21 =	rddreg [dreg:$0xb];
	[sflag:s31] =	ssyncadd.s32 $0xFFFFC000  }
0xc5: {  	[tilespmem:s30], [sflag:$0x3] =	stream.linear.gather [spmem:s21], $0x4000, $0x38;
	[tilespmem:$0x1C780] =	vst v63  }
0xc6: {  	_ =	swait.ge [sflag:s31], $0x4000  }
0xc7: {  	[sflag:s31] =	ssyncset.done $0x0  }
0xc8: {  	s22 =	rddreg [dreg:$0xc];
	[sflag:s31] =	ssyncadd.s32 $0xFFFFC000  }
0xc9: {  	[hbm4b:s22+s3] =	stream.linear.scatter [tilespmem:s30], [sflag:$0x3], $0x4000, $0x38;
	[tilespmem:$0x1C780] =	vst v63  }
0xca: {  	_ =	swait.ge [sflag:s31], $0x4000  }
0xcb: {  	[sflag:s31] =	ssyncset.done $0x0  }
0xcc: {  	s19 =	rddreg [dreg:$0xd];
	[sflag:s31] =	ssyncadd.s32 $0xFFFFC000  }
0xcd: {  	[tilespmem:s30], [sflag:$0x3] =	stream.linear.gather [spmem:s19], $0x4000, $0x38;
	[tilespmem:$0x1C780] =	vst v63  }
0xce: {  	_ =	swait.ge [sflag:s31], $0x4000  }
0xcf: {  	[sflag:s31] =	ssyncset.done $0x0  }
0xd0: {  	s20 =	rddreg [dreg:$0xe];
	[sflag:s31] =	ssyncadd.s32 $0xFFFFC000  }
0xd1: {  	[hbm4b:s20+s3] =	stream.linear.scatter [tilespmem:s30], [sflag:$0x3], $0x4000, $0x38;
	[tilespmem:$0x1C780] =	vst v63  }
0xd2: {  	_ =	swait.ge [sflag:s31], $0x4000  }
0xd3: {  	[sflag:s31] =	ssyncset.done $0x0  }
0xd4: {  	s21 =	rddreg [dreg:$0xf];
	[sflag:s31] =	ssyncadd.s32 $0xFFFFC000  }
0xd5: {  	[tilespmem:s30], [sflag:$0x3] =	stream.linear.gather [spmem:s21], $0x4000, $0x38;
	[tilespmem:$0x1C780] =	vst v63  }
0xd6: {  	_ =	swait.ge [sflag:s31], $0x4000  }
0xd7: {  	[sflag:s31] =	ssyncset.done $0x0  }
0xd8: {  	s22 =	rddreg [dreg:$0x10];
	[sflag:s31] =	ssyncadd.s32 $0xFFFFC000  }
0xd9: {  	[hbm4b:s22+s3] =	stream.linear.scatter [tilespmem:s30], [sflag:$0x3], $0x4000, $0x38;
	[tilespmem:$0x1C780] =	vst v63  }
0xda: {  	_ =	swait.ge [sflag:s31], $0x4000  }
0xdb: {  	[sflag:s31] =	ssyncset.done $0x0  }
0xdc: {  	[sflag:s31] =	ssyncadd.s32 $0xFFFFC000  }
0xdd: {  	[tilespmem:s30], [sflag:$0x3] =	stream.linear.gather [spmem:s23], $0x4000, $0x38;
	[tilespmem:$0x1C780] =	vst v63  }
0xde: {  	_ =	swait.ge [sflag:s31], $0x4000  }
0xdf: {  	[sflag:s31] =	ssyncset.done $0x0  }
0xe0: {  	s19 =	rddreg [dreg:$0x11];
	[sflag:s31] =	ssyncadd.s32 $0xFFFFC000  }
0xe1: {  	[hbm4b:s19+s3] =	stream.linear.scatter [tilespmem:s30], [sflag:$0x3], $0x4000, $0x38;
	[tilespmem:$0x1C780] =	vst v63  }
0xe2: {  	_ =	swait.ge [sflag:s31], $0x4000  }
0xe3: {  	[sflag:s31] =	ssyncset.done $0x0  }
0xe4: {  	[sflag:s31] =	ssyncadd.s32 $0xFFFFC000  }
0xe5: {  	[tilespmem:s0], [sflag:$0x3] =	stream.linear.gather [spmem:s10], $0x280, $0x38;
	[tilespmem:$0x1C780] =	vst v63  }
0xe6: {  	_ =	swait.ge [sflag:s31], $0x280  }
0xe7: {  	[sflag:s31] =	ssyncset.done $0x0  }
0xe8: {  	s21 =	simm.s32 $0x100;
	s20 =	rddreg [dreg:$0x7];
	[sflag:s31] =	ssyncadd.s32 $0xFFFFFD80  }
0xe9: {  	[hbm4b:s20+s7] =	stream.strided.scatter [tilespmem:s0], [sflag:$0x3], $0x280, s21, s7, $0x38;
	[tilespmem:$0x1C780] =	vst v63  }
0xea: {  	_ =	swait.ge [sflag:s31], $0x280  }
0xeb: {  	s17 =	sadd.s32 $0x1, s17;
	s22 =	rddreg [dreg:$0x8]  }
0xec: {  	p0 =	sne.s32 s17, s22  }
.Ltmp1:
0xed: {  	_ = 	snop;
	(pc) =	sbr.rel @p0 .LBB2_1-.Ltmp1, $3  }
0xee: {  	_ =	sdelay $0x1  }
0xef: {  	[sflag:s31] =	ssyncset.done $0x0  }
0xf0: {  	[sflag:s31] =	ssyncadd.s32 $0xFFFFFD80  }
0xf1: {  	_ =	sfence.sel $0x180000  }
0xf2: {  	[bflag:$0x0] =	sbarrier.arrive $0xFFFF  }
0xf3: {  	_ =	strace $0x90000047  }
0xf4: {  	s0 =	stileid.u32;
	[bflag:$0x2] =	sbarrier.arrive $0xFFFF  }
0xf5: {  	p0 =	sne.s32 s0, $0x0;
	s0 =	rddreg [dreg:$0x3]  }
0xf6: {  	s0 =	sadd.s32 @!p0 $0x100000, s0  }
0xf7: {  	[sflag:s0] =	ssyncadd.tile.s32 @!p0 $0x1;
	_ =	shalt  }
.Lfunc_end2:
_tile_overlayer_lowered:
.L_overlay_start_2:
0xf8: {  	(tag) =	ssettag $0x2  }
0xf9: {  	s0 =	rddreg [dreg:$0x0];
	s2 =	stileid.u32  }
0xfa: {  	s1 =	rddreg [dreg:$0x1];
	p0 =	sne.s32 s2, $0x0  }
0xfb: {  	s3 =	rddreg [dreg:$0x2];
	[bflag:$0x3] =	sbarrier.arrive $0xFFFF;
	s2 =	simm.s32 @!p0 $0x1C03  }
0xfc: {  	[timem:s3], [sflag:s2] =	dma.local @!p0 [hbm:s0], s1  }
0xfd: {  	s0 =	simm.s32 @!p0 $0x3  }
0xfe: {  	_ =	swait.ge @!p0 [sflag:s0], s1  }
0xff: {  	s1 =	ssub.s32 @!p0 $0x0, s1;
	[sflag:s0] =	ssyncset.done @!p0 $0x0  }
0x100: {  	[sflag:s0] =	ssyncadd.s32 @!p0 s1  }
0x101: {  	[bflag:$0x3] =	sbarrier.arrive $0xFFFF  }
0x102: {  	_ =	shalt  }

// kernel: kernel.14.cloned.1.call-start
scs
__scs_entry_jumppad:
0x0: {  	(pc) =	sbr.rel $0x88, $3  }
0x1: {  	(tag) =	ssettag $0x0;
	lr =	simm.s32 $0x1  }
0x2: {  	[smem:$0x3F90] =	sst lr;
	_ =	strace $0xD0000000  }
0x3: {  	_ = 	snop  }
0x4: {  	_ = 	snop  }
0x5: {  	_ = 	snop  }
0x6: {  	_ = 	snop  }
0x7: {  	_ = 	snop  }
__scs_overlays_trampoline_lowered:
0x8: {  	[smem:$0x3F9F] =	sst s0  }
0x9: {  	[smem:$0x3FA0] =	sst s1  }
0xa: {  	[smem:$0x3FA1] =	sst s2  }
0xb: {  	[smem:$0x3FA2] =	sst s3  }
0xc: {  	[smem:$0x3FA3] =	sst s4  }
0xd: {  	[smem:$0x3FA4] =	sst s5  }
0xe: {  	[smem:$0x3FA5] =	sst s6  }
0xf: {  	[smem:$0x3FA6] =	sst s7  }
0x10: {  	[smem:$0x3FA7] =	sst s8  }
0x11: {  	[smem:$0x3FA8] =	sst s9;
	s0 =	simm.s32 @!p0 $0x0  }
0x12: {  	s1 =	sld [smem:$0x3F8E];
	s0 =	simm.s32 @p0 $0x1  }
0x13: {  	[smem:$0x3FA9] =	sst s0;
	s0 =	simm.s32 @!p1 $0x0  }
0x14: {  	s2 =	sld [smem:$0x3F8D];
	s0 =	simm.s32 @p1 $0x1  }
0x15: {  	[smem:$0x3FAA] =	sst s0;
	s0 =	simm.s32 @!p2 $0x0  }
0x16: {  	s3 =	sld [smem:$0x3FDB];
	s0 =	simm.s32 @p2 $0x1  }
0x17: {  	s4 =	simm.s32 $0x1BF5;
	[smem:$0x3FAC] =	sst s0  }
0x18: {  	s0 =	sld [smem:$0x3F8F];
	_ =	swait.ge [sflag:s4], $0x0  }
0x19: {  	s7 =	sld [smem:$0x3F90]  }
0x1a: {  	s8 =	sadd.s32 $0xFFFFE003, lr  }
0x1b: {  	s9 =	sadd.s32 $0xFFFFFEF7, lr;
	s5 =	simm.s32 $0xFFFFFFFF;
	p2 =	slt.u32 s8, $0xFFFFF086  }
0x1c: {  	p1 =	slt.u32 s9, $0xF7A;
	s5 =	simm.s32 @!p2 $0x0  }
0x1d: {  	s5 =	simm.s32 @p1 $0x1;
	p0 =	seq.s32 s7, s2  }
0x1e: {  	s7 =	smul.u32 @!p0 $0xF7A, s2;
	p2 =	seq.s32 @!p0 s5, $0x0  }
0x1f: {  	s9 =	smul.u32 $0xF7A, s1;
	s8 =	simm.s32 @!p0 $0x1BF5;
	p2 =	por !p2, p0  }
0x20: {  	[sflag:s8] =	ssyncset.s32 @!p0 $0xFFFFF086;
	s6 =	sadd.s32 @!p0 s3, s7;
	s7 =	simm.s32 @!p0 $0x108  }
0x21: {  	s3 =	sadd.s32 s3, s9;
	s6 =	sadd.s32 @!p0 $0x88, s6;
	s7 =	simm.s32 @p2 $0x1082  }
0x22: {  	[simem:s7], [sflag:s8] =	dma.local @!p0 [hbm:s6], $0xF7A  }
0x23: {  	s9 =	sor.u32 $0xD0000000, s2;
	s6 =	simm.s32 $0x108;
	_ =	swait.ge @!p0 [sflag:s8], $0x0  }
0x24: {  	s3 =	sadd.s32 $0x88, s3;
	s6 =	simm.s32 @!p1 $0x1082;
	[sflag:s4] =	ssyncset.s32 $0xFFFFF086  }
0x25: {  	[simem:s6], [sflag:s4] =	dma.local [hbm:s3], $0xF7A  }
0x26: {  	[smem:$0x3F90] =	sst s1;
	(tag) =	ssettag s2;
	_ =	strace s9  }
0x27: {  	s1 =	sld [smem:$0x3FA0]  }
0x28: {  	s2 =	sld [smem:$0x3FA1]  }
0x29: {  	s4 =	sld [smem:$0x3FA3]  }
0x2a: {  	p0 =	seq.s32 s5, $0x0;
	s5 =	sld [smem:$0x3FA4]  }
0x2b: {  	s6 =	sld [smem:$0x3FA5]  }
0x2c: {  	s7 =	sld [smem:$0x3FA6]  }
0x2d: {  	s3 =	simm.s32 $0x108;
	s8 =	sld [smem:$0x3FA7]  }
0x2e: {  	s3 =	simm.s32 @!p0 $0x1082;
	s9 =	sld [smem:$0x3FA8]  }
0x2f: {  	lr =	sadd.s32 s0, s3;
	s0 =	sld [smem:$0x3F9F]  }
0x30: {  	s3 =	sld [smem:$0x3FA2]  }
0x31: {  	[smem:$0x3FAB] =	sst s10  }
0x32: {  	s10 =	sld [smem:$0x3FA9];
	_ =	sdelay $0x3  }
0x33: {  	p0 =	seq.s32 s10, $0x1;
	s10 =	sld [smem:$0x3FAB];
	_ =	sdelay $0x3  }
0x34: {  	[smem:$0x3FAB] =	sst s10  }
0x35: {  	s10 =	sld [smem:$0x3FAA];
	_ =	sdelay $0x3  }
0x36: {  	p1 =	seq.s32 s10, $0x1;
	s10 =	sld [smem:$0x3FAB];
	_ =	sdelay $0x3  }
0x37: {  	[smem:$0x3FAB] =	sst s10  }
0x38: {  	s10 =	sld [smem:$0x3FAC]  }
0x39: {  	_ = 	snop;
	(pc) =	sbr.ind lr, $3  }
0x3a: {  	_ = 	snop  }
0x3b: {  	_ = 	snop  }
0x3c: {  	p2 =	seq.s32 s10, $0x1;
	s10 =	sld [smem:$0x3FAB]  }
0x3d: {  	_ =	shalt  }
0x3e: {  	_ =	shalt  }
0x3f: {  	_ =	shalt  }
0x40: {  	_ =	shalt  }
0x41: {  	_ =	shalt  }
0x42: {  	_ =	shalt  }
0x43: {  	_ =	shalt  }
0x44: {  	_ =	shalt  }
0x45: {  	_ =	shalt  }
0x46: {  	_ =	shalt  }
0x47: {  	_ =	shalt  }
0x48: {  	_ =	shalt  }
0x49: {  	_ =	shalt  }
0x4a: {  	_ =	shalt  }
0x4b: {  	_ =	shalt  }
0x4c: {  	_ =	shalt  }
0x4d: {  	_ =	shalt  }
0x4e: {  	_ =	shalt  }
0x4f: {  	_ =	shalt  }
0x50: {  	_ =	shalt  }
0x51: {  	_ =	shalt  }
0x52: {  	_ =	shalt  }
0x53: {  	_ =	shalt  }
0x54: {  	_ =	shalt  }
0x55: {  	_ =	shalt  }
0x56: {  	_ =	shalt  }
0x57: {  	_ =	shalt  }
0x58: {  	_ =	shalt  }
0x59: {  	_ =	shalt  }
0x5a: {  	_ =	shalt  }
0x5b: {  	_ =	shalt  }
0x5c: {  	_ =	shalt  }
0x5d: {  	_ =	shalt  }
0x5e: {  	_ =	shalt  }
0x5f: {  	_ =	shalt  }
0x60: {  	_ =	shalt  }
0x61: {  	_ =	shalt  }
0x62: {  	_ =	shalt  }
0x63: {  	_ =	shalt  }
0x64: {  	_ =	shalt  }
0x65: {  	_ =	shalt  }
0x66: {  	_ =	shalt  }
0x67: {  	_ =	shalt  }
0x68: {  	_ =	shalt  }
0x69: {  	_ =	shalt  }
0x6a: {  	_ =	shalt  }
0x6b: {  	_ =	shalt  }
0x6c: {  	_ =	shalt  }
0x6d: {  	_ =	shalt  }
0x6e: {  	_ =	shalt  }
0x6f: {  	_ =	shalt  }
0x70: {  	_ =	shalt  }
0x71: {  	_ =	shalt  }
0x72: {  	_ =	shalt  }
0x73: {  	_ =	shalt  }
0x74: {  	_ =	shalt  }
0x75: {  	_ =	shalt  }
0x76: {  	_ =	shalt  }
0x77: {  	_ =	shalt  }
0x78: {  	_ =	shalt  }
0x79: {  	_ =	shalt  }
0x7a: {  	_ =	shalt  }
0x7b: {  	_ =	shalt  }
0x7c: {  	_ =	shalt  }
0x7d: {  	_ =	shalt  }
0x7e: {  	_ =	shalt  }
0x7f: {  	_ =	shalt  }
0x80: {  	_ =	shalt  }
0x81: {  	_ =	shalt  }
0x82: {  	_ =	shalt  }
0x83: {  	_ =	shalt  }
0x84: {  	_ =	shalt  }
0x85: {  	_ =	shalt  }
0x86: {  	_ =	shalt  }
0x87: {  	_ =	shalt  }
.Lfunc_end0:
.L_simem_size_0:
called_computation.1_lowered:
.L_overlay_start_0:
0x88: {  	s2 =	sld [smem:$0x3FD9]  }
0x89: {  	s3 =	sld [smem:$0x3FFE];
	_ =	sdelay $0x1  }
0x8a: {  	s1 =	srdreg.scid  }
0x8b: {  	s0 =	sand.u32 $0x1, s1  }
0x8c: {  	s16 =	sshll.u32 s0, $0xA;
	s2 =	sadd.s32 s3, s2  }
0x8d: {  	s2 =	sadd.s32 s2, s16  }
0x8e: {  	[smem:$0x3FB7] =	sst s2  }
0x8f: {  	_ = 	snop  }
0x90: {  	(tm) =	ssettm $0x1  }
0x91: {  	s17 =	sld [smem:$0x3FFB];
	_ =	sdelay $0x3  }
0x92: {  	_ =	strace s17  }
0x93: {  	s2 =	sld [smem:$0x3FFC];
	_ =	sdelay $0x3  }
0x94: {  	_ =	strace s2  }
0x95: {  	s2 =	sld [smem:$0x3FFD];
	_ =	sdelay $0x3  }
0x96: {  	_ =	strace s2  }
0x97: {  	_ =	strace $0x8FFFFFFF  }
0x98: {  	s18 =	sld [smem:$0x3FDB];
	_ =	sdelay $0x1  }
0x99: {  	s19 =	simm.s32 $_scs_section_size  }
0x9a: {  	s4 =	simm.s32 $_size__tile_overlayer_lowered;
	s5 =	simm.s32 $_tile_overlayer_lowered  }
0x9b: {  	s22 =	simm.s32 $0x1BFF;
	s21 =	sshll.u32 s5, $0x1;
	s2 =	sadd.s32 s19, s18  }
0x9c: {  	s6 =	simm.s32 $0x0;
	s20 =	sshll.u32 s4, $0x1;
	s4 =	sadd.s32 s21, s2  }
0x9d: {  	[timem:s6], [sflag:s22] =	dma.local [hbm:s4], s20  }
0x9e: {  	_ =	swait.ge [sflag:s22], s20  }
0x9f: {  	s3 =	ssub.s32 $0x0, s20;
	[sflag:s22] =	ssyncset.done $0x0  }
0xa0: {  	[sflag:s22] =	ssyncadd.s32 s3;
	_ =	sdelay $0x1  }
0xa1: {  	s23 =	simm.s32 $0x1B8B  }
0xa2: {  	_ =	swait.ge [sflag:s23], $0x1  }
0xa3: {  	[sflag:s23] =	ssyncset.done $0x0  }
0xa4: {  	s25 =	simm.s32 $0x1B8E;
	s24 =	sld [smem:$0x3FFE];
	[sflag:s23] =	ssyncadd.s32 $0xFFFFFFFF  }
0xa5: {  	s26 =	simm.s32 $execute0_lowered;
	[smem:$0x3FD2] =	sst s25  }
0xa6: {  	s4 =	sshll.u32 s26, $0x1;
	_ =	strace $0x80000049;
	[dreg:$0x1] =	wrdreg $0xFFFFFFFF  }
0xa7: {  	s28 =	simm.s32 $_size_execute0_lowered;
	s2 =	sadd.s32 s2, s4;
	[dreg:$0x0] =	wrdreg $0x0  }
0xa8: {  	s4 =	sshll.u32 s28, $0x1;
	[dreg:$0x2] =	wrdreg s2  }
0xa9: {  	[dreg:$0x3] =	wrdreg s4  }
0xaa: {  	[dreg:$0x4] =	wrdreg $0xC0  }
0xab: {  	_ =	task [dreg:s6], $0x5FFFF  }
0xac: {  	[dreg:$0x1] =	wrdreg $0xFFFFFFFF  }
0xad: {  	[dreg:$0x0] =	wrdreg $0x60  }
0xae: {  	[dreg:$0x2] =	wrdreg s24  }
0xaf: {  	[dreg:$0x3] =	wrdreg $0x0  }
0xb0: {  	[dreg:$0x4] =	wrdreg $0x9  }
0xb1: {  	_ =	task.clear_ibuf [dreg:s6], $0x5FFFF;
	_ =	strace $0x90000049  }
0xb2: {  	s29 =	simm.s32 $0x9;
	_ =	strace $0x8000004B  }
0xb3: {  	_ =	swait.ge [sflag:s29], $0x1  }
0xb4: {  	[sflag:s29] =	ssyncadd.s32 $0xFFFFFFFF  }
0xb5: {  	_ =	strace $0x9000004B  }
0xb6: {  	_ =	sfence  }
0xb7: {  	s30 =	sld [smem:$0x0];
	_ =	sdelay $0x2  }
0xb8: {  	s31 =	sshll.u32 s1, $0xD;
	s1 =	sshrl.u32 s1, $0x2  }
0xb9: {  	s3 =	sand.u32 $0x4000, s31;
	s1 =	sadd.s32 s1, s30  }
0xba: {  	s0 =	sor.u32 s3, s0;
	s1 =	sshll.u32 s1, $0x11  }
0xbb: {  	s0 =	sor.u32 s1, s0  }
0xbc: {  	s0 =	sadd.s32 $0x8F2B, s0  }
0xbd: {  	[sflag:s0] =	ssyncadd.remote.s32 $0x1  }
0xbe: {  	_ =	sfence.sel $0xFFFF  }
0xbf: {  	[dreg:$0x0] =	wrdreg $0xFFFFFFFF;
	(pc) =	sbr.abs _section_cstart, $3  }
0xc0: {  	[dreg:$0x1] =	wrdreg $0xFFFFFFFF  }
0xc1: {  	_ =	task.clear_ibuf [dreg:s6], $0x2FFFF;
	_ =	strace $0x9FFFFFFF  }
0xc2: {  	(tm) =	ssettm $0x7FFFFFFF  }
0xc3: {  	_ =	shalt  }
tec
execute0_lowered:
.L_overlay_start_1:
0x0: {  	(tag) =	ssettag $0x1  }
0x1: {  	s0 =	rddreg [dreg:$0x0]  }
0x2: {  	s1 =	rddreg [dreg:$0x1]  }
0x3: {  	s2 =	simm.s32 $0x0;
	s3 =	srdreg.scid;
	s11 =	stileid.u32  }
0x4: {  	s28 =	simm.s32 $0x1C000;
	s29 =	simm.s32 $0x80;
	s30 =	simm.s32 $0x1C100  }
0x5: {  	s31 =	simm.s32 $0x1;
	[smem:$0x7FF] =	sst s2;
	s4 =	sadd.s32 $0x18200, s0  }
0x6: {  	s5 =	sadd.s32 $0x3E00, s0;
	s3 =	sand.u32 $0x1, s3;
	s8 =	smul.u32 $0x50000, s11  }
0x7: {  	s6 =	sshll.u32 s11, $0x1;
	s9 =	sadd.s32 $0x40200, s0;
	s12 =	smul.u32 $0x14000, s11  }
0x8: {  	s0 =	sadd.s32 $0x40A00, s0;
	s11 =	smul.u32 $0xA200, s11;
	_ =	strace $0x8000004A  }
0x9: {  	s7 =	ssub.s32 $0x2, s3;
	s6 =	sor.u32 s3, s6;
	s10 =	smul.u32 $0x140000, s3  }
0xa: {  	[dreg:$0x3] =	wrdreg s9;
	s3 =	smul.u32 $0x5100, s3;
	s26 =	sshrl.u32 s7, $0x1  }
0xb: {  	s6 =	smul.u32 $0x5100, s6;
	s8 =	sshrl.u32 s8, $0x2;
	s18 =	sadd.s32 $0x4000, s12  }
0xc: {  	s20 =	sadd.s32 $0x8000, s12;
	s22 =	sadd.s32 $0xC000, s12;
	s9 =	ssub.s32 s7, s26  }
0xd: {  	s7 =	sadd.s32 s8, s1;
	s16 =	sadd.s32 s10, s12;
	s19 =	sadd.s32 s10, s18  }
0xe: {  	s21 =	sadd.s32 s10, s20;
	s23 =	sadd.s32 s10, s22;
	s8 =	sadd.s32 $0x10000, s12  }
0xf: {  	s3 =	sadd.s32 s3, s11;
	s6 =	sshrl.u32 s6, $0x3;
	s13 =	smax.u32 s9, $0x1  }
0x10: {  	s14 =	sadd.s32 $0x4000, s7;
	s15 =	sadd.s32 $0x8000, s7;
	s17 =	sadd.s32 $0xC000, s7  }
0x11: {  	s24 =	sadd.s32 s10, s8;
	s25 =	sadd.s32 $0x100, s3;
	[dreg:$0x5] =	wrdreg s13  }
0x12: {  	s11 =	sadd.s32 $0x200, s3;
	s3 =	simm.s32 $0x1C080;
	[dreg:$0x6] =	wrdreg s14  }
0x13: {  	s9 =	simm.s32 $0x0;
	s6 =	sadd.s32 s5, s6;
	[dreg:$0x7] =	wrdreg s15  }
0x14: {  	[dreg:$0x8] =	wrdreg s17;
	s13 =	sadd.s32 $0x10000, s7;
	s15 =	sadd.s32 s18, s1  }
0x15: {  	s17 =	sadd.s32 s20, s1;
	[dreg:$0x4] =	wrdreg s6;
	s6 =	sshrl.u32 s16, $0x3  }
0x16: {  	s26 =	sshrl.u32 s25, $0x3;
	s14 =	sadd.s32 s0, s6;
	s6 =	sshrl.u32 s19, $0x3  }
0x17: {  	s25 =	simm.s32 $0x14000;
	s16 =	sadd.s32 s0, s6;
	s6 =	sshrl.u32 s21, $0x3  }
0x18: {  	s19 =	sadd.s32 s22, s1;
	s18 =	sadd.s32 s0, s6;
	s6 =	sshrl.u32 s23, $0x3  }
0x19: {  	s21 =	sadd.s32 s8, s1;
	s8 =	simm.s32 $0x1C180;
	s20 =	sadd.s32 s0, s6  }
0x1a: {  	s6 =	sshrl.u32 s24, $0x3;
	s24 =	sadd.s32 s26, s5;
	s26 =	simm.s32 $0x3  }
0x1b: {  	s22 =	sadd.s32 s0, s6;
	s0 =	simm.s32 $0x18000;
	s6 =	simm.s32 $0x2  }
.LBB2_1:
0x1c: {  	s10 =	rddreg [dreg:$0x3]  }
0x1d: {  	[tilespmem:s25], [sflag:$0x3] =	stream.linear.gather [hbm4b:s10+s2], $0x4000, $0x38;
	[tilespmem:$0x1C200] =	vst v63  }
0x1e: {  	_ =	swait.ge [sflag:s26], $0x4000  }
0x1f: {  	[sflag:s26] =	ssyncset.done $0x0  }
0x20: {  	[sflag:s26] =	ssyncadd.s32 $0xFFFFC000  }
0x21: {  	[spmem:s7] =	stream.linear.scatter [tilespmem:s25], [sflag:$0x3], $0x4000, $0x38;
	[tilespmem:$0x1C200] =	vst v63  }
0x22: {  	_ =	swait.ge [sflag:s26], $0x4000  }
0x23: {  	[sflag:s26] =	ssyncset.done $0x0  }
0x24: {  	s12 =	rddreg [dreg:$0x6];
	[sflag:s26] =	ssyncadd.s32 $0xFFFFC000  }
0x25: {  	[spmem:s12] =	stream.linear.scatter [tilespmem:s25], [sflag:$0x3], $0x4000, $0x38;
	[tilespmem:$0x1C200] =	vst v63  }
0x26: {  	_ =	swait.ge [sflag:s26], $0x4000  }
0x27: {  	[sflag:s26] =	ssyncset.done $0x0  }
0x28: {  	s23 =	rddreg [dreg:$0x7];
	[sflag:s26] =	ssyncadd.s32 $0xFFFFC000  }
0x29: {  	[spmem:s23] =	stream.linear.scatter [tilespmem:s25], [sflag:$0x3], $0x4000, $0x38;
	[tilespmem:$0x1C200] =	vst v63  }
0x2a: {  	_ =	swait.ge [sflag:s26], $0x4000  }
0x2b: {  	[sflag:s26] =	ssyncset.done $0x0  }
0x2c: {  	s12 =	rddreg [dreg:$0x8];
	[sflag:s26] =	ssyncadd.s32 $0xFFFFC000  }
0x2d: {  	[spmem:s12] =	stream.linear.scatter [tilespmem:s25], [sflag:$0x3], $0x4000, $0x38;
	[tilespmem:$0x1C200] =	vst v63  }
0x2e: {  	_ =	swait.ge [sflag:s26], $0x4000  }
0x2f: {  	[sflag:s26] =	ssyncset.done $0x0  }
0x30: {  	[sflag:s26] =	ssyncadd.s32 $0xFFFFC000  }
0x31: {  	[spmem:s13] =	stream.linear.scatter [tilespmem:s25], [sflag:$0x3], $0x4000, $0x38;
	[tilespmem:$0x1C200] =	vst v63  }
0x32: {  	_ =	swait.ge [sflag:s26], $0x4000  }
0x33: {  	[sflag:s26] =	ssyncset.done $0x0  }
0x34: {  	s23 =	rddreg [dreg:$0x4];
	[sflag:s26] =	ssyncadd.s32 $0xFFFFC000  }
0x35: {  	[tilespmem:s28], [sflag:$0x3] =	stream.linear.gather [hbm4b:s23+s2], $0x100, $0x38;
	[tilespmem:$0x1C200] =	vst v63  }
0x36: {  	_ =	swait.ge [sflag:s26], $0x100  }
0x37: {  	[sflag:s26] =	ssyncset.done $0x0  }
0x38: {  	[sflag:s26] =	ssyncadd.s32 $0xFFFFFF00  }
0x39: {  	[tilespmem:s25], [sflag:$0x1] =	stream.indirect.gather [hbm4b:s4+s29], $0x80, s28, s29, $0xb8;
	[tilespmem:$0x1C200] =	vst v63  }
0x3a: {  	s12 =	sadd.s32 $0x0, s24;
	[bflag:$0x0] =	sbarrier.arrive $0xFFFF  }
0x3b: {  	[tilespmem:s30], [sflag:$0x3] =	stream.linear.gather [hbm4b:s12+s2], $0x100, $0x38;
	[tilespmem:$0x1C200] =	vst v63  }
0x3c: {  	_ =	swait.ge [sflag:s26], $0x100  }
0x3d: {  	[sflag:s26] =	ssyncset.done $0x0  }
0x3e: {  	[sflag:s26] =	ssyncadd.s32 $0xFFFFFF00  }
0x3f: {  	_ =	swait.ge [sflag:s31], $0x4000  }
0x40: {  	[sflag:s31] =	ssyncset.done $0x0  }
0x41: {  	[sflag:s31] =	ssyncadd.s32 $0xFFFFC000  }
0x42: {  	[tilespmem:s0], [sflag:$0x2] =	stream.indirect.gather [hbm4b:s4+s29], $0x80, s30, s29, $0xb8;
	[tilespmem:$0x1C200] =	vst v63  }
0x43: {  	_ = 	snop  }
0x44: {  	[spmem:s1] =	stream.indirect.scatter.add.f32 [tilespmem:s25], [sflag:$0x3], $0x80, s3, s29, $0xb8;
	[tilespmem:$0x1C200] =	vst v63  }
0x45: {  	_ =	swait.ge [sflag:s26], $0x4000  }
0x46: {  	s23 =	sshrl.u32 s11, $0x3;
	[sflag:s26] =	ssyncset.done $0x0  }
0x47: {  	s10 =	sadd.s32 s5, s23;
	[sflag:s26] =	ssyncadd.s32 $0xFFFFC000  }
0x48: {  	[tilespmem:s28], [sflag:$0x3] =	stream.linear.gather [hbm4b:s10+s2], $0x100, $0x38;
	[tilespmem:$0x1C200] =	vst v63  }
0x49: {  	_ =	swait.ge [sflag:s26], $0x100  }
0x4a: {  	[sflag:s26] =	ssyncset.done $0x0  }
0x4b: {  	[sflag:s26] =	ssyncadd.s32 $0xFFFFFF00  }
0x4c: {  	_ =	swait.ge [sflag:s6], $0x4000  }
0x4d: {  	[sflag:s6] =	ssyncset.done $0x0  }
0x4e: {  	[sflag:s6] =	ssyncadd.s32 $0xFFFFC000  }
0x4f: {  	[tilespmem:s25], [sflag:$0x1] =	stream.indirect.gather [hbm4b:s4+s29], $0x80, s28, s29, $0xb8;
	[tilespmem:$0x1C200] =	vst v63  }
0x50: {  	_ = 	snop  }
0x51: {  	[spmem:s1] =	stream.indirect.scatter.add.f32 [tilespmem:s0], [sflag:$0x3], $0x80, s8, s29, $0xb8;
	[tilespmem:$0x1C200] =	vst v63  }
0x52: {  	_ =	swait.ge [sflag:s26], $0x4000  }
0x53: {  	s23 =	smov.u32 s11;
	s10 =	simm.s32 $0x40;
	[sflag:s26] =	ssyncset.done $0x0  }
.LBB2_2:
0x54: {  	p0 =	sne.s32 s10, $0x9C0;
	[sflag:s26] =	ssyncadd.s32 $0xFFFFC000;
	s23 =	sadd.s32 $0x200, s23  }
0x55: {  	s12 =	sadd.s32 s10, s24;
	s10 =	sadd.s32 $0x40, s10  }
0x56: {  	[tilespmem:s30], [sflag:$0x3] =	stream.linear.gather [hbm4b:s12+s2], $0x100, $0x38;
	[tilespmem:$0x1C200] =	vst v63  }
0x57: {  	_ =	swait.ge [sflag:s26], $0x100  }
0x58: {  	[sflag:s26] =	ssyncset.done $0x0  }
0x59: {  	[sflag:s26] =	ssyncadd.s32 $0xFFFFFF00  }
0x5a: {  	_ =	swait.ge [sflag:s31], $0x4000  }
0x5b: {  	[sflag:s31] =	ssyncset.done $0x0  }
0x5c: {  	[sflag:s31] =	ssyncadd.s32 $0xFFFFC000  }
0x5d: {  	[tilespmem:s0], [sflag:$0x2] =	stream.indirect.gather [hbm4b:s4+s29], $0x80, s30, s29, $0xb8;
	[tilespmem:$0x1C200] =	vst v63  }
0x5e: {  	_ = 	snop  }
0x5f: {  	[spmem:s1] =	stream.indirect.scatter.add.f32 [tilespmem:s25], [sflag:$0x3], $0x80, s3, s29, $0xb8;
	[tilespmem:$0x1C200] =	vst v63  }
0x60: {  	_ =	swait.ge [sflag:s26], $0x4000  }
0x61: {  	s12 =	sshrl.u32 s23, $0x3;
	[sflag:s26] =	ssyncset.done $0x0  }
0x62: {  	s12 =	sadd.s32 s5, s12;
	[sflag:s26] =	ssyncadd.s32 $0xFFFFC000  }
0x63: {  	[tilespmem:s28], [sflag:$0x3] =	stream.linear.gather [hbm4b:s12+s2], $0x100, $0x38;
	[tilespmem:$0x1C200] =	vst v63  }
0x64: {  	_ =	swait.ge [sflag:s26], $0x100  }
0x65: {  	[sflag:s26] =	ssyncset.done $0x0  }
0x66: {  	[sflag:s26] =	ssyncadd.s32 $0xFFFFFF00  }
0x67: {  	_ =	swait.ge [sflag:s6], $0x4000  }
0x68: {  	[sflag:s6] =	ssyncset.done $0x0  }
0x69: {  	[sflag:s6] =	ssyncadd.s32 $0xFFFFC000  }
0x6a: {  	[tilespmem:s25], [sflag:$0x1] =	stream.indirect.gather [hbm4b:s4+s29], $0x80, s28, s29, $0xb8;
	[tilespmem:$0x1C200] =	vst v63  }
.Ltmp0:
0x6b: {  	_ = 	snop;
	(pc) =	sbr.rel @p0 .LBB2_2-.Ltmp0, $4  }
0x6c: {  	_ = 	snop  }
0x6d: {  	[spmem:s1] =	stream.indirect.scatter.add.f32 [tilespmem:s0], [sflag:$0x3], $0x80, s8, s29, $0xb8;
	[tilespmem:$0x1C200] =	vst v63  }
0x6e: {  	_ =	swait.ge [sflag:s26], $0x4000  }
0x6f: {  	[sflag:s26] =	ssyncset.done $0x0  }
0x70: {  	[sflag:s26] =	ssyncadd.s32 $0xFFFFC000  }
0x71: {  	_ =	swait.ge [sflag:s31], $0x4000  }
0x72: {  	[sflag:s31] =	ssyncset.done $0x0  }
0x73: {  	[sflag:s31] =	ssyncadd.s32 $0xFFFFC000  }
0x74: {  	[bflag:$0x0] =	sbarrier.arrive $0xFFFF  }
0x75: {  	[tilespmem:s25], [sflag:$0x3] =	stream.linear.gather [spmem:s7], $0x4000, $0x38;
	[tilespmem:$0x1C200] =	vst v63  }
0x76: {  	_ =	swait.ge [sflag:s26], $0x4000  }
0x77: {  	[sflag:s26] =	ssyncset.done $0x0  }
0x78: {  	[sflag:s26] =	ssyncadd.s32 $0xFFFFC000  }
0x79: {  	[hbm4b:s14+s2] =	stream.linear.scatter [tilespmem:s25], [sflag:$0x3], $0x4000, $0x38;
	[tilespmem:$0x1C200] =	vst v63  }
0x7a: {  	_ =	swait.ge [sflag:s26], $0x4000  }
0x7b: {  	[sflag:s26] =	ssyncset.done $0x0  }
0x7c: {  	[sflag:s26] =	ssyncadd.s32 $0xFFFFC000  }
0x7d: {  	[tilespmem:s25], [sflag:$0x3] =	stream.linear.gather [spmem:s15], $0x4000, $0x38;
	[tilespmem:$0x1C200] =	vst v63  }
0x7e: {  	_ =	swait.ge [sflag:s26], $0x4000  }
0x7f: {  	[sflag:s26] =	ssyncset.done $0x0  }
0x80: {  	[sflag:s26] =	ssyncadd.s32 $0xFFFFC000  }
0x81: {  	[hbm4b:s16+s2] =	stream.linear.scatter [tilespmem:s25], [sflag:$0x3], $0x4000, $0x38;
	[tilespmem:$0x1C200] =	vst v63  }
0x82: {  	_ =	swait.ge [sflag:s26], $0x4000  }
0x83: {  	[sflag:s26] =	ssyncset.done $0x0  }
0x84: {  	[sflag:s26] =	ssyncadd.s32 $0xFFFFC000  }
0x85: {  	[tilespmem:s25], [sflag:$0x3] =	stream.linear.gather [spmem:s17], $0x4000, $0x38;
	[tilespmem:$0x1C200] =	vst v63  }
0x86: {  	_ =	swait.ge [sflag:s26], $0x4000  }
0x87: {  	[sflag:s26] =	ssyncset.done $0x0  }
0x88: {  	[sflag:s26] =	ssyncadd.s32 $0xFFFFC000  }
0x89: {  	[hbm4b:s18+s2] =	stream.linear.scatter [tilespmem:s25], [sflag:$0x3], $0x4000, $0x38;
	[tilespmem:$0x1C200] =	vst v63  }
0x8a: {  	_ =	swait.ge [sflag:s26], $0x4000  }
0x8b: {  	[sflag:s26] =	ssyncset.done $0x0  }
0x8c: {  	[sflag:s26] =	ssyncadd.s32 $0xFFFFC000  }
0x8d: {  	[tilespmem:s25], [sflag:$0x3] =	stream.linear.gather [spmem:s19], $0x4000, $0x38;
	[tilespmem:$0x1C200] =	vst v63  }
0x8e: {  	_ =	swait.ge [sflag:s26], $0x4000  }
0x8f: {  	[sflag:s26] =	ssyncset.done $0x0  }
0x90: {  	[sflag:s26] =	ssyncadd.s32 $0xFFFFC000  }
0x91: {  	[hbm4b:s20+s2] =	stream.linear.scatter [tilespmem:s25], [sflag:$0x3], $0x4000, $0x38;
	[tilespmem:$0x1C200] =	vst v63  }
0x92: {  	_ =	swait.ge [sflag:s26], $0x4000  }
0x93: {  	[sflag:s26] =	ssyncset.done $0x0  }
0x94: {  	[sflag:s26] =	ssyncadd.s32 $0xFFFFC000  }
0x95: {  	[tilespmem:s25], [sflag:$0x3] =	stream.linear.gather [spmem:s21], $0x4000, $0x38;
	[tilespmem:$0x1C200] =	vst v63  }
0x96: {  	_ =	swait.ge [sflag:s26], $0x4000  }
0x97: {  	[sflag:s26] =	ssyncset.done $0x0  }
0x98: {  	[sflag:s26] =	ssyncadd.s32 $0xFFFFC000  }
0x99: {  	[hbm4b:s22+s2] =	stream.linear.scatter [tilespmem:s25], [sflag:$0x3], $0x4000, $0x38;
	[tilespmem:$0x1C200] =	vst v63  }
0x9a: {  	_ =	swait.ge [sflag:s26], $0x4000  }
0x9b: {  	s9 =	sadd.s32 $0x1, s9;
	s10 =	rddreg [dreg:$0x5]  }
0x9c: {  	p0 =	sne.s32 s9, s10  }
.Ltmp1:
0x9d: {  	_ = 	snop;
	(pc) =	sbr.rel @p0 .LBB2_1-.Ltmp1, $3  }
0x9e: {  	_ =	sdelay $0x1  }
0x9f: {  	[sflag:s26] =	ssyncset.done $0x0  }
0xa0: {  	[sflag:s26] =	ssyncadd.s32 $0xFFFFC000  }
0xa1: {  	_ =	sfence.sel $0x180000  }
0xa2: {  	[bflag:$0x0] =	sbarrier.arrive $0xFFFF  }
0xa3: {  	_ =	strace $0x9000004A  }
0xa4: {  	s0 =	stileid.u32;
	[bflag:$0x2] =	sbarrier.arrive $0xFFFF  }
0xa5: {  	p0 =	sne.s32 s0, $0x0;
	s0 =	rddreg [dreg:$0x2]  }
0xa6: {  	s0 =	sadd.s32 @!p0 $0x100000, s0  }
0xa7: {  	[sflag:s0] =	ssyncadd.tile.s32 @!p0 $0x1;
	_ =	shalt  }
.Lfunc_end2:
_tile_overlayer_lowered:
.L_overlay_start_2:
0xa8: {  	(tag) =	ssettag $0x2  }
0xa9: {  	s0 =	rddreg [dreg:$0x0];
	s2 =	stileid.u32  }
0xaa: {  	s1 =	rddreg [dreg:$0x1];
	p0 =	sne.s32 s2, $0x0  }
0xab: {  	s3 =	rddreg [dreg:$0x2];
	[bflag:$0x3] =	sbarrier.arrive $0xFFFF;
	s2 =	simm.s32 @!p0 $0x1C03  }
0xac: {  	[timem:s3], [sflag:s2] =	dma.local @!p0 [hbm:s0], s1  }
0xad: {  	s0 =	simm.s32 @!p0 $0x3  }
0xae: {  	_ =	swait.ge @!p0 [sflag:s0], s1  }
0xaf: {  	s1 =	ssub.s32 @!p0 $0x0, s1;
	[sflag:s0] =	ssyncset.done @!p0 $0x0  }
0xb0: {  	[sflag:s0] =	ssyncadd.s32 @!p0 s1  }
0xb1: {  	[bflag:$0x3] =	sbarrier.arrive $0xFFFF  }
0xb2: {  	_ =	shalt  }

// kernel: kernel.17.cloned.1.call-start
scs
__scs_entry_jumppad:
0x0: {  	(pc) =	sbr.rel $0x88, $3  }
0x1: {  	(tag) =	ssettag $0x0;
	lr =	simm.s32 $0x1  }
0x2: {  	[smem:$0x3F90] =	sst lr;
	_ =	strace $0xD0000000  }
0x3: {  	_ = 	snop  }
0x4: {  	_ = 	snop  }
0x5: {  	_ = 	snop  }
0x6: {  	_ = 	snop  }
0x7: {  	_ = 	snop  }
__scs_overlays_trampoline_lowered:
0x8: {  	[smem:$0x3F9F] =	sst s0  }
0x9: {  	[smem:$0x3FA0] =	sst s1  }
0xa: {  	[smem:$0x3FA1] =	sst s2  }
0xb: {  	[smem:$0x3FA2] =	sst s3  }
0xc: {  	[smem:$0x3FA3] =	sst s4  }
0xd: {  	[smem:$0x3FA4] =	sst s5  }
0xe: {  	[smem:$0x3FA5] =	sst s6  }
0xf: {  	[smem:$0x3FA6] =	sst s7  }
0x10: {  	[smem:$0x3FA7] =	sst s8  }
0x11: {  	[smem:$0x3FA8] =	sst s9;
	s0 =	simm.s32 @!p0 $0x0  }
0x12: {  	s1 =	sld [smem:$0x3F8E];
	s0 =	simm.s32 @p0 $0x1  }
0x13: {  	[smem:$0x3FA9] =	sst s0;
	s0 =	simm.s32 @!p1 $0x0  }
0x14: {  	s2 =	sld [smem:$0x3F8D];
	s0 =	simm.s32 @p1 $0x1  }
0x15: {  	[smem:$0x3FAA] =	sst s0;
	s0 =	simm.s32 @!p2 $0x0  }
0x16: {  	s3 =	sld [smem:$0x3FDB];
	s0 =	simm.s32 @p2 $0x1  }
0x17: {  	s4 =	simm.s32 $0x1BF5;
	[smem:$0x3FAC] =	sst s0  }
0x18: {  	s0 =	sld [smem:$0x3F8F];
	_ =	swait.ge [sflag:s4], $0x0  }
0x19: {  	s7 =	sld [smem:$0x3F90]  }
0x1a: {  	s8 =	sadd.s32 $0xFFFFE003, lr  }
0x1b: {  	s9 =	sadd.s32 $0xFFFFFEF7, lr;
	s5 =	simm.s32 $0xFFFFFFFF;
	p2 =	slt.u32 s8, $0xFFFFF086  }
0x1c: {  	p1 =	slt.u32 s9, $0xF7A;
	s5 =	simm.s32 @!p2 $0x0  }
0x1d: {  	s5 =	simm.s32 @p1 $0x1;
	p0 =	seq.s32 s7, s2  }
0x1e: {  	s7 =	smul.u32 @!p0 $0xF7A, s2;
	p2 =	seq.s32 @!p0 s5, $0x0  }
0x1f: {  	s9 =	smul.u32 $0xF7A, s1;
	s8 =	simm.s32 @!p0 $0x1BF5;
	p2 =	por !p2, p0  }
0x20: {  	[sflag:s8] =	ssyncset.s32 @!p0 $0xFFFFF086;
	s6 =	sadd.s32 @!p0 s3, s7;
	s7 =	simm.s32 @!p0 $0x108  }
0x21: {  	s3 =	sadd.s32 s3, s9;
	s6 =	sadd.s32 @!p0 $0x88, s6;
	s7 =	simm.s32 @p2 $0x1082  }
0x22: {  	[simem:s7], [sflag:s8] =	dma.local @!p0 [hbm:s6], $0xF7A  }
0x23: {  	s9 =	sor.u32 $0xD0000000, s2;
	s6 =	simm.s32 $0x108;
	_ =	swait.ge @!p0 [sflag:s8], $0x0  }
0x24: {  	s3 =	sadd.s32 $0x88, s3;
	s6 =	simm.s32 @!p1 $0x1082;
	[sflag:s4] =	ssyncset.s32 $0xFFFFF086  }
0x25: {  	[simem:s6], [sflag:s4] =	dma.local [hbm:s3], $0xF7A  }
0x26: {  	[smem:$0x3F90] =	sst s1;
	(tag) =	ssettag s2;
	_ =	strace s9  }
0x27: {  	s1 =	sld [smem:$0x3FA0]  }
0x28: {  	s2 =	sld [smem:$0x3FA1]  }
0x29: {  	s4 =	sld [smem:$0x3FA3]  }
0x2a: {  	p0 =	seq.s32 s5, $0x0;
	s5 =	sld [smem:$0x3FA4]  }
0x2b: {  	s6 =	sld [smem:$0x3FA5]  }
0x2c: {  	s7 =	sld [smem:$0x3FA6]  }
0x2d: {  	s3 =	simm.s32 $0x108;
	s8 =	sld [smem:$0x3FA7]  }
0x2e: {  	s3 =	simm.s32 @!p0 $0x1082;
	s9 =	sld [smem:$0x3FA8]  }
0x2f: {  	lr =	sadd.s32 s0, s3;
	s0 =	sld [smem:$0x3F9F]  }
0x30: {  	s3 =	sld [smem:$0x3FA2]  }
0x31: {  	[smem:$0x3FAB] =	sst s10  }
0x32: {  	s10 =	sld [smem:$0x3FA9];
	_ =	sdelay $0x3  }
0x33: {  	p0 =	seq.s32 s10, $0x1;
	s10 =	sld [smem:$0x3FAB];
	_ =	sdelay $0x3  }
0x34: {  	[smem:$0x3FAB] =	sst s10  }
0x35: {  	s10 =	sld [smem:$0x3FAA];
	_ =	sdelay $0x3  }
0x36: {  	p1 =	seq.s32 s10, $0x1;
	s10 =	sld [smem:$0x3FAB];
	_ =	sdelay $0x3  }
0x37: {  	[smem:$0x3FAB] =	sst s10  }
0x38: {  	s10 =	sld [smem:$0x3FAC]  }
0x39: {  	_ = 	snop;
	(pc) =	sbr.ind lr, $3  }
0x3a: {  	_ = 	snop  }
0x3b: {  	_ = 	snop  }
0x3c: {  	p2 =	seq.s32 s10, $0x1;
	s10 =	sld [smem:$0x3FAB]  }
0x3d: {  	_ =	shalt  }
0x3e: {  	_ =	shalt  }
0x3f: {  	_ =	shalt  }
0x40: {  	_ =	shalt  }
0x41: {  	_ =	shalt  }
0x42: {  	_ =	shalt  }
0x43: {  	_ =	shalt  }
0x44: {  	_ =	shalt  }
0x45: {  	_ =	shalt  }
0x46: {  	_ =	shalt  }
0x47: {  	_ =	shalt  }
0x48: {  	_ =	shalt  }
0x49: {  	_ =	shalt  }
0x4a: {  	_ =	shalt  }
0x4b: {  	_ =	shalt  }
0x4c: {  	_ =	shalt  }
0x4d: {  	_ =	shalt  }
0x4e: {  	_ =	shalt  }
0x4f: {  	_ =	shalt  }
0x50: {  	_ =	shalt  }
0x51: {  	_ =	shalt  }
0x52: {  	_ =	shalt  }
0x53: {  	_ =	shalt  }
0x54: {  	_ =	shalt  }
0x55: {  	_ =	shalt  }
0x56: {  	_ =	shalt  }
0x57: {  	_ =	shalt  }
0x58: {  	_ =	shalt  }
0x59: {  	_ =	shalt  }
0x5a: {  	_ =	shalt  }
0x5b: {  	_ =	shalt  }
0x5c: {  	_ =	shalt  }
0x5d: {  	_ =	shalt  }
0x5e: {  	_ =	shalt  }
0x5f: {  	_ =	shalt  }
0x60: {  	_ =	shalt  }
0x61: {  	_ =	shalt  }
0x62: {  	_ =	shalt  }
0x63: {  	_ =	shalt  }
0x64: {  	_ =	shalt  }
0x65: {  	_ =	shalt  }
0x66: {  	_ =	shalt  }
0x67: {  	_ =	shalt  }
0x68: {  	_ =	shalt  }
0x69: {  	_ =	shalt  }
0x6a: {  	_ =	shalt  }
0x6b: {  	_ =	shalt  }
0x6c: {  	_ =	shalt  }
0x6d: {  	_ =	shalt  }
0x6e: {  	_ =	shalt  }
0x6f: {  	_ =	shalt  }
0x70: {  	_ =	shalt  }
0x71: {  	_ =	shalt  }
0x72: {  	_ =	shalt  }
0x73: {  	_ =	shalt  }
0x74: {  	_ =	shalt  }
0x75: {  	_ =	shalt  }
0x76: {  	_ =	shalt  }
0x77: {  	_ =	shalt  }
0x78: {  	_ =	shalt  }
0x79: {  	_ =	shalt  }
0x7a: {  	_ =	shalt  }
0x7b: {  	_ =	shalt  }
0x7c: {  	_ =	shalt  }
0x7d: {  	_ =	shalt  }
0x7e: {  	_ =	shalt  }
0x7f: {  	_ =	shalt  }
0x80: {  	_ =	shalt  }
0x81: {  	_ =	shalt  }
0x82: {  	_ =	shalt  }
0x83: {  	_ =	shalt  }
0x84: {  	_ =	shalt  }
0x85: {  	_ =	shalt  }
0x86: {  	_ =	shalt  }
0x87: {  	_ =	shalt  }
.Lfunc_end0:
.L_simem_size_0:
called_computation.2_lowered:
.L_overlay_start_0:
0x88: {  	s2 =	sld [smem:$0x3FD9]  }
0x89: {  	s3 =	sld [smem:$0x3FFE];
	_ =	sdelay $0x1  }
0x8a: {  	s1 =	srdreg.scid  }
0x8b: {  	s0 =	sand.u32 $0x1, s1  }
0x8c: {  	s16 =	sshll.u32 s0, $0xA;
	s2 =	sadd.s32 s3, s2  }
0x8d: {  	s2 =	sadd.s32 s2, s16  }
0x8e: {  	[smem:$0x3FB7] =	sst s2  }
0x8f: {  	_ = 	snop  }
0x90: {  	(tm) =	ssettm $0x1  }
0x91: {  	s17 =	sld [smem:$0x3FFB];
	_ =	sdelay $0x3  }
0x92: {  	_ =	strace s17  }
0x93: {  	s2 =	sld [smem:$0x3FFC];
	_ =	sdelay $0x3  }
0x94: {  	_ =	strace s2  }
0x95: {  	s2 =	sld [smem:$0x3FFD];
	_ =	sdelay $0x3  }
0x96: {  	_ =	strace s2  }
0x97: {  	_ =	strace $0x8FFFFFFF  }
0x98: {  	s18 =	sld [smem:$0x3FDB];
	_ =	sdelay $0x1  }
0x99: {  	s19 =	simm.s32 $_scs_section_size  }
0x9a: {  	s4 =	simm.s32 $_size__tile_overlayer_lowered;
	s5 =	simm.s32 $_tile_overlayer_lowered  }
0x9b: {  	s22 =	simm.s32 $0x1BFF;
	s21 =	sshll.u32 s5, $0x1;
	s2 =	sadd.s32 s19, s18  }
0x9c: {  	s6 =	simm.s32 $0x0;
	s20 =	sshll.u32 s4, $0x1;
	s4 =	sadd.s32 s21, s2  }
0x9d: {  	[timem:s6], [sflag:s22] =	dma.local [hbm:s4], s20  }
0x9e: {  	_ =	swait.ge [sflag:s22], s20  }
0x9f: {  	s3 =	ssub.s32 $0x0, s20;
	[sflag:s22] =	ssyncset.done $0x0  }
0xa0: {  	[sflag:s22] =	ssyncadd.s32 s3;
	_ =	sdelay $0x1  }
0xa1: {  	s23 =	simm.s32 $0x1B8B  }
0xa2: {  	_ =	swait.ge [sflag:s23], $0x1  }
0xa3: {  	[sflag:s23] =	ssyncset.done $0x0  }
0xa4: {  	s25 =	simm.s32 $0x1B8E;
	s24 =	sld [smem:$0x3FFE];
	[sflag:s23] =	ssyncadd.s32 $0xFFFFFFFF  }
0xa5: {  	s26 =	simm.s32 $execute0_lowered;
	[smem:$0x3FD2] =	sst s25  }
0xa6: {  	s4 =	sshll.u32 s26, $0x1;
	_ =	strace $0x8000004C;
	[dreg:$0x1] =	wrdreg $0xFFFFFFFF  }
0xa7: {  	s28 =	simm.s32 $_size_execute0_lowered;
	s2 =	sadd.s32 s2, s4;
	[dreg:$0x0] =	wrdreg $0x0  }
0xa8: {  	s4 =	sshll.u32 s28, $0x1;
	[dreg:$0x2] =	wrdreg s2  }
0xa9: {  	[dreg:$0x3] =	wrdreg s4  }
0xaa: {  	[dreg:$0x4] =	wrdreg $0xC0  }
0xab: {  	_ =	task [dreg:s6], $0x5FFFF  }
0xac: {  	[dreg:$0x1] =	wrdreg $0xFFFFFFFF  }
0xad: {  	[dreg:$0x0] =	wrdreg $0x60  }
0xae: {  	[dreg:$0x2] =	wrdreg s24  }
0xaf: {  	[dreg:$0x3] =	wrdreg $0x0  }
0xb0: {  	[dreg:$0x4] =	wrdreg $0x9  }
0xb1: {  	_ =	task.clear_ibuf [dreg:s6], $0x5FFFF;
	_ =	strace $0x9000004C  }
0xb2: {  	s29 =	simm.s32 $0x9;
	_ =	strace $0x8000004E  }
0xb3: {  	_ =	swait.ge [sflag:s29], $0x1  }
0xb4: {  	[sflag:s29] =	ssyncadd.s32 $0xFFFFFFFF  }
0xb5: {  	_ =	strace $0x9000004E  }
0xb6: {  	_ =	sfence  }
0xb7: {  	s30 =	sld [smem:$0x0];
	_ =	sdelay $0x2  }
0xb8: {  	s31 =	sshll.u32 s1, $0xD;
	s1 =	sshrl.u32 s1, $0x2  }
0xb9: {  	s3 =	sand.u32 $0x4000, s31;
	s1 =	sadd.s32 s1, s30  }
0xba: {  	s0 =	sor.u32 s3, s0;
	s1 =	sshll.u32 s1, $0x11  }
0xbb: {  	s0 =	sor.u32 s1, s0  }
0xbc: {  	s0 =	sadd.s32 $0x8F2B, s0  }
0xbd: {  	[sflag:s0] =	ssyncadd.remote.s32 $0x1  }
0xbe: {  	_ =	sfence.sel $0xFFFF  }
0xbf: {  	[dreg:$0x0] =	wrdreg $0xFFFFFFFF;
	(pc) =	sbr.abs _section_cstart, $3  }
0xc0: {  	[dreg:$0x1] =	wrdreg $0xFFFFFFFF  }
0xc1: {  	_ =	task.clear_ibuf [dreg:s6], $0x2FFFF;
	_ =	strace $0x9FFFFFFF  }
0xc2: {  	(tm) =	ssettm $0x7FFFFFFF  }
0xc3: {  	_ =	shalt  }
tec
execute0_lowered:
.L_overlay_start_1:
0x0: {  	(tag) =	ssettag $0x1  }
0x1: {  	s0 =	rddreg [dreg:$0x0]  }
0x2: {  	s1 =	rddreg [dreg:$0x1]  }
0x3: {  	s2 =	simm.s32 $0x0;
	s3 =	srdreg.scid;
	s11 =	stileid.u32  }
0x4: {  	s28 =	simm.s32 $0x1C000;
	s29 =	simm.s32 $0x80;
	s30 =	simm.s32 $0x1C100  }
0x5: {  	s31 =	simm.s32 $0x1;
	[smem:$0x7FF] =	sst s2;
	s4 =	sadd.s32 $0x18200, s0  }
0x6: {  	s5 =	sadd.s32 $0x3E00, s0;
	s3 =	sand.u32 $0x1, s3;
	s8 =	smul.u32 $0x50000, s11  }
0x7: {  	s6 =	sshll.u32 s11, $0x1;
	s9 =	sadd.s32 $0x40200, s0;
	s12 =	smul.u32 $0x14000, s11  }
0x8: {  	s0 =	sadd.s32 $0x40A00, s0;
	s11 =	smul.u32 $0xA200, s11;
	_ =	strace $0x8000004D  }
0x9: {  	s7 =	ssub.s32 $0x2, s3;
	s6 =	sor.u32 s3, s6;
	s10 =	smul.u32 $0x140000, s3  }
0xa: {  	[dreg:$0x3] =	wrdreg s9;
	s3 =	smul.u32 $0x5100, s3;
	s26 =	sshrl.u32 s7, $0x1  }
0xb: {  	s6 =	smul.u32 $0x5100, s6;
	s8 =	sshrl.u32 s8, $0x2;
	s18 =	sadd.s32 $0x4000, s12  }
0xc: {  	s20 =	sadd.s32 $0x8000, s12;
	s22 =	sadd.s32 $0xC000, s12;
	s9 =	ssub.s32 s7, s26  }
0xd: {  	s7 =	sadd.s32 s8, s1;
	s16 =	sadd.s32 s10, s12;
	s19 =	sadd.s32 s10, s18  }
0xe: {  	s21 =	sadd.s32 s10, s20;
	s23 =	sadd.s32 s10, s22;
	s8 =	sadd.s32 $0x10000, s12  }
0xf: {  	s3 =	sadd.s32 s3, s11;
	s6 =	sshrl.u32 s6, $0x3;
	s13 =	smax.u32 s9, $0x1  }
0x10: {  	s14 =	sadd.s32 $0x4000, s7;
	s15 =	sadd.s32 $0x8000, s7;
	s17 =	sadd.s32 $0xC000, s7  }
0x11: {  	s24 =	sadd.s32 s10, s8;
	s25 =	sadd.s32 $0x100, s3;
	[dreg:$0x5] =	wrdreg s13  }
0x12: {  	s11 =	sadd.s32 $0x200, s3;
	s3 =	simm.s32 $0x1C080;
	[dreg:$0x6] =	wrdreg s14  }
0x13: {  	s9 =	simm.s32 $0x0;
	s6 =	sadd.s32 s5, s6;
	[dreg:$0x7] =	wrdreg s15  }
0x14: {  	[dreg:$0x8] =	wrdreg s17;
	s13 =	sadd.s32 $0x10000, s7;
	s15 =	sadd.s32 s18, s1  }
0x15: {  	s17 =	sadd.s32 s20, s1;
	[dreg:$0x4] =	wrdreg s6;
	s6 =	sshrl.u32 s16, $0x3  }
0x16: {  	s26 =	sshrl.u32 s25, $0x3;
	s14 =	sadd.s32 s0, s6;
	s6 =	sshrl.u32 s19, $0x3  }
0x17: {  	s25 =	simm.s32 $0x14000;
	s16 =	sadd.s32 s0, s6;
	s6 =	sshrl.u32 s21, $0x3  }
0x18: {  	s19 =	sadd.s32 s22, s1;
	s18 =	sadd.s32 s0, s6;
	s6 =	sshrl.u32 s23, $0x3  }
0x19: {  	s21 =	sadd.s32 s8, s1;
	s8 =	simm.s32 $0x1C180;
	s20 =	sadd.s32 s0, s6  }
0x1a: {  	s6 =	sshrl.u32 s24, $0x3;
	s24 =	sadd.s32 s26, s5;
	s26 =	simm.s32 $0x3  }
0x1b: {  	s22 =	sadd.s32 s0, s6;
	s0 =	simm.s32 $0x18000;
	s6 =	simm.s32 $0x2  }
.LBB2_1:
0x1c: {  	s10 =	rddreg [dreg:$0x3]  }
0x1d: {  	[tilespmem:s25], [sflag:$0x3] =	stream.linear.gather [hbm4b:s10+s2], $0x4000, $0x38;
	[tilespmem:$0x1C200] =	vst v63  }
0x1e: {  	_ =	swait.ge [sflag:s26], $0x4000  }
0x1f: {  	[sflag:s26] =	ssyncset.done $0x0  }
0x20: {  	[sflag:s26] =	ssyncadd.s32 $0xFFFFC000  }
0x21: {  	[spmem:s7] =	stream.linear.scatter [tilespmem:s25], [sflag:$0x3], $0x4000, $0x38;
	[tilespmem:$0x1C200] =	vst v63  }
0x22: {  	_ =	swait.ge [sflag:s26], $0x4000  }
0x23: {  	[sflag:s26] =	ssyncset.done $0x0  }
0x24: {  	s12 =	rddreg [dreg:$0x6];
	[sflag:s26] =	ssyncadd.s32 $0xFFFFC000  }
0x25: {  	[spmem:s12] =	stream.linear.scatter [tilespmem:s25], [sflag:$0x3], $0x4000, $0x38;
	[tilespmem:$0x1C200] =	vst v63  }
0x26: {  	_ =	swait.ge [sflag:s26], $0x4000  }
0x27: {  	[sflag:s26] =	ssyncset.done $0x0  }
0x28: {  	s23 =	rddreg [dreg:$0x7];
	[sflag:s26] =	ssyncadd.s32 $0xFFFFC000  }
0x29: {  	[spmem:s23] =	stream.linear.scatter [tilespmem:s25], [sflag:$0x3], $0x4000, $0x38;
	[tilespmem:$0x1C200] =	vst v63  }
0x2a: {  	_ =	swait.ge [sflag:s26], $0x4000  }
0x2b: {  	[sflag:s26] =	ssyncset.done $0x0  }
0x2c: {  	s12 =	rddreg [dreg:$0x8];
	[sflag:s26] =	ssyncadd.s32 $0xFFFFC000  }
0x2d: {  	[spmem:s12] =	stream.linear.scatter [tilespmem:s25], [sflag:$0x3], $0x4000, $0x38;
	[tilespmem:$0x1C200] =	vst v63  }
0x2e: {  	_ =	swait.ge [sflag:s26], $0x4000  }
0x2f: {  	[sflag:s26] =	ssyncset.done $0x0  }
0x30: {  	[sflag:s26] =	ssyncadd.s32 $0xFFFFC000  }
0x31: {  	[spmem:s13] =	stream.linear.scatter [tilespmem:s25], [sflag:$0x3], $0x4000, $0x38;
	[tilespmem:$0x1C200] =	vst v63  }
0x32: {  	_ =	swait.ge [sflag:s26], $0x4000  }
0x33: {  	[sflag:s26] =	ssyncset.done $0x0  }
0x34: {  	s23 =	rddreg [dreg:$0x4];
	[sflag:s26] =	ssyncadd.s32 $0xFFFFC000  }
0x35: {  	[tilespmem:s28], [sflag:$0x3] =	stream.linear.gather [hbm4b:s23+s2], $0x100, $0x38;
	[tilespmem:$0x1C200] =	vst v63  }
0x36: {  	_ =	swait.ge [sflag:s26], $0x100  }
0x37: {  	[sflag:s26] =	ssyncset.done $0x0  }
0x38: {  	[sflag:s26] =	ssyncadd.s32 $0xFFFFFF00  }
0x39: {  	[tilespmem:s25], [sflag:$0x1] =	stream.indirect.gather [hbm4b:s4+s29], $0x80, s28, s29, $0xb8;
	[tilespmem:$0x1C200] =	vst v63  }
0x3a: {  	s12 =	sadd.s32 $0x0, s24;
	[bflag:$0x0] =	sbarrier.arrive $0xFFFF  }
0x3b: {  	[tilespmem:s30], [sflag:$0x3] =	stream.linear.gather [hbm4b:s12+s2], $0x100, $0x38;
	[tilespmem:$0x1C200] =	vst v63  }
0x3c: {  	_ =	swait.ge [sflag:s26], $0x100  }
0x3d: {  	[sflag:s26] =	ssyncset.done $0x0  }
0x3e: {  	[sflag:s26] =	ssyncadd.s32 $0xFFFFFF00  }
0x3f: {  	_ =	swait.ge [sflag:s31], $0x4000  }
0x40: {  	[sflag:s31] =	ssyncset.done $0x0  }
0x41: {  	[sflag:s31] =	ssyncadd.s32 $0xFFFFC000  }
0x42: {  	[tilespmem:s0], [sflag:$0x2] =	stream.indirect.gather [hbm4b:s4+s29], $0x80, s30, s29, $0xb8;
	[tilespmem:$0x1C200] =	vst v63  }
0x43: {  	_ = 	snop  }
0x44: {  	[spmem:s1] =	stream.indirect.scatter.add.f32 [tilespmem:s25], [sflag:$0x3], $0x80, s3, s29, $0xb8;
	[tilespmem:$0x1C200] =	vst v63  }
0x45: {  	_ =	swait.ge [sflag:s26], $0x4000  }
0x46: {  	s23 =	sshrl.u32 s11, $0x3;
	[sflag:s26] =	ssyncset.done $0x0  }
0x47: {  	s10 =	sadd.s32 s5, s23;
	[sflag:s26] =	ssyncadd.s32 $0xFFFFC000  }
0x48: {  	[tilespmem:s28], [sflag:$0x3] =	stream.linear.gather [hbm4b:s10+s2], $0x100, $0x38;
	[tilespmem:$0x1C200] =	vst v63  }
0x49: {  	_ =	swait.ge [sflag:s26], $0x100  }
0x4a: {  	[sflag:s26] =	ssyncset.done $0x0  }
0x4b: {  	[sflag:s26] =	ssyncadd.s32 $0xFFFFFF00  }
0x4c: {  	_ =	swait.ge [sflag:s6], $0x4000  }
0x4d: {  	[sflag:s6] =	ssyncset.done $0x0  }
0x4e: {  	[sflag:s6] =	ssyncadd.s32 $0xFFFFC000  }
0x4f: {  	[tilespmem:s25], [sflag:$0x1] =	stream.indirect.gather [hbm4b:s4+s29], $0x80, s28, s29, $0xb8;
	[tilespmem:$0x1C200] =	vst v63  }
0x50: {  	_ = 	snop  }
0x51: {  	[spmem:s1] =	stream.indirect.scatter.add.f32 [tilespmem:s0], [sflag:$0x3], $0x80, s8, s29, $0xb8;
	[tilespmem:$0x1C200] =	vst v63  }
0x52: {  	_ =	swait.ge [sflag:s26], $0x4000  }
0x53: {  	s23 =	smov.u32 s11;
	s10 =	simm.s32 $0x40;
	[sflag:s26] =	ssyncset.done $0x0  }
.LBB2_2:
0x54: {  	p0 =	sne.s32 s10, $0x9C0;
	[sflag:s26] =	ssyncadd.s32 $0xFFFFC000;
	s23 =	sadd.s32 $0x200, s23  }
0x55: {  	s12 =	sadd.s32 s10, s24;
	s10 =	sadd.s32 $0x40, s10  }
0x56: {  	[tilespmem:s30], [sflag:$0x3] =	stream.linear.gather [hbm4b:s12+s2], $0x100, $0x38;
	[tilespmem:$0x1C200] =	vst v63  }
0x57: {  	_ =	swait.ge [sflag:s26], $0x100  }
0x58: {  	[sflag:s26] =	ssyncset.done $0x0  }
0x59: {  	[sflag:s26] =	ssyncadd.s32 $0xFFFFFF00  }
0x5a: {  	_ =	swait.ge [sflag:s31], $0x4000  }
0x5b: {  	[sflag:s31] =	ssyncset.done $0x0  }
0x5c: {  	[sflag:s31] =	ssyncadd.s32 $0xFFFFC000  }
0x5d: {  	[tilespmem:s0], [sflag:$0x2] =	stream.indirect.gather [hbm4b:s4+s29], $0x80, s30, s29, $0xb8;
	[tilespmem:$0x1C200] =	vst v63  }
0x5e: {  	_ = 	snop  }
0x5f: {  	[spmem:s1] =	stream.indirect.scatter.add.f32 [tilespmem:s25], [sflag:$0x3], $0x80, s3, s29, $0xb8;
	[tilespmem:$0x1C200] =	vst v63  }
0x60: {  	_ =	swait.ge [sflag:s26], $0x4000  }
0x61: {  	s12 =	sshrl.u32 s23, $0x3;
	[sflag:s26] =	ssyncset.done $0x0  }
0x62: {  	s12 =	sadd.s32 s5, s12;
	[sflag:s26] =	ssyncadd.s32 $0xFFFFC000  }
0x63: {  	[tilespmem:s28], [sflag:$0x3] =	stream.linear.gather [hbm4b:s12+s2], $0x100, $0x38;
	[tilespmem:$0x1C200] =	vst v63  }
0x64: {  	_ =	swait.ge [sflag:s26], $0x100  }
0x65: {  	[sflag:s26] =	ssyncset.done $0x0  }
0x66: {  	[sflag:s26] =	ssyncadd.s32 $0xFFFFFF00  }
0x67: {  	_ =	swait.ge [sflag:s6], $0x4000  }
0x68: {  	[sflag:s6] =	ssyncset.done $0x0  }
0x69: {  	[sflag:s6] =	ssyncadd.s32 $0xFFFFC000  }
0x6a: {  	[tilespmem:s25], [sflag:$0x1] =	stream.indirect.gather [hbm4b:s4+s29], $0x80, s28, s29, $0xb8;
	[tilespmem:$0x1C200] =	vst v63  }
.Ltmp0:
0x6b: {  	_ = 	snop;
	(pc) =	sbr.rel @p0 .LBB2_2-.Ltmp0, $4  }
0x6c: {  	_ = 	snop  }
0x6d: {  	[spmem:s1] =	stream.indirect.scatter.add.f32 [tilespmem:s0], [sflag:$0x3], $0x80, s8, s29, $0xb8;
	[tilespmem:$0x1C200] =	vst v63  }
0x6e: {  	_ =	swait.ge [sflag:s26], $0x4000  }
0x6f: {  	[sflag:s26] =	ssyncset.done $0x0  }
0x70: {  	[sflag:s26] =	ssyncadd.s32 $0xFFFFC000  }
0x71: {  	_ =	swait.ge [sflag:s31], $0x4000  }
0x72: {  	[sflag:s31] =	ssyncset.done $0x0  }
0x73: {  	[sflag:s31] =	ssyncadd.s32 $0xFFFFC000  }
0x74: {  	[bflag:$0x0] =	sbarrier.arrive $0xFFFF  }
0x75: {  	[tilespmem:s25], [sflag:$0x3] =	stream.linear.gather [spmem:s7], $0x4000, $0x38;
	[tilespmem:$0x1C200] =	vst v63  }
0x76: {  	_ =	swait.ge [sflag:s26], $0x4000  }
0x77: {  	[sflag:s26] =	ssyncset.done $0x0  }
0x78: {  	[sflag:s26] =	ssyncadd.s32 $0xFFFFC000  }
0x79: {  	[hbm4b:s14+s2] =	stream.linear.scatter [tilespmem:s25], [sflag:$0x3], $0x4000, $0x38;
	[tilespmem:$0x1C200] =	vst v63  }
0x7a: {  	_ =	swait.ge [sflag:s26], $0x4000  }
0x7b: {  	[sflag:s26] =	ssyncset.done $0x0  }
0x7c: {  	[sflag:s26] =	ssyncadd.s32 $0xFFFFC000  }
0x7d: {  	[tilespmem:s25], [sflag:$0x3] =	stream.linear.gather [spmem:s15], $0x4000, $0x38;
	[tilespmem:$0x1C200] =	vst v63  }
0x7e: {  	_ =	swait.ge [sflag:s26], $0x4000  }
0x7f: {  	[sflag:s26] =	ssyncset.done $0x0  }
0x80: {  	[sflag:s26] =	ssyncadd.s32 $0xFFFFC000  }
0x81: {  	[hbm4b:s16+s2] =	stream.linear.scatter [tilespmem:s25], [sflag:$0x3], $0x4000, $0x38;
	[tilespmem:$0x1C200] =	vst v63  }
0x82: {  	_ =	swait.ge [sflag:s26], $0x4000  }
0x83: {  	[sflag:s26] =	ssyncset.done $0x0  }
0x84: {  	[sflag:s26] =	ssyncadd.s32 $0xFFFFC000  }
0x85: {  	[tilespmem:s25], [sflag:$0x3] =	stream.linear.gather [spmem:s17], $0x4000, $0x38;
	[tilespmem:$0x1C200] =	vst v63  }
0x86: {  	_ =	swait.ge [sflag:s26], $0x4000  }
0x87: {  	[sflag:s26] =	ssyncset.done $0x0  }
0x88: {  	[sflag:s26] =	ssyncadd.s32 $0xFFFFC000  }
0x89: {  	[hbm4b:s18+s2] =	stream.linear.scatter [tilespmem:s25], [sflag:$0x3], $0x4000, $0x38;
	[tilespmem:$0x1C200] =	vst v63  }
0x8a: {  	_ =	swait.ge [sflag:s26], $0x4000  }
0x8b: {  	[sflag:s26] =	ssyncset.done $0x0  }
0x8c: {  	[sflag:s26] =	ssyncadd.s32 $0xFFFFC000  }
0x8d: {  	[tilespmem:s25], [sflag:$0x3] =	stream.linear.gather [spmem:s19], $0x4000, $0x38;
	[tilespmem:$0x1C200] =	vst v63  }
0x8e: {  	_ =	swait.ge [sflag:s26], $0x4000  }
0x8f: {  	[sflag:s26] =	ssyncset.done $0x0  }
0x90: {  	[sflag:s26] =	ssyncadd.s32 $0xFFFFC000  }
0x91: {  	[hbm4b:s20+s2] =	stream.linear.scatter [tilespmem:s25], [sflag:$0x3], $0x4000, $0x38;
	[tilespmem:$0x1C200] =	vst v63  }
0x92: {  	_ =	swait.ge [sflag:s26], $0x4000  }
0x93: {  	[sflag:s26] =	ssyncset.done $0x0  }
0x94: {  	[sflag:s26] =	ssyncadd.s32 $0xFFFFC000  }
0x95: {  	[tilespmem:s25], [sflag:$0x3] =	stream.linear.gather [spmem:s21], $0x4000, $0x38;
	[tilespmem:$0x1C200] =	vst v63  }
0x96: {  	_ =	swait.ge [sflag:s26], $0x4000  }
0x97: {  	[sflag:s26] =	ssyncset.done $0x0  }
0x98: {  	[sflag:s26] =	ssyncadd.s32 $0xFFFFC000  }
0x99: {  	[hbm4b:s22+s2] =	stream.linear.scatter [tilespmem:s25], [sflag:$0x3], $0x4000, $0x38;
	[tilespmem:$0x1C200] =	vst v63  }
0x9a: {  	_ =	swait.ge [sflag:s26], $0x4000  }
0x9b: {  	s9 =	sadd.s32 $0x1, s9;
	s10 =	rddreg [dreg:$0x5]  }
0x9c: {  	p0 =	sne.s32 s9, s10  }
.Ltmp1:
0x9d: {  	_ = 	snop;
	(pc) =	sbr.rel @p0 .LBB2_1-.Ltmp1, $3  }
0x9e: {  	_ =	sdelay $0x1  }
0x9f: {  	[sflag:s26] =	ssyncset.done $0x0  }
0xa0: {  	[sflag:s26] =	ssyncadd.s32 $0xFFFFC000  }
0xa1: {  	_ =	sfence.sel $0x180000  }
0xa2: {  	[bflag:$0x0] =	sbarrier.arrive $0xFFFF  }
0xa3: {  	_ =	strace $0x9000004D  }
0xa4: {  	s0 =	stileid.u32;
	[bflag:$0x2] =	sbarrier.arrive $0xFFFF  }
0xa5: {  	p0 =	sne.s32 s0, $0x0;
	s0 =	rddreg [dreg:$0x2]  }
0xa6: {  	s0 =	sadd.s32 @!p0 $0x100000, s0  }
0xa7: {  	[sflag:s0] =	ssyncadd.tile.s32 @!p0 $0x1;
	_ =	shalt  }
.Lfunc_end2:
_tile_overlayer_lowered:
.L_overlay_start_2:
0xa8: {  	(tag) =	ssettag $0x2  }
0xa9: {  	s0 =	rddreg [dreg:$0x0];
	s2 =	stileid.u32  }
0xaa: {  	s1 =	rddreg [dreg:$0x1];
	p0 =	sne.s32 s2, $0x0  }
0xab: {  	s3 =	rddreg [dreg:$0x2];
	[bflag:$0x3] =	sbarrier.arrive $0xFFFF;
	s2 =	simm.s32 @!p0 $0x1C03  }
0xac: {  	[timem:s3], [sflag:s2] =	dma.local @!p0 [hbm:s0], s1  }
0xad: {  	s0 =	simm.s32 @!p0 $0x3  }
0xae: {  	_ =	swait.ge @!p0 [sflag:s0], s1  }
0xaf: {  	s1 =	ssub.s32 @!p0 $0x0, s1;
	[sflag:s0] =	ssyncset.done @!p0 $0x0  }
0xb0: {  	[sflag:s0] =	ssyncadd.s32 @!p0 s1  }
0xb1: {  	[bflag:$0x3] =	sbarrier.arrive $0xFFFF  }
0xb2: {  	_ =	shalt  }

// kernel: kernel.20.cloned.1.call-start
scs
__scs_entry_jumppad:
0x0: {  	(pc) =	sbr.rel $0x88, $3  }
0x1: {  	(tag) =	ssettag $0x0;
	lr =	simm.s32 $0x1  }
0x2: {  	[smem:$0x3F90] =	sst lr;
	_ =	strace $0xD0000000  }
0x3: {  	_ = 	snop  }
0x4: {  	_ = 	snop  }
0x5: {  	_ = 	snop  }
0x6: {  	_ = 	snop  }
0x7: {  	_ = 	snop  }
__scs_overlays_trampoline_lowered:
0x8: {  	[smem:$0x3F9F] =	sst s0  }
0x9: {  	[smem:$0x3FA0] =	sst s1  }
0xa: {  	[smem:$0x3FA1] =	sst s2  }
0xb: {  	[smem:$0x3FA2] =	sst s3  }
0xc: {  	[smem:$0x3FA3] =	sst s4  }
0xd: {  	[smem:$0x3FA4] =	sst s5  }
0xe: {  	[smem:$0x3FA5] =	sst s6  }
0xf: {  	[smem:$0x3FA6] =	sst s7  }
0x10: {  	[smem:$0x3FA7] =	sst s8  }
0x11: {  	[smem:$0x3FA8] =	sst s9;
	s0 =	simm.s32 @!p0 $0x0  }
0x12: {  	s1 =	sld [smem:$0x3F8E];
	s0 =	simm.s32 @p0 $0x1  }
0x13: {  	[smem:$0x3FA9] =	sst s0;
	s0 =	simm.s32 @!p1 $0x0  }
0x14: {  	s2 =	sld [smem:$0x3F8D];
	s0 =	simm.s32 @p1 $0x1  }
0x15: {  	[smem:$0x3FAA] =	sst s0;
	s0 =	simm.s32 @!p2 $0x0  }
0x16: {  	s3 =	sld [smem:$0x3FDB];
	s0 =	simm.s32 @p2 $0x1  }
0x17: {  	s4 =	simm.s32 $0x1BF5;
	[smem:$0x3FAC] =	sst s0  }
0x18: {  	s0 =	sld [smem:$0x3F8F];
	_ =	swait.ge [sflag:s4], $0x0  }
0x19: {  	s7 =	sld [smem:$0x3F90]  }
0x1a: {  	s8 =	sadd.s32 $0xFFFFE003, lr  }
0x1b: {  	s9 =	sadd.s32 $0xFFFFFEF7, lr;
	s5 =	simm.s32 $0xFFFFFFFF;
	p2 =	slt.u32 s8, $0xFFFFF086  }
0x1c: {  	p1 =	slt.u32 s9, $0xF7A;
	s5 =	simm.s32 @!p2 $0x0  }
0x1d: {  	s5 =	simm.s32 @p1 $0x1;
	p0 =	seq.s32 s7, s2  }
0x1e: {  	s7 =	smul.u32 @!p0 $0xF7A, s2;
	p2 =	seq.s32 @!p0 s5, $0x0  }
0x1f: {  	s9 =	smul.u32 $0xF7A, s1;
	s8 =	simm.s32 @!p0 $0x1BF5;
	p2 =	por !p2, p0  }
0x20: {  	[sflag:s8] =	ssyncset.s32 @!p0 $0xFFFFF086;
	s6 =	sadd.s32 @!p0 s3, s7;
	s7 =	simm.s32 @!p0 $0x108  }
0x21: {  	s3 =	sadd.s32 s3, s9;
	s6 =	sadd.s32 @!p0 $0x88, s6;
	s7 =	simm.s32 @p2 $0x1082  }
0x22: {  	[simem:s7], [sflag:s8] =	dma.local @!p0 [hbm:s6], $0xF7A  }
0x23: {  	s9 =	sor.u32 $0xD0000000, s2;
	s6 =	simm.s32 $0x108;
	_ =	swait.ge @!p0 [sflag:s8], $0x0  }
0x24: {  	s3 =	sadd.s32 $0x88, s3;
	s6 =	simm.s32 @!p1 $0x1082;
	[sflag:s4] =	ssyncset.s32 $0xFFFFF086  }
0x25: {  	[simem:s6], [sflag:s4] =	dma.local [hbm:s3], $0xF7A  }
0x26: {  	[smem:$0x3F90] =	sst s1;
	(tag) =	ssettag s2;
	_ =	strace s9  }
0x27: {  	s1 =	sld [smem:$0x3FA0]  }
0x28: {  	s2 =	sld [smem:$0x3FA1]  }
0x29: {  	s4 =	sld [smem:$0x3FA3]  }
0x2a: {  	p0 =	seq.s32 s5, $0x0;
	s5 =	sld [smem:$0x3FA4]  }
0x2b: {  	s6 =	sld [smem:$0x3FA5]  }
0x2c: {  	s7 =	sld [smem:$0x3FA6]  }
0x2d: {  	s3 =	simm.s32 $0x108;
	s8 =	sld [smem:$0x3FA7]  }
0x2e: {  	s3 =	simm.s32 @!p0 $0x1082;
	s9 =	sld [smem:$0x3FA8]  }
0x2f: {  	lr =	sadd.s32 s0, s3;
	s0 =	sld [smem:$0x3F9F]  }
0x30: {  	s3 =	sld [smem:$0x3FA2]  }
0x31: {  	[smem:$0x3FAB] =	sst s10  }
0x32: {  	s10 =	sld [smem:$0x3FA9];
	_ =	sdelay $0x3  }
0x33: {  	p0 =	seq.s32 s10, $0x1;
	s10 =	sld [smem:$0x3FAB];
	_ =	sdelay $0x3  }
0x34: {  	[smem:$0x3FAB] =	sst s10  }
0x35: {  	s10 =	sld [smem:$0x3FAA];
	_ =	sdelay $0x3  }
0x36: {  	p1 =	seq.s32 s10, $0x1;
	s10 =	sld [smem:$0x3FAB];
	_ =	sdelay $0x3  }
0x37: {  	[smem:$0x3FAB] =	sst s10  }
0x38: {  	s10 =	sld [smem:$0x3FAC]  }
0x39: {  	_ = 	snop;
	(pc) =	sbr.ind lr, $3  }
0x3a: {  	_ = 	snop  }
0x3b: {  	_ = 	snop  }
0x3c: {  	p2 =	seq.s32 s10, $0x1;
	s10 =	sld [smem:$0x3FAB]  }
0x3d: {  	_ =	shalt  }
0x3e: {  	_ =	shalt  }
0x3f: {  	_ =	shalt  }
0x40: {  	_ =	shalt  }
0x41: {  	_ =	shalt  }
0x42: {  	_ =	shalt  }
0x43: {  	_ =	shalt  }
0x44: {  	_ =	shalt  }
0x45: {  	_ =	shalt  }
0x46: {  	_ =	shalt  }
0x47: {  	_ =	shalt  }
0x48: {  	_ =	shalt  }
0x49: {  	_ =	shalt  }
0x4a: {  	_ =	shalt  }
0x4b: {  	_ =	shalt  }
0x4c: {  	_ =	shalt  }
0x4d: {  	_ =	shalt  }
0x4e: {  	_ =	shalt  }
0x4f: {  	_ =	shalt  }
0x50: {  	_ =	shalt  }
0x51: {  	_ =	shalt  }
0x52: {  	_ =	shalt  }
0x53: {  	_ =	shalt  }
0x54: {  	_ =	shalt  }
0x55: {  	_ =	shalt  }
0x56: {  	_ =	shalt  }
0x57: {  	_ =	shalt  }
0x58: {  	_ =	shalt  }
0x59: {  	_ =	shalt  }
0x5a: {  	_ =	shalt  }
0x5b: {  	_ =	shalt  }
0x5c: {  	_ =	shalt  }
0x5d: {  	_ =	shalt  }
0x5e: {  	_ =	shalt  }
0x5f: {  	_ =	shalt  }
0x60: {  	_ =	shalt  }
0x61: {  	_ =	shalt  }
0x62: {  	_ =	shalt  }
0x63: {  	_ =	shalt  }
0x64: {  	_ =	shalt  }
0x65: {  	_ =	shalt  }
0x66: {  	_ =	shalt  }
0x67: {  	_ =	shalt  }
0x68: {  	_ =	shalt  }
0x69: {  	_ =	shalt  }
0x6a: {  	_ =	shalt  }
0x6b: {  	_ =	shalt  }
0x6c: {  	_ =	shalt  }
0x6d: {  	_ =	shalt  }
0x6e: {  	_ =	shalt  }
0x6f: {  	_ =	shalt  }
0x70: {  	_ =	shalt  }
0x71: {  	_ =	shalt  }
0x72: {  	_ =	shalt  }
0x73: {  	_ =	shalt  }
0x74: {  	_ =	shalt  }
0x75: {  	_ =	shalt  }
0x76: {  	_ =	shalt  }
0x77: {  	_ =	shalt  }
0x78: {  	_ =	shalt  }
0x79: {  	_ =	shalt  }
0x7a: {  	_ =	shalt  }
0x7b: {  	_ =	shalt  }
0x7c: {  	_ =	shalt  }
0x7d: {  	_ =	shalt  }
0x7e: {  	_ =	shalt  }
0x7f: {  	_ =	shalt  }
0x80: {  	_ =	shalt  }
0x81: {  	_ =	shalt  }
0x82: {  	_ =	shalt  }
0x83: {  	_ =	shalt  }
0x84: {  	_ =	shalt  }
0x85: {  	_ =	shalt  }
0x86: {  	_ =	shalt  }
0x87: {  	_ =	shalt  }
.Lfunc_end0:
.L_simem_size_0:
called_computation.3_lowered:
.L_overlay_start_0:
0x88: {  	s2 =	sld [smem:$0x3FD9]  }
0x89: {  	s3 =	sld [smem:$0x3FFE];
	_ =	sdelay $0x1  }
0x8a: {  	s1 =	srdreg.scid  }
0x8b: {  	s0 =	sand.u32 $0x1, s1  }
0x8c: {  	s16 =	sshll.u32 s0, $0xA;
	s2 =	sadd.s32 s3, s2  }
0x8d: {  	s2 =	sadd.s32 s2, s16  }
0x8e: {  	[smem:$0x3FB7] =	sst s2  }
0x8f: {  	_ = 	snop  }
0x90: {  	(tm) =	ssettm $0x1  }
0x91: {  	s17 =	sld [smem:$0x3FFB];
	_ =	sdelay $0x3  }
0x92: {  	_ =	strace s17  }
0x93: {  	s2 =	sld [smem:$0x3FFC];
	_ =	sdelay $0x3  }
0x94: {  	_ =	strace s2  }
0x95: {  	s2 =	sld [smem:$0x3FFD];
	_ =	sdelay $0x3  }
0x96: {  	_ =	strace s2  }
0x97: {  	_ =	strace $0x8FFFFFFF  }
0x98: {  	s18 =	sld [smem:$0x3FDB];
	_ =	sdelay $0x1  }
0x99: {  	s19 =	simm.s32 $_scs_section_size  }
0x9a: {  	s4 =	simm.s32 $_size__tile_overlayer_lowered;
	s5 =	simm.s32 $_tile_overlayer_lowered  }
0x9b: {  	s22 =	simm.s32 $0x1BFF;
	s21 =	sshll.u32 s5, $0x1;
	s2 =	sadd.s32 s19, s18  }
0x9c: {  	s6 =	simm.s32 $0x0;
	s20 =	sshll.u32 s4, $0x1;
	s4 =	sadd.s32 s21, s2  }
0x9d: {  	[timem:s6], [sflag:s22] =	dma.local [hbm:s4], s20  }
0x9e: {  	_ =	swait.ge [sflag:s22], s20  }
0x9f: {  	s3 =	ssub.s32 $0x0, s20;
	[sflag:s22] =	ssyncset.done $0x0  }
0xa0: {  	[sflag:s22] =	ssyncadd.s32 s3;
	_ =	sdelay $0x1  }
0xa1: {  	s23 =	simm.s32 $0x1B8B  }
0xa2: {  	_ =	swait.ge [sflag:s23], $0x1  }
0xa3: {  	[sflag:s23] =	ssyncset.done $0x0  }
0xa4: {  	s25 =	simm.s32 $0x1B8E;
	s24 =	sld [smem:$0x3FFE];
	[sflag:s23] =	ssyncadd.s32 $0xFFFFFFFF  }
0xa5: {  	s26 =	simm.s32 $execute0_lowered;
	[smem:$0x3FD2] =	sst s25  }
0xa6: {  	s4 =	sshll.u32 s26, $0x1;
	_ =	strace $0x8000004F;
	[dreg:$0x1] =	wrdreg $0xFFFFFFFF  }
0xa7: {  	s28 =	simm.s32 $_size_execute0_lowered;
	s2 =	sadd.s32 s2, s4;
	[dreg:$0x0] =	wrdreg $0x0  }
0xa8: {  	s4 =	sshll.u32 s28, $0x1;
	[dreg:$0x2] =	wrdreg s2  }
0xa9: {  	[dreg:$0x3] =	wrdreg s4  }
0xaa: {  	[dreg:$0x4] =	wrdreg $0xC0  }
0xab: {  	_ =	task [dreg:s6], $0x5FFFF  }
0xac: {  	[dreg:$0x1] =	wrdreg $0xFFFFFFFF  }
0xad: {  	[dreg:$0x0] =	wrdreg $0x60  }
0xae: {  	[dreg:$0x2] =	wrdreg s24  }
0xaf: {  	[dreg:$0x3] =	wrdreg $0x0  }
0xb0: {  	[dreg:$0x4] =	wrdreg $0x9  }
0xb1: {  	_ =	task.clear_ibuf [dreg:s6], $0x5FFFF;
	_ =	strace $0x9000004F  }
0xb2: {  	s29 =	simm.s32 $0x9;
	_ =	strace $0x80000051  }
0xb3: {  	_ =	swait.ge [sflag:s29], $0x1  }
0xb4: {  	[sflag:s29] =	ssyncadd.s32 $0xFFFFFFFF  }
0xb5: {  	_ =	strace $0x90000051  }
0xb6: {  	_ =	sfence  }
0xb7: {  	s30 =	sld [smem:$0x0];
	_ =	sdelay $0x2  }
0xb8: {  	s31 =	sshll.u32 s1, $0xD;
	s1 =	sshrl.u32 s1, $0x2  }
0xb9: {  	s3 =	sand.u32 $0x4000, s31;
	s1 =	sadd.s32 s1, s30  }
0xba: {  	s0 =	sor.u32 s3, s0;
	s1 =	sshll.u32 s1, $0x11  }
0xbb: {  	s0 =	sor.u32 s1, s0  }
0xbc: {  	s0 =	sadd.s32 $0x8F2B, s0  }
0xbd: {  	[sflag:s0] =	ssyncadd.remote.s32 $0x1  }
0xbe: {  	_ =	sfence.sel $0xFFFF  }
0xbf: {  	[dreg:$0x0] =	wrdreg $0xFFFFFFFF;
	(pc) =	sbr.abs _section_cstart, $3  }
0xc0: {  	[dreg:$0x1] =	wrdreg $0xFFFFFFFF  }
0xc1: {  	_ =	task.clear_ibuf [dreg:s6], $0x2FFFF;
	_ =	strace $0x9FFFFFFF  }
0xc2: {  	(tm) =	ssettm $0x7FFFFFFF  }
0xc3: {  	_ =	shalt  }
tec
execute0_lowered:
.L_overlay_start_1:
0x0: {  	(tag) =	ssettag $0x1  }
0x1: {  	s0 =	rddreg [dreg:$0x0]  }
0x2: {  	s1 =	rddreg [dreg:$0x1]  }
0x3: {  	s2 =	simm.s32 $0x0;
	s3 =	srdreg.scid;
	s11 =	stileid.u32  }
0x4: {  	s28 =	simm.s32 $0x1C000;
	s29 =	simm.s32 $0x80;
	s30 =	simm.s32 $0x1C100  }
0x5: {  	s31 =	simm.s32 $0x1;
	[smem:$0x7FF] =	sst s2;
	s4 =	sadd.s32 $0x18200, s0  }
0x6: {  	s5 =	sadd.s32 $0x3E00, s0;
	s3 =	sand.u32 $0x1, s3;
	s8 =	smul.u32 $0x50000, s11  }
0x7: {  	s6 =	sshll.u32 s11, $0x1;
	s9 =	sadd.s32 $0x40200, s0;
	s12 =	smul.u32 $0x14000, s11  }
0x8: {  	s0 =	sadd.s32 $0x40A00, s0;
	s11 =	smul.u32 $0xA200, s11;
	_ =	strace $0x80000050  }
0x9: {  	s7 =	ssub.s32 $0x2, s3;
	s6 =	sor.u32 s3, s6;
	s10 =	smul.u32 $0x140000, s3  }
0xa: {  	[dreg:$0x3] =	wrdreg s9;
	s3 =	smul.u32 $0x5100, s3;
	s26 =	sshrl.u32 s7, $0x1  }
0xb: {  	s6 =	smul.u32 $0x5100, s6;
	s8 =	sshrl.u32 s8, $0x2;
	s18 =	sadd.s32 $0x4000, s12  }
0xc: {  	s20 =	sadd.s32 $0x8000, s12;
	s22 =	sadd.s32 $0xC000, s12;
	s9 =	ssub.s32 s7, s26  }
0xd: {  	s7 =	sadd.s32 s8, s1;
	s16 =	sadd.s32 s10, s12;
	s19 =	sadd.s32 s10, s18  }
0xe: {  	s21 =	sadd.s32 s10, s20;
	s23 =	sadd.s32 s10, s22;
	s8 =	sadd.s32 $0x10000, s12  }
0xf: {  	s3 =	sadd.s32 s3, s11;
	s6 =	sshrl.u32 s6, $0x3;
	s13 =	smax.u32 s9, $0x1  }
0x10: {  	s14 =	sadd.s32 $0x4000, s7;
	s15 =	sadd.s32 $0x8000, s7;
	s17 =	sadd.s32 $0xC000, s7  }
0x11: {  	s24 =	sadd.s32 s10, s8;
	s25 =	sadd.s32 $0x100, s3;
	[dreg:$0x5] =	wrdreg s13  }
0x12: {  	s11 =	sadd.s32 $0x200, s3;
	s3 =	simm.s32 $0x1C080;
	[dreg:$0x6] =	wrdreg s14  }
0x13: {  	s9 =	simm.s32 $0x0;
	s6 =	sadd.s32 s5, s6;
	[dreg:$0x7] =	wrdreg s15  }
0x14: {  	[dreg:$0x8] =	wrdreg s17;
	s13 =	sadd.s32 $0x10000, s7;
	s15 =	sadd.s32 s18, s1  }
0x15: {  	s17 =	sadd.s32 s20, s1;
	[dreg:$0x4] =	wrdreg s6;
	s6 =	sshrl.u32 s16, $0x3  }
0x16: {  	s26 =	sshrl.u32 s25, $0x3;
	s14 =	sadd.s32 s0, s6;
	s6 =	sshrl.u32 s19, $0x3  }
0x17: {  	s25 =	simm.s32 $0x14000;
	s16 =	sadd.s32 s0, s6;
	s6 =	sshrl.u32 s21, $0x3  }
0x18: {  	s19 =	sadd.s32 s22, s1;
	s18 =	sadd.s32 s0, s6;
	s6 =	sshrl.u32 s23, $0x3  }
0x19: {  	s21 =	sadd.s32 s8, s1;
	s8 =	simm.s32 $0x1C180;
	s20 =	sadd.s32 s0, s6  }
0x1a: {  	s6 =	sshrl.u32 s24, $0x3;
	s24 =	sadd.s32 s26, s5;
	s26 =	simm.s32 $0x3  }
0x1b: {  	s22 =	sadd.s32 s0, s6;
	s0 =	simm.s32 $0x18000;
	s6 =	simm.s32 $0x2  }
.LBB2_1:
0x1c: {  	s10 =	rddreg [dreg:$0x3]  }
0x1d: {  	[tilespmem:s25], [sflag:$0x3] =	stream.linear.gather [hbm4b:s10+s2], $0x4000, $0x38;
	[tilespmem:$0x1C200] =	vst v63  }
0x1e: {  	_ =	swait.ge [sflag:s26], $0x4000  }
0x1f: {  	[sflag:s26] =	ssyncset.done $0x0  }
0x20: {  	[sflag:s26] =	ssyncadd.s32 $0xFFFFC000  }
0x21: {  	[spmem:s7] =	stream.linear.scatter [tilespmem:s25], [sflag:$0x3], $0x4000, $0x38;
	[tilespmem:$0x1C200] =	vst v63  }
0x22: {  	_ =	swait.ge [sflag:s26], $0x4000  }
0x23: {  	[sflag:s26] =	ssyncset.done $0x0  }
0x24: {  	s12 =	rddreg [dreg:$0x6];
	[sflag:s26] =	ssyncadd.s32 $0xFFFFC000  }
0x25: {  	[spmem:s12] =	stream.linear.scatter [tilespmem:s25], [sflag:$0x3], $0x4000, $0x38;
	[tilespmem:$0x1C200] =	vst v63  }
0x26: {  	_ =	swait.ge [sflag:s26], $0x4000  }
0x27: {  	[sflag:s26] =	ssyncset.done $0x0  }
0x28: {  	s23 =	rddreg [dreg:$0x7];
	[sflag:s26] =	ssyncadd.s32 $0xFFFFC000  }
0x29: {  	[spmem:s23] =	stream.linear.scatter [tilespmem:s25], [sflag:$0x3], $0x4000, $0x38;
	[tilespmem:$0x1C200] =	vst v63  }
0x2a: {  	_ =	swait.ge [sflag:s26], $0x4000  }
0x2b: {  	[sflag:s26] =	ssyncset.done $0x0  }
0x2c: {  	s12 =	rddreg [dreg:$0x8];
	[sflag:s26] =	ssyncadd.s32 $0xFFFFC000  }
0x2d: {  	[spmem:s12] =	stream.linear.scatter [tilespmem:s25], [sflag:$0x3], $0x4000, $0x38;
	[tilespmem:$0x1C200] =	vst v63  }
0x2e: {  	_ =	swait.ge [sflag:s26], $0x4000  }
0x2f: {  	[sflag:s26] =	ssyncset.done $0x0  }
0x30: {  	[sflag:s26] =	ssyncadd.s32 $0xFFFFC000  }
0x31: {  	[spmem:s13] =	stream.linear.scatter [tilespmem:s25], [sflag:$0x3], $0x4000, $0x38;
	[tilespmem:$0x1C200] =	vst v63  }
0x32: {  	_ =	swait.ge [sflag:s26], $0x4000  }
0x33: {  	[sflag:s26] =	ssyncset.done $0x0  }
0x34: {  	s23 =	rddreg [dreg:$0x4];
	[sflag:s26] =	ssyncadd.s32 $0xFFFFC000  }
0x35: {  	[tilespmem:s28], [sflag:$0x3] =	stream.linear.gather [hbm4b:s23+s2], $0x100, $0x38;
	[tilespmem:$0x1C200] =	vst v63  }
0x36: {  	_ =	swait.ge [sflag:s26], $0x100  }
0x37: {  	[sflag:s26] =	ssyncset.done $0x0  }
0x38: {  	[sflag:s26] =	ssyncadd.s32 $0xFFFFFF00  }
0x39: {  	[tilespmem:s25], [sflag:$0x1] =	stream.indirect.gather [hbm4b:s4+s29], $0x80, s28, s29, $0xb8;
	[tilespmem:$0x1C200] =	vst v63  }
0x3a: {  	s12 =	sadd.s32 $0x0, s24;
	[bflag:$0x0] =	sbarrier.arrive $0xFFFF  }
0x3b: {  	[tilespmem:s30], [sflag:$0x3] =	stream.linear.gather [hbm4b:s12+s2], $0x100, $0x38;
	[tilespmem:$0x1C200] =	vst v63  }
0x3c: {  	_ =	swait.ge [sflag:s26], $0x100  }
0x3d: {  	[sflag:s26] =	ssyncset.done $0x0  }
0x3e: {  	[sflag:s26] =	ssyncadd.s32 $0xFFFFFF00  }
0x3f: {  	_ =	swait.ge [sflag:s31], $0x4000  }
0x40: {  	[sflag:s31] =	ssyncset.done $0x0  }
0x41: {  	[sflag:s31] =	ssyncadd.s32 $0xFFFFC000  }
0x42: {  	[tilespmem:s0], [sflag:$0x2] =	stream.indirect.gather [hbm4b:s4+s29], $0x80, s30, s29, $0xb8;
	[tilespmem:$0x1C200] =	vst v63  }
0x43: {  	_ = 	snop  }
0x44: {  	[spmem:s1] =	stream.indirect.scatter.add.f32 [tilespmem:s25], [sflag:$0x3], $0x80, s3, s29, $0xb8;
	[tilespmem:$0x1C200] =	vst v63  }
0x45: {  	_ =	swait.ge [sflag:s26], $0x4000  }
0x46: {  	s23 =	sshrl.u32 s11, $0x3;
	[sflag:s26] =	ssyncset.done $0x0  }
0x47: {  	s10 =	sadd.s32 s5, s23;
	[sflag:s26] =	ssyncadd.s32 $0xFFFFC000  }
0x48: {  	[tilespmem:s28], [sflag:$0x3] =	stream.linear.gather [hbm4b:s10+s2], $0x100, $0x38;
	[tilespmem:$0x1C200] =	vst v63  }
0x49: {  	_ =	swait.ge [sflag:s26], $0x100  }
0x4a: {  	[sflag:s26] =	ssyncset.done $0x0  }
0x4b: {  	[sflag:s26] =	ssyncadd.s32 $0xFFFFFF00  }
0x4c: {  	_ =	swait.ge [sflag:s6], $0x4000  }
0x4d: {  	[sflag:s6] =	ssyncset.done $0x0  }
0x4e: {  	[sflag:s6] =	ssyncadd.s32 $0xFFFFC000  }
0x4f: {  	[tilespmem:s25], [sflag:$0x1] =	stream.indirect.gather [hbm4b:s4+s29], $0x80, s28, s29, $0xb8;
	[tilespmem:$0x1C200] =	vst v63  }
0x50: {  	_ = 	snop  }
0x51: {  	[spmem:s1] =	stream.indirect.scatter.add.f32 [tilespmem:s0], [sflag:$0x3], $0x80, s8, s29, $0xb8;
	[tilespmem:$0x1C200] =	vst v63  }
0x52: {  	_ =	swait.ge [sflag:s26], $0x4000  }
0x53: {  	s23 =	smov.u32 s11;
	s10 =	simm.s32 $0x40;
	[sflag:s26] =	ssyncset.done $0x0  }
.LBB2_2:
0x54: {  	p0 =	sne.s32 s10, $0x9C0;
	[sflag:s26] =	ssyncadd.s32 $0xFFFFC000;
	s23 =	sadd.s32 $0x200, s23  }
0x55: {  	s12 =	sadd.s32 s10, s24;
	s10 =	sadd.s32 $0x40, s10  }
0x56: {  	[tilespmem:s30], [sflag:$0x3] =	stream.linear.gather [hbm4b:s12+s2], $0x100, $0x38;
	[tilespmem:$0x1C200] =	vst v63  }
0x57: {  	_ =	swait.ge [sflag:s26], $0x100  }
0x58: {  	[sflag:s26] =	ssyncset.done $0x0  }
0x59: {  	[sflag:s26] =	ssyncadd.s32 $0xFFFFFF00  }
0x5a: {  	_ =	swait.ge [sflag:s31], $0x4000  }
0x5b: {  	[sflag:s31] =	ssyncset.done $0x0  }
0x5c: {  	[sflag:s31] =	ssyncadd.s32 $0xFFFFC000  }
0x5d: {  	[tilespmem:s0], [sflag:$0x2] =	stream.indirect.gather [hbm4b:s4+s29], $0x80, s30, s29, $0xb8;
	[tilespmem:$0x1C200] =	vst v63  }
0x5e: {  	_ = 	snop  }
0x5f: {  	[spmem:s1] =	stream.indirect.scatter.add.f32 [tilespmem:s25], [sflag:$0x3], $0x80, s3, s29, $0xb8;
	[tilespmem:$0x1C200] =	vst v63  }
0x60: {  	_ =	swait.ge [sflag:s26], $0x4000  }
0x61: {  	s12 =	sshrl.u32 s23, $0x3;
	[sflag:s26] =	ssyncset.done $0x0  }
0x62: {  	s12 =	sadd.s32 s5, s12;
	[sflag:s26] =	ssyncadd.s32 $0xFFFFC000  }
0x63: {  	[tilespmem:s28], [sflag:$0x3] =	stream.linear.gather [hbm4b:s12+s2], $0x100, $0x38;
	[tilespmem:$0x1C200] =	vst v63  }
0x64: {  	_ =	swait.ge [sflag:s26], $0x100  }
0x65: {  	[sflag:s26] =	ssyncset.done $0x0  }
0x66: {  	[sflag:s26] =	ssyncadd.s32 $0xFFFFFF00  }
0x67: {  	_ =	swait.ge [sflag:s6], $0x4000  }
0x68: {  	[sflag:s6] =	ssyncset.done $0x0  }
0x69: {  	[sflag:s6] =	ssyncadd.s32 $0xFFFFC000  }
0x6a: {  	[tilespmem:s25], [sflag:$0x1] =	stream.indirect.gather [hbm4b:s4+s29], $0x80, s28, s29, $0xb8;
	[tilespmem:$0x1C200] =	vst v63  }
.Ltmp0:
0x6b: {  	_ = 	snop;
	(pc) =	sbr.rel @p0 .LBB2_2-.Ltmp0, $4  }
0x6c: {  	_ = 	snop  }
0x6d: {  	[spmem:s1] =	stream.indirect.scatter.add.f32 [tilespmem:s0], [sflag:$0x3], $0x80, s8, s29, $0xb8;
	[tilespmem:$0x1C200] =	vst v63  }
0x6e: {  	_ =	swait.ge [sflag:s26], $0x4000  }
0x6f: {  	[sflag:s26] =	ssyncset.done $0x0  }
0x70: {  	[sflag:s26] =	ssyncadd.s32 $0xFFFFC000  }
0x71: {  	_ =	swait.ge [sflag:s31], $0x4000  }
0x72: {  	[sflag:s31] =	ssyncset.done $0x0  }
0x73: {  	[sflag:s31] =	ssyncadd.s32 $0xFFFFC000  }
0x74: {  	[bflag:$0x0] =	sbarrier.arrive $0xFFFF  }
0x75: {  	[tilespmem:s25], [sflag:$0x3] =	stream.linear.gather [spmem:s7], $0x4000, $0x38;
	[tilespmem:$0x1C200] =	vst v63  }
0x76: {  	_ =	swait.ge [sflag:s26], $0x4000  }
0x77: {  	[sflag:s26] =	ssyncset.done $0x0  }
0x78: {  	[sflag:s26] =	ssyncadd.s32 $0xFFFFC000  }
0x79: {  	[hbm4b:s14+s2] =	stream.linear.scatter [tilespmem:s25], [sflag:$0x3], $0x4000, $0x38;
	[tilespmem:$0x1C200] =	vst v63  }
0x7a: {  	_ =	swait.ge [sflag:s26], $0x4000  }
0x7b: {  	[sflag:s26] =	ssyncset.done $0x0  }
0x7c: {  	[sflag:s26] =	ssyncadd.s32 $0xFFFFC000  }
0x7d: {  	[tilespmem:s25], [sflag:$0x3] =	stream.linear.gather [spmem:s15], $0x4000, $0x38;
	[tilespmem:$0x1C200] =	vst v63  }
0x7e: {  	_ =	swait.ge [sflag:s26], $0x4000  }
0x7f: {  	[sflag:s26] =	ssyncset.done $0x0  }
0x80: {  	[sflag:s26] =	ssyncadd.s32 $0xFFFFC000  }
0x81: {  	[hbm4b:s16+s2] =	stream.linear.scatter [tilespmem:s25], [sflag:$0x3], $0x4000, $0x38;
	[tilespmem:$0x1C200] =	vst v63  }
0x82: {  	_ =	swait.ge [sflag:s26], $0x4000  }
0x83: {  	[sflag:s26] =	ssyncset.done $0x0  }
0x84: {  	[sflag:s26] =	ssyncadd.s32 $0xFFFFC000  }
0x85: {  	[tilespmem:s25], [sflag:$0x3] =	stream.linear.gather [spmem:s17], $0x4000, $0x38;
	[tilespmem:$0x1C200] =	vst v63  }
0x86: {  	_ =	swait.ge [sflag:s26], $0x4000  }
0x87: {  	[sflag:s26] =	ssyncset.done $0x0  }
0x88: {  	[sflag:s26] =	ssyncadd.s32 $0xFFFFC000  }
0x89: {  	[hbm4b:s18+s2] =	stream.linear.scatter [tilespmem:s25], [sflag:$0x3], $0x4000, $0x38;
	[tilespmem:$0x1C200] =	vst v63  }
0x8a: {  	_ =	swait.ge [sflag:s26], $0x4000  }
0x8b: {  	[sflag:s26] =	ssyncset.done $0x0  }
0x8c: {  	[sflag:s26] =	ssyncadd.s32 $0xFFFFC000  }
0x8d: {  	[tilespmem:s25], [sflag:$0x3] =	stream.linear.gather [spmem:s19], $0x4000, $0x38;
	[tilespmem:$0x1C200] =	vst v63  }
0x8e: {  	_ =	swait.ge [sflag:s26], $0x4000  }
0x8f: {  	[sflag:s26] =	ssyncset.done $0x0  }
0x90: {  	[sflag:s26] =	ssyncadd.s32 $0xFFFFC000  }
0x91: {  	[hbm4b:s20+s2] =	stream.linear.scatter [tilespmem:s25], [sflag:$0x3], $0x4000, $0x38;
	[tilespmem:$0x1C200] =	vst v63  }
0x92: {  	_ =	swait.ge [sflag:s26], $0x4000  }
0x93: {  	[sflag:s26] =	ssyncset.done $0x0  }
0x94: {  	[sflag:s26] =	ssyncadd.s32 $0xFFFFC000  }
0x95: {  	[tilespmem:s25], [sflag:$0x3] =	stream.linear.gather [spmem:s21], $0x4000, $0x38;
	[tilespmem:$0x1C200] =	vst v63  }
0x96: {  	_ =	swait.ge [sflag:s26], $0x4000  }
0x97: {  	[sflag:s26] =	ssyncset.done $0x0  }
0x98: {  	[sflag:s26] =	ssyncadd.s32 $0xFFFFC000  }
0x99: {  	[hbm4b:s22+s2] =	stream.linear.scatter [tilespmem:s25], [sflag:$0x3], $0x4000, $0x38;
	[tilespmem:$0x1C200] =	vst v63  }
0x9a: {  	_ =	swait.ge [sflag:s26], $0x4000  }
0x9b: {  	s9 =	sadd.s32 $0x1, s9;
	s10 =	rddreg [dreg:$0x5]  }
0x9c: {  	p0 =	sne.s32 s9, s10  }
.Ltmp1:
0x9d: {  	_ = 	snop;
	(pc) =	sbr.rel @p0 .LBB2_1-.Ltmp1, $3  }
0x9e: {  	_ =	sdelay $0x1  }
0x9f: {  	[sflag:s26] =	ssyncset.done $0x0  }
0xa0: {  	[sflag:s26] =	ssyncadd.s32 $0xFFFFC000  }
0xa1: {  	_ =	sfence.sel $0x180000  }
0xa2: {  	[bflag:$0x0] =	sbarrier.arrive $0xFFFF  }
0xa3: {  	_ =	strace $0x90000050  }
0xa4: {  	s0 =	stileid.u32;
	[bflag:$0x2] =	sbarrier.arrive $0xFFFF  }
0xa5: {  	p0 =	sne.s32 s0, $0x0;
	s0 =	rddreg [dreg:$0x2]  }
0xa6: {  	s0 =	sadd.s32 @!p0 $0x100000, s0  }
0xa7: {  	[sflag:s0] =	ssyncadd.tile.s32 @!p0 $0x1;
	_ =	shalt  }
.Lfunc_end2:
_tile_overlayer_lowered:
.L_overlay_start_2:
0xa8: {  	(tag) =	ssettag $0x2  }
0xa9: {  	s0 =	rddreg [dreg:$0x0];
	s2 =	stileid.u32  }
0xaa: {  	s1 =	rddreg [dreg:$0x1];
	p0 =	sne.s32 s2, $0x0  }
0xab: {  	s3 =	rddreg [dreg:$0x2];
	[bflag:$0x3] =	sbarrier.arrive $0xFFFF;
	s2 =	simm.s32 @!p0 $0x1C03  }
0xac: {  	[timem:s3], [sflag:s2] =	dma.local @!p0 [hbm:s0], s1  }
0xad: {  	s0 =	simm.s32 @!p0 $0x3  }
0xae: {  	_ =	swait.ge @!p0 [sflag:s0], s1  }
0xaf: {  	s1 =	ssub.s32 @!p0 $0x0, s1;
	[sflag:s0] =	ssyncset.done @!p0 $0x0  }
0xb0: {  	[sflag:s0] =	ssyncadd.s32 @!p0 s1  }
0xb1: {  	[bflag:$0x3] =	sbarrier.arrive $0xFFFF  }
0xb2: {  	_ =	shalt  }

</sc_bundles>
